<compile_context>
chip_gen: v7x
topology: tpu7x:2x2x1
jax: 0.10.2.dev20260603
libtpu: 0.0.44.dev20260713+nightly
codegen_flags: <defaults>
</compile_context>

<pallas_src>
import functools

import jax
import jax.numpy as jnp
from jax import lax
from jax.experimental import pallas as pl
from jax.experimental.pallas import tpu as pltpu
from jax.experimental.pallas import tpu_sc as plsc

N = 10000
D = 128
E = 320000
EPS = 1e-5

NC = 2
NS = 16
NW = NC * NS

CHUNK = 128
CH = 80
EPT = CH * CHUNK
E_PAD = NW * EPT
NPAD = 10240
RPS = NPAD // NS
ZB = RPS // CHUNK
NBUF = 2
HALF = CH // 2
NGRP = HALF // NBUF
NGRP_DEG = CH // NBUF

_mesh = plsc.VectorSubcoreMesh(core_axis_name="c", subcore_axis_name="s")



@functools.partial(
    pl.kernel,
    out_type=jax.ShapeDtypeStruct((NC * NPAD, 16), jnp.float32),
    mesh=_mesh,
    scratch_types=[
        pltpu.VMEM((CH, CHUNK), jnp.int32),
        pltpu.VMEM((CHUNK, 16), jnp.float32),
        pltpu.VMEM_SHARED((NPAD, 16), jnp.float32),
    ] + [pltpu.SemaphoreType.DMA] * NBUF,
)
def _deg_kernel(cols_hbm, const_hbm, out_hbm, cidx_v, ones_v, acc, *sems):
    cid = lax.axis_index("c")
    sid = lax.axis_index("s")
    wid = cid * NS + sid
    base = sid * RPS
    for k in range(ZB):
        pltpu.sync_copy(const_hbm.at[pl.ds(CHUNK, CHUNK)],
                        acc.at[pl.ds(base + k * CHUNK, CHUNK)])
    pltpu.sync_copy(const_hbm.at[pl.ds(0, CHUNK)], ones_v)
    pltpu.sync_copy(cols_hbm.at[pl.ds(wid * CH, CH)], cidx_v)
    plsc.subcore_barrier()

    def fire(j, b):
        pltpu.async_copy(ones_v, acc.at[cidx_v.at[j]], sems[b], add=True)

    def drain(j, b):
        pltpu.make_async_copy(ones_v, acc.at[cidx_v.at[j]], sems[b]).wait()

    for b in range(NBUF):
        fire(b, b)

    def group(g, carry):
        for b in range(NBUF):
            j = g * NBUF + b
            drain(j, b)
            fire(j + NBUF, b)
        return carry

    lax.fori_loop(0, NGRP_DEG - 1, group, 0)
    for b in range(NBUF):
        drain((NGRP_DEG - 1) * NBUF + b, b)
    plsc.subcore_barrier()
    for k in range(ZB):
        rb = base + k * CHUNK
        pltpu.sync_copy(acc.at[pl.ds(rb, CHUNK)],
                        out_hbm.at[pl.ds(cid * NPAD + rb, CHUNK)])


@functools.partial(
    pl.kernel,
    out_type=jax.ShapeDtypeStruct((NC * NPAD, D), jnp.float32),
    mesh=_mesh,
    scratch_types=[
        pltpu.VMEM((HALF, 2, CHUNK), jnp.int32),
        pltpu.VMEM_SHARED((NPAD, D), jnp.float32),
    ] + [pltpu.VMEM((CHUNK, D), jnp.float32)] * NBUF
      + [pltpu.SemaphoreType.DMA] * (2 * NBUF),
)
def _spmm_kernel(h_hbm, eidx_hbm, out_hbm, idx_v, acc, *bufs_sems):
    bufs = bufs_sems[:NBUF]
    gsem = bufs_sems[NBUF:2 * NBUF]
    ssem = bufs_sems[2 * NBUF:]
    cid = lax.axis_index("c")
    sid = lax.axis_index("s")
    wid = cid * NS + sid
    base = sid * RPS
    for k in range(ZB):
        pltpu.sync_copy(h_hbm.at[pl.ds(N + 112, CHUNK)],
                        acc.at[pl.ds(base + k * CHUNK, CHUNK)])

    def fire_gather(j, b):
        pltpu.async_copy(h_hbm.at[idx_v.at[j, 0]], bufs[b], gsem[b])

    def wait_gather(j, b):
        pltpu.make_async_copy(h_hbm.at[idx_v.at[j, 0]], bufs[b],
                              gsem[b]).wait()

    def fire_scatter(j, b):
        pltpu.async_copy(bufs[b], acc.at[idx_v.at[j, 1]], ssem[b], add=True)

    def wait_scatter(j, b):
        pltpu.make_async_copy(bufs[b], acc.at[idx_v.at[j, 1]],
                              ssem[b]).wait()

    for half in range(2):
        pltpu.sync_copy(eidx_hbm.at[pl.ds(wid * CH + half * HALF, HALF)],
                        idx_v)
        if half == 0:
            plsc.subcore_barrier()

        for b in range(NBUF):
            fire_gather(b, b)
        for b in range(NBUF):
            wait_gather(b, b)
        for b in range(NBUF):
            fire_scatter(b, b)

        def group(g, carry):
            for b in range(NBUF):
                j = g * NBUF + b
                wait_scatter(j, b)
                fire_scatter(j + NBUF, b)
            return carry

        lax.fori_loop(0, NGRP - 1, group, 0)
        for b in range(NBUF):
            j = (NGRP - 1) * NBUF + b
            wait_scatter(j, b)
    plsc.subcore_barrier()
    for k in range(ZB):
        rb = base + k * CHUNK
        pltpu.sync_copy(acc.at[pl.ds(rb, CHUNK)],
                        out_hbm.at[pl.ds(cid * NPAD + rb, CHUNK)])



def _dis_from_degp(degp):
    d0 = degp[pl.ds(0, N), :]
    d1 = degp[pl.ds(NPAD, N), :]
    deg = d0 + d1 + 1.0
    return lax.rsqrt(deg)[:, 0:1]


def _tc1_body(x_ref, w1_ref, degp_ref, out_ref):
    dis = _dis_from_degp(degp_ref)
    h = jnp.dot(x_ref[...], w1_ref[...], preferred_element_type=jnp.float32)
    out_ref[pl.ds(0, N), :] = h * dis
    out_ref[pl.ds(N, NPAD - N), :] = jnp.zeros((NPAD - N, D), jnp.float32)


def _graph_norm_relu(t, w, b, ms):
    mean = jnp.sum(t, axis=0, keepdims=True) * (1.0 / N)
    c = t - mean * ms
    var = jnp.sum(c * c, axis=0, keepdims=True) * (1.0 / N)
    return jnp.maximum(w * c * lax.rsqrt(var + EPS) + b, 0.0)


def _tc_mid_body(s_ref, hp_ref, degp_ref, gnw_ref, gnb_ref, gnms_ref,
                 b1_ref, w2_ref, out_ref):
    dis = _dis_from_degp(degp_ref)
    hp = hp_ref[pl.ds(0, N), :]
    t = (s_ref[pl.ds(0, N), :] + s_ref[pl.ds(NPAD, N), :] + hp) * dis
    t = t + b1_ref[...]
    g = _graph_norm_relu(t, gnw_ref[...], gnb_ref[...], gnms_ref[...])
    h2 = jnp.dot(g, w2_ref[...], preferred_element_type=jnp.float32)
    out_ref[pl.ds(0, N), :] = h2 * dis
    out_ref[pl.ds(N, NPAD - N), :] = jnp.zeros((NPAD - N, D), jnp.float32)


def _tc_final_body(s_ref, hp_ref, degp_ref, gnw_ref, gnb_ref, gnms_ref,
                   b2_ref, out_ref):
    dis = _dis_from_degp(degp_ref)
    hp = hp_ref[pl.ds(0, N), :]
    t = (s_ref[pl.ds(0, N), :] + s_ref[pl.ds(NPAD, N), :] + hp) * dis
    t = t + b2_ref[...]
    out_ref[...] = _graph_norm_relu(t, gnw_ref[...], gnb_ref[...],
                                    gnms_ref[...])


_tc1 = pl.pallas_call(
    _tc1_body, out_shape=jax.ShapeDtypeStruct((NPAD, D), jnp.float32))
_tc_mid = pl.pallas_call(
    _tc_mid_body, out_shape=jax.ShapeDtypeStruct((NPAD, D), jnp.float32))
_tc_final = pl.pallas_call(
    _tc_final_body, out_shape=jax.ShapeDtypeStruct((N, D), jnp.float32))



def kernel(x, edge_index, W1, b1, gn1_weight, gn1_bias, gn1_mean_scale,
           W2, b2, gn2_weight, gn2_bias, gn2_mean_scale):
    pad = N + jnp.arange(E_PAD - E, dtype=jnp.int32) % (NPAD - N)
    rows_p = jnp.concatenate([edge_index[0], pad]).reshape(E_PAD // CHUNK,
                                                           CHUNK)
    cols_p = jnp.concatenate([edge_index[1], pad]).reshape(E_PAD // CHUNK,
                                                           CHUNK)
    eidx = jnp.stack([rows_p, cols_p], axis=1)
    const = jnp.concatenate([jnp.ones((CHUNK, 16), jnp.float32),
                             jnp.zeros((CHUNK, 16), jnp.float32)])

    degp = _deg_kernel(cols_p, const)
    hp1 = _tc1(x, W1, degp)
    s1 = _spmm_kernel(hp1, eidx)
    hp2 = _tc_mid(s1, hp1, degp, gn1_weight.reshape(1, D),
                  gn1_bias.reshape(1, D), gn1_mean_scale.reshape(1, D),
                  b1.reshape(1, D), W2)
    s2 = _spmm_kernel(hp2, eidx)
    out = _tc_final(s2, hp2, degp, gn2_weight.reshape(1, D),
                    gn2_bias.reshape(1, D), gn2_mean_scale.reshape(1, D),
                    b2.reshape(1, D))
    return out

# --- scband reference (transcript-rebuilt; emitter-appended) ---
"""Pipeline reference for scband-gnn-63153199120474 (READ-ONLY COPY).

The authoritative reference and input builder live on the scoring server;
editing this copy changes nothing except your own understanding.
"""

import jax, jax.numpy as jnp
import numpy as np

N = 10000
E = 320000
D_IN = 128
D_HID = 128
D_OUT = 128
EPS = 1e-5


def setup_inputs(seed: int = 0) -> dict:
    key = jax.random.key(seed)
    ks = jax.random.split(key, 12)
    x = jax.random.normal(ks[0], (N, D_IN), dtype=jnp.float32)
    edge_index = jax.random.randint(ks[1], (2, E), 0, N, dtype=jnp.int32)
    s1 = 1.0 / np.sqrt(D_IN)
    s2 = 1.0 / np.sqrt(D_HID)
    W1 = jax.random.uniform(ks[2], (D_IN, D_HID), jnp.float32, -s1, s1)
    b1 = jnp.zeros((D_HID,), jnp.float32)
    gn1_weight = jnp.ones((D_HID,), jnp.float32)
    gn1_bias = jnp.zeros((D_HID,), jnp.float32)
    gn1_mean_scale = jnp.ones((D_HID,), jnp.float32)
    W2 = jax.random.uniform(ks[3], (D_HID, D_OUT), jnp.float32, -s2, s2)
    b2 = jnp.zeros((D_OUT,), jnp.float32)
    gn2_weight = jnp.ones((D_OUT,), jnp.float32)
    gn2_bias = jnp.zeros((D_OUT,), jnp.float32)
    gn2_mean_scale = jnp.ones((D_OUT,), jnp.float32)
    return {"x": x, "edge_index": edge_index, "W1": W1, "b1": b1,
            "gn1_weight": gn1_weight, "gn1_bias": gn1_bias, "gn1_mean_scale": gn1_mean_scale,
            "W2": W2, "b2": b2,
            "gn2_weight": gn2_weight, "gn2_bias": gn2_bias, "gn2_mean_scale": gn2_mean_scale}


def _gcn_conv(x, edge_index, W, b):
    n = x.shape[0]
    loop = jnp.arange(n, dtype=edge_index.dtype)
    ei = jnp.concatenate([edge_index, jnp.stack([loop, loop])], axis=1)
    row, col = ei[0], ei[1]
    deg = jnp.zeros((n,), jnp.float32).at[col].add(1.0)
    deg_inv_sqrt = jnp.where(deg > 0, 1.0 / jnp.sqrt(deg), 0.0)
    norm = deg_inv_sqrt[row] * deg_inv_sqrt[col]
    h = x @ W
    msg = h[row] * norm[:, None]
    out = jnp.zeros((n, W.shape[1]), jnp.float32).at[col].add(msg)
    return out + b


def _graph_norm(x, weight, bias, mean_scale):
    # single graph (batch=None): stats over all nodes, per-feature
    mean = jnp.mean(x, axis=0, keepdims=True)
    out = x - mean * mean_scale
    var = jnp.mean(out * out, axis=0, keepdims=True)
    return weight * out / jnp.sqrt(var + EPS) + bias


def reference(x, edge_index, W1, b1, gn1_weight, gn1_bias, gn1_mean_scale,
              W2, b2, gn2_weight, gn2_bias, gn2_mean_scale):
    h = _gcn_conv(x, edge_index, W1, b1)
    h = _graph_norm(h, gn1_weight, gn1_bias, gn1_mean_scale)
    h = jax.nn.relu(h)
    # dropout: identity in eval mode
    h = _gcn_conv(h, edge_index, W2, b2)
    h = _graph_norm(h, gn2_weight, gn2_bias, gn2_mean_scale)
    h = jax.nn.relu(h)
    return h

if __name__ == "__main__":
    import jax
    _d = setup_inputs()
    print(jax.jit(kernel)(*tuple(_d.values())))

</pallas_src>

<mosaic_0001>
#map = affine_map<(d0, d1) -> (0, 0)>
#map1 = affine_map<(d0, d1) -> (0, 0, 0)>
module attributes {stable_mosaic.version = 14 : i64} {
  func.func @_spmm_kernel(%arg0: i32, %arg1: i32, %arg2: memref<10240x128xf32, #tpu.memory_space<hbm>>, %arg3: memref<2560x2x128xi32, #tpu.memory_space<hbm>>, %arg4: memref<20480x128xf32, #tpu.memory_space<hbm>>, %arg5: memref<40x2x128xi32, #tpu.memory_space<vmem>>, %arg6: memref<10240x128xf32, #tpu.memory_space<vmem_shared>>, %arg7: memref<128x128xf32, #tpu.memory_space<vmem>>, %arg8: memref<128x128xf32, #tpu.memory_space<vmem>>, %arg9: memref<!tpu.dma_semaphore, #tpu.memory_space<semaphore_mem>>, %arg10: memref<!tpu.dma_semaphore, #tpu.memory_space<semaphore_mem>>, %arg11: memref<!tpu.dma_semaphore, #tpu.memory_space<semaphore_mem>>, %arg12: memref<!tpu.dma_semaphore, #tpu.memory_space<semaphore_mem>>) attributes {dimension_semantics = [#tpu.dimension_semantics<core_parallel>, #tpu.dimension_semantics<subcore_parallel>], iteration_bounds = array<i64: 2, 16>, scalar_prefetch = 0 : i64, scratch_operands = 8 : i64, tpu.core_type = #tpu.core_type<sc_vector_subcore>, window_params = [{transform_indices = #map}, {transform_indices = #map1}, {transform_indices = #map}]} {
    %mul3A = arith.constant 16 : i32
    %mul3A_0 = arith.muli %arg0, %mul3A : i32
    %add3A = arith.addi %mul3A_0, %arg1 : i32
    %mul3A_1 = arith.constant 640 : i32
    %mul3A_2 = arith.muli %arg1, %mul3A_1 : i32
    %add3A_3 = arith.constant 0 : i32
    %add3A_4 = arith.addi %mul3A_2, %add3A_3 : i32
    "tpu.region"() ({
      %run_scoped3A = tpu.sem_alloc : memref<!tpu.dma_semaphore, #tpu.memory_space<semaphore_mem>>
      %dma_start3A_184 = arith.constant 0 : i32
      %dma_start3A_185 = tpu.memref_slice %arg6[%add3A_4, %dma_start3A_184] : memref<10240x128xf32, #tpu.memory_space<vmem_shared>> -> memref<128x128xf32, #tpu.memory_space<vmem_shared>>
      %dma_start3A_186 = arith.constant 10112 : i32
      %dma_start3A_187 = arith.constant 0 : i32
      %dma_start3A_188 = tpu.memref_slice %arg2[%dma_start3A_186, %dma_start3A_187] : memref<10240x128xf32, #tpu.memory_space<hbm>> -> memref<128x128xf32, #tpu.memory_space<hbm>>
      tpu.enqueue_dma source(%dma_start3A_188 : memref<128x128xf32, #tpu.memory_space<hbm>>) target(%dma_start3A_185 : memref<128x128xf32, #tpu.memory_space<vmem_shared>>) target_semaphore(%run_scoped3A : memref<!tpu.dma_semaphore, #tpu.memory_space<semaphore_mem>>)
      %dma_wait3A_189 = arith.constant 0 : i32
      %dma_wait3A_190 = tpu.memref_slice %arg6[%add3A_4, %dma_wait3A_189] : memref<10240x128xf32, #tpu.memory_space<vmem_shared>> -> memref<128x128xf32, #tpu.memory_space<vmem_shared>>
      %dma_wait3A_191 = arith.constant 10112 : i32
      %dma_wait3A_192 = arith.constant 0 : i32
      %dma_wait3A_193 = tpu.memref_slice %arg2[%dma_wait3A_191, %dma_wait3A_192] : memref<10240x128xf32, #tpu.memory_space<hbm>> -> memref<128x128xf32, #tpu.memory_space<hbm>>
      tpu.wait_dma2 semaphore(%run_scoped3A : memref<!tpu.dma_semaphore, #tpu.memory_space<semaphore_mem>>) src(%dma_wait3A_193 : memref<128x128xf32, #tpu.memory_space<hbm>>) dst(%dma_wait3A_190 : memref<128x128xf32, #tpu.memory_space<vmem_shared>>)
      tpu.yield
    }) : () -> ()
    %add3A_5 = arith.constant 128 : i32
    %add3A_6 = arith.addi %mul3A_2, %add3A_5 : i32
    "tpu.region"() ({
      %run_scoped3A = tpu.sem_alloc : memref<!tpu.dma_semaphore, #tpu.memory_space<semaphore_mem>>
      %dma_start3A_184 = arith.constant 0 : i32
      %dma_start3A_185 = tpu.memref_slice %arg6[%add3A_6, %dma_start3A_184] : memref<10240x128xf32, #tpu.memory_space<vmem_shared>> -> memref<128x128xf32, #tpu.memory_space<vmem_shared>>
      %dma_start3A_186 = arith.constant 10112 : i32
      %dma_start3A_187 = arith.constant 0 : i32
      %dma_start3A_188 = tpu.memref_slice %arg2[%dma_start3A_186, %dma_start3A_187] : memref<10240x128xf32, #tpu.memory_space<hbm>> -> memref<128x128xf32, #tpu.memory_space<hbm>>
      tpu.enqueue_dma source(%dma_start3A_188 : memref<128x128xf32, #tpu.memory_space<hbm>>) target(%dma_start3A_185 : memref<128x128xf32, #tpu.memory_space<vmem_shared>>) target_semaphore(%run_scoped3A : memref<!tpu.dma_semaphore, #tpu.memory_space<semaphore_mem>>)
      %dma_wait3A_189 = arith.constant 0 : i32
      %dma_wait3A_190 = tpu.memref_slice %arg6[%add3A_6, %dma_wait3A_189] : memref<10240x128xf32, #tpu.memory_space<vmem_shared>> -> memref<128x128xf32, #tpu.memory_space<vmem_shared>>
      %dma_wait3A_191 = arith.constant 10112 : i32
      %dma_wait3A_192 = arith.constant 0 : i32
      %dma_wait3A_193 = tpu.memref_slice %arg2[%dma_wait3A_191, %dma_wait3A_192] : memref<10240x128xf32, #tpu.memory_space<hbm>> -> memref<128x128xf32, #tpu.memory_space<hbm>>
      tpu.wait_dma2 semaphore(%run_scoped3A : memref<!tpu.dma_semaphore, #tpu.memory_space<semaphore_mem>>) src(%dma_wait3A_193 : memref<128x128xf32, #tpu.memory_space<hbm>>) dst(%dma_wait3A_190 : memref<128x128xf32, #tpu.memory_space<vmem_shared>>)
      tpu.yield
    }) : () -> ()
    %add3A_7 = arith.constant 256 : i32
    %add3A_8 = arith.addi %mul3A_2, %add3A_7 : i32
    "tpu.region"() ({
      %run_scoped3A = tpu.sem_alloc : memref<!tpu.dma_semaphore, #tpu.memory_space<semaphore_mem>>
      %dma_start3A_184 = arith.constant 0 : i32
      %dma_start3A_185 = tpu.memref_slice %arg6[%add3A_8, %dma_start3A_184] : memref<10240x128xf32, #tpu.memory_space<vmem_shared>> -> memref<128x128xf32, #tpu.memory_space<vmem_shared>>
      %dma_start3A_186 = arith.constant 10112 : i32
      %dma_start3A_187 = arith.constant 0 : i32
      %dma_start3A_188 = tpu.memref_slice %arg2[%dma_start3A_186, %dma_start3A_187] : memref<10240x128xf32, #tpu.memory_space<hbm>> -> memref<128x128xf32, #tpu.memory_space<hbm>>
      tpu.enqueue_dma source(%dma_start3A_188 : memref<128x128xf32, #tpu.memory_space<hbm>>) target(%dma_start3A_185 : memref<128x128xf32, #tpu.memory_space<vmem_shared>>) target_semaphore(%run_scoped3A : memref<!tpu.dma_semaphore, #tpu.memory_space<semaphore_mem>>)
      %dma_wait3A_189 = arith.constant 0 : i32
      %dma_wait3A_190 = tpu.memref_slice %arg6[%add3A_8, %dma_wait3A_189] : memref<10240x128xf32, #tpu.memory_space<vmem_shared>> -> memref<128x128xf32, #tpu.memory_space<vmem_shared>>
      %dma_wait3A_191 = arith.constant 10112 : i32
      %dma_wait3A_192 = arith.constant 0 : i32
      %dma_wait3A_193 = tpu.memref_slice %arg2[%dma_wait3A_191, %dma_wait3A_192] : memref<10240x128xf32, #tpu.memory_space<hbm>> -> memref<128x128xf32, #tpu.memory_space<hbm>>
      tpu.wait_dma2 semaphore(%run_scoped3A : memref<!tpu.dma_semaphore, #tpu.memory_space<semaphore_mem>>) src(%dma_wait3A_193 : memref<128x128xf32, #tpu.memory_space<hbm>>) dst(%dma_wait3A_190 : memref<128x128xf32, #tpu.memory_space<vmem_shared>>)
      tpu.yield
    }) : () -> ()
    %add3A_9 = arith.constant 384 : i32
    %add3A_10 = arith.addi %mul3A_2, %add3A_9 : i32
    "tpu.region"() ({
      %run_scoped3A = tpu.sem_alloc : memref<!tpu.dma_semaphore, #tpu.memory_space<semaphore_mem>>
      %dma_start3A_184 = arith.constant 0 : i32
      %dma_start3A_185 = tpu.memref_slice %arg6[%add3A_10, %dma_start3A_184] : memref<10240x128xf32, #tpu.memory_space<vmem_shared>> -> memref<128x128xf32, #tpu.memory_space<vmem_shared>>
      %dma_start3A_186 = arith.constant 10112 : i32
      %dma_start3A_187 = arith.constant 0 : i32
      %dma_start3A_188 = tpu.memref_slice %arg2[%dma_start3A_186, %dma_start3A_187] : memref<10240x128xf32, #tpu.memory_space<hbm>> -> memref<128x128xf32, #tpu.memory_space<hbm>>
      tpu.enqueue_dma source(%dma_start3A_188 : memref<128x128xf32, #tpu.memory_space<hbm>>) target(%dma_start3A_185 : memref<128x128xf32, #tpu.memory_space<vmem_shared>>) target_semaphore(%run_scoped3A : memref<!tpu.dma_semaphore, #tpu.memory_space<semaphore_mem>>)
      %dma_wait3A_189 = arith.constant 0 : i32
      %dma_wait3A_190 = tpu.memref_slice %arg6[%add3A_10, %dma_wait3A_189] : memref<10240x128xf32, #tpu.memory_space<vmem_shared>> -> memref<128x128xf32, #tpu.memory_space<vmem_shared>>
      %dma_wait3A_191 = arith.constant 10112 : i32
      %dma_wait3A_192 = arith.constant 0 : i32
      %dma_wait3A_193 = tpu.memref_slice %arg2[%dma_wait3A_191, %dma_wait3A_192] : memref<10240x128xf32, #tpu.memory_space<hbm>> -> memref<128x128xf32, #tpu.memory_space<hbm>>
      tpu.wait_dma2 semaphore(%run_scoped3A : memref<!tpu.dma_semaphore, #tpu.memory_space<semaphore_mem>>) src(%dma_wait3A_193 : memref<128x128xf32, #tpu.memory_space<hbm>>) dst(%dma_wait3A_190 : memref<128x128xf32, #tpu.memory_space<vmem_shared>>)
      tpu.yield
    }) : () -> ()
    %add3A_11 = arith.constant 512 : i32
    %add3A_12 = arith.addi %mul3A_2, %add3A_11 : i32
    "tpu.region"() ({
      %run_scoped3A = tpu.sem_alloc : memref<!tpu.dma_semaphore, #tpu.memory_space<semaphore_mem>>
      %dma_start3A_184 = arith.constant 0 : i32
      %dma_start3A_185 = tpu.memref_slice %arg6[%add3A_12, %dma_start3A_184] : memref<10240x128xf32, #tpu.memory_space<vmem_shared>> -> memref<128x128xf32, #tpu.memory_space<vmem_shared>>
      %dma_start3A_186 = arith.constant 10112 : i32
      %dma_start3A_187 = arith.constant 0 : i32
      %dma_start3A_188 = tpu.memref_slice %arg2[%dma_start3A_186, %dma_start3A_187] : memref<10240x128xf32, #tpu.memory_space<hbm>> -> memref<128x128xf32, #tpu.memory_space<hbm>>
      tpu.enqueue_dma source(%dma_start3A_188 : memref<128x128xf32, #tpu.memory_space<hbm>>) target(%dma_start3A_185 : memref<128x128xf32, #tpu.memory_space<vmem_shared>>) target_semaphore(%run_scoped3A : memref<!tpu.dma_semaphore, #tpu.memory_space<semaphore_mem>>)
      %dma_wait3A_189 = arith.constant 0 : i32
      %dma_wait3A_190 = tpu.memref_slice %arg6[%add3A_12, %dma_wait3A_189] : memref<10240x128xf32, #tpu.memory_space<vmem_shared>> -> memref<128x128xf32, #tpu.memory_space<vmem_shared>>
      %dma_wait3A_191 = arith.constant 10112 : i32
      %dma_wait3A_192 = arith.constant 0 : i32
      %dma_wait3A_193 = tpu.memref_slice %arg2[%dma_wait3A_191, %dma_wait3A_192] : memref<10240x128xf32, #tpu.memory_space<hbm>> -> memref<128x128xf32, #tpu.memory_space<hbm>>
      tpu.wait_dma2 semaphore(%run_scoped3A : memref<!tpu.dma_semaphore, #tpu.memory_space<semaphore_mem>>) src(%dma_wait3A_193 : memref<128x128xf32, #tpu.memory_space<hbm>>) dst(%dma_wait3A_190 : memref<128x128xf32, #tpu.memory_space<vmem_shared>>)
      tpu.yield
    }) : () -> ()
    %mul3A_13 = arith.constant 80 : i32
    %mul3A_14 = arith.muli %add3A, %mul3A_13 : i32
    %add3A_15 = arith.constant 0 : i32
    %add3A_16 = arith.addi %mul3A_14, %add3A_15 : i32
    "tpu.region"() ({
      %run_scoped3A = tpu.sem_alloc : memref<!tpu.dma_semaphore, #tpu.memory_space<semaphore_mem>>
      %dma_start3A_184 = arith.constant 0 : i32
      %dma_start3A_185 = arith.constant 0 : i32
      %dma_start3A_186 = tpu.memref_slice %arg3[%add3A_16, %dma_start3A_184, %dma_start3A_185] : memref<2560x2x128xi32, #tpu.memory_space<hbm>> -> memref<40x2x128xi32, #tpu.memory_space<hbm>>
      %dma_start3A_187 = arith.constant 0 : i32
      %dma_start3A_188 = arith.constant 0 : i32
      %dma_start3A_189 = tpu.memref_slice %arg3[%add3A_16, %dma_start3A_187, %dma_start3A_188] : memref<2560x2x128xi32, #tpu.memory_space<hbm>> -> memref<40x2x128xi32, #tpu.memory_space<hbm>>
      tpu.enqueue_dma source(%dma_start3A_189 : memref<40x2x128xi32, #tpu.memory_space<hbm>>) target(%arg5 : memref<40x2x128xi32, #tpu.memory_space<vmem>>) target_semaphore(%run_scoped3A : memref<!tpu.dma_semaphore, #tpu.memory_space<semaphore_mem>>)
      %dma_wait3A_190 = arith.constant 0 : i32
      %dma_wait3A_191 = arith.constant 0 : i32
      %dma_wait3A_192 = tpu.memref_slice %arg3[%add3A_16, %dma_wait3A_190, %dma_wait3A_191] : memref<2560x2x128xi32, #tpu.memory_space<hbm>> -> memref<40x2x128xi32, #tpu.memory_space<hbm>>
      %dma_wait3A_193 = arith.constant 0 : i32
      %dma_wait3A_194 = arith.constant 0 : i32
      %dma_wait3A_195 = tpu.memref_slice %arg3[%add3A_16, %dma_wait3A_193, %dma_wait3A_194] : memref<2560x2x128xi32, #tpu.memory_space<hbm>> -> memref<40x2x128xi32, #tpu.memory_space<hbm>>
      tpu.wait_dma2 semaphore(%run_scoped3A : memref<!tpu.dma_semaphore, #tpu.memory_space<semaphore_mem>>) src(%dma_wait3A_195 : memref<40x2x128xi32, #tpu.memory_space<hbm>>) dst(%arg5 : memref<40x2x128xi32, #tpu.memory_space<vmem>>)
      tpu.yield
    }) : () -> ()
    %barrier3A = arith.constant 0 : index
    tpu.barrier barrier_id(%barrier3A)
    %dma_start3A = arith.constant 0 : i32
    %dma_start3A_17 = arith.constant 0 : i32
    %dma_start3A_18 = arith.constant 0 : i32
    %dma_start3A_19 = tpu.memref_slice %arg5[%dma_start3A, %dma_start3A_17, %dma_start3A_18] : memref<40x2x128xi32, #tpu.memory_space<vmem>> -> memref<1x1x128xi32, #tpu.memory_space<vmem>>
    %dma_start3A_20 = tpu.memref_squeeze %dma_start3A_19 : memref<1x1x128xi32, #tpu.memory_space<vmem>> -> memref<128xi32, #tpu.memory_space<vmem>>
    %dma_start3A_21 = arith.constant 0 : i32
    %dma_start3A_22 = arith.constant 0 : i32
    %dma_start3A_23 = tpu.memref_slice %arg2[%dma_start3A_21, %dma_start3A_22] : memref<10240x128xf32, #tpu.memory_space<hbm>> -> memref<10240x128xf32, #tpu.memory_space<hbm>>
    tpu.enqueue_indirect_dma source(%dma_start3A_23 : memref<10240x128xf32, #tpu.memory_space<hbm>>) target(%arg7 : memref<128x128xf32, #tpu.memory_space<vmem>>) offsets(%dma_start3A_20 : memref<128xi32, #tpu.memory_space<vmem>>) semaphore(%arg9 : memref<!tpu.dma_semaphore, #tpu.memory_space<semaphore_mem>>)
    %dma_start3A_24 = arith.constant 1 : i32
    %dma_start3A_25 = arith.constant 0 : i32
    %dma_start3A_26 = arith.constant 0 : i32
    %dma_start3A_27 = tpu.memref_slice %arg5[%dma_start3A_24, %dma_start3A_25, %dma_start3A_26] : memref<40x2x128xi32, #tpu.memory_space<vmem>> -> memref<1x1x128xi32, #tpu.memory_space<vmem>>
    %dma_start3A_28 = tpu.memref_squeeze %dma_start3A_27 : memref<1x1x128xi32, #tpu.memory_space<vmem>> -> memref<128xi32, #tpu.memory_space<vmem>>
    %dma_start3A_29 = arith.constant 0 : i32
    %dma_start3A_30 = arith.constant 0 : i32
    %dma_start3A_31 = tpu.memref_slice %arg2[%dma_start3A_29, %dma_start3A_30] : memref<10240x128xf32, #tpu.memory_space<hbm>> -> memref<10240x128xf32, #tpu.memory_space<hbm>>
    tpu.enqueue_indirect_dma source(%dma_start3A_31 : memref<10240x128xf32, #tpu.memory_space<hbm>>) target(%arg8 : memref<128x128xf32, #tpu.memory_space<vmem>>) offsets(%dma_start3A_28 : memref<128xi32, #tpu.memory_space<vmem>>) semaphore(%arg10 : memref<!tpu.dma_semaphore, #tpu.memory_space<semaphore_mem>>)
    %dma_wait3A = arith.constant 0 : i32
    %dma_wait3A_32 = arith.constant 0 : i32
    %dma_wait3A_33 = arith.constant 0 : i32
    %dma_wait3A_34 = tpu.memref_slice %arg5[%dma_wait3A, %dma_wait3A_32, %dma_wait3A_33] : memref<40x2x128xi32, #tpu.memory_space<vmem>> -> memref<1x1x128xi32, #tpu.memory_space<vmem>>
    %dma_wait3A_35 = tpu.memref_squeeze %dma_wait3A_34 : memref<1x1x128xi32, #tpu.memory_space<vmem>> -> memref<128xi32, #tpu.memory_space<vmem>>
    %dma_wait3A_36 = arith.constant 0 : i32
    %dma_wait3A_37 = arith.constant 0 : i32
    %dma_wait3A_38 = tpu.memref_slice %arg2[%dma_wait3A_36, %dma_wait3A_37] : memref<10240x128xf32, #tpu.memory_space<hbm>> -> memref<10240x128xf32, #tpu.memory_space<hbm>>
    tpu.wait_indirect_dma semaphore(%arg9 : memref<!tpu.dma_semaphore, #tpu.memory_space<semaphore_mem>>) src(%dma_wait3A_38 : memref<10240x128xf32, #tpu.memory_space<hbm>>) dst(%arg7 : memref<128x128xf32, #tpu.memory_space<vmem>>)
    %dma_wait3A_39 = arith.constant 1 : i32
    %dma_wait3A_40 = arith.constant 0 : i32
    %dma_wait3A_41 = arith.constant 0 : i32
    %dma_wait3A_42 = tpu.memref_slice %arg5[%dma_wait3A_39, %dma_wait3A_40, %dma_wait3A_41] : memref<40x2x128xi32, #tpu.memory_space<vmem>> -> memref<1x1x128xi32, #tpu.memory_space<vmem>>
    %dma_wait3A_43 = tpu.memref_squeeze %dma_wait3A_42 : memref<1x1x128xi32, #tpu.memory_space<vmem>> -> memref<128xi32, #tpu.memory_space<vmem>>
    %dma_wait3A_44 = arith.constant 0 : i32
    %dma_wait3A_45 = arith.constant 0 : i32
    %dma_wait3A_46 = tpu.memref_slice %arg2[%dma_wait3A_44, %dma_wait3A_45] : memref<10240x128xf32, #tpu.memory_space<hbm>> -> memref<10240x128xf32, #tpu.memory_space<hbm>>
    tpu.wait_indirect_dma semaphore(%arg10 : memref<!tpu.dma_semaphore, #tpu.memory_space<semaphore_mem>>) src(%dma_wait3A_46 : memref<10240x128xf32, #tpu.memory_space<hbm>>) dst(%arg8 : memref<128x128xf32, #tpu.memory_space<vmem>>)
    %dma_start3A_47 = arith.constant 0 : i32
    %dma_start3A_48 = arith.constant 1 : i32
    %dma_start3A_49 = arith.constant 0 : i32
    %dma_start3A_50 = tpu.memref_slice %arg5[%dma_start3A_47, %dma_start3A_48, %dma_start3A_49] : memref<40x2x128xi32, #tpu.memory_space<vmem>> -> memref<1x1x128xi32, #tpu.memory_space<vmem>>
    %dma_start3A_51 = tpu.memref_squeeze %dma_start3A_50 : memref<1x1x128xi32, #tpu.memory_space<vmem>> -> memref<128xi32, #tpu.memory_space<vmem>>
    %dma_start3A_52 = arith.constant 0 : i32
    %dma_start3A_53 = arith.constant 0 : i32
    %dma_start3A_54 = tpu.memref_slice %arg6[%dma_start3A_52, %dma_start3A_53] : memref<10240x128xf32, #tpu.memory_space<vmem_shared>> -> memref<10240x128xf32, #tpu.memory_space<vmem_shared>>
    tpu.enqueue_indirect_dma source(%arg7 : memref<128x128xf32, #tpu.memory_space<vmem>>) target(%dma_start3A_54 : memref<10240x128xf32, #tpu.memory_space<vmem_shared>>) offsets(%dma_start3A_51 : memref<128xi32, #tpu.memory_space<vmem>>) semaphore(%arg11 : memref<!tpu.dma_semaphore, #tpu.memory_space<semaphore_mem>>) {add = true}
    %dma_start3A_55 = arith.constant 1 : i32
    %dma_start3A_56 = arith.constant 1 : i32
    %dma_start3A_57 = arith.constant 0 : i32
    %dma_start3A_58 = tpu.memref_slice %arg5[%dma_start3A_55, %dma_start3A_56, %dma_start3A_57] : memref<40x2x128xi32, #tpu.memory_space<vmem>> -> memref<1x1x128xi32, #tpu.memory_space<vmem>>
    %dma_start3A_59 = tpu.memref_squeeze %dma_start3A_58 : memref<1x1x128xi32, #tpu.memory_space<vmem>> -> memref<128xi32, #tpu.memory_space<vmem>>
    %dma_start3A_60 = arith.constant 0 : i32
    %dma_start3A_61 = arith.constant 0 : i32
    %dma_start3A_62 = tpu.memref_slice %arg6[%dma_start3A_60, %dma_start3A_61] : memref<10240x128xf32, #tpu.memory_space<vmem_shared>> -> memref<10240x128xf32, #tpu.memory_space<vmem_shared>>
    tpu.enqueue_indirect_dma source(%arg8 : memref<128x128xf32, #tpu.memory_space<vmem>>) target(%dma_start3A_62 : memref<10240x128xf32, #tpu.memory_space<vmem_shared>>) offsets(%dma_start3A_59 : memref<128xi32, #tpu.memory_space<vmem>>) semaphore(%arg12 : memref<!tpu.dma_semaphore, #tpu.memory_space<semaphore_mem>>) {add = true}
    %scan3A = arith.constant 0 : i32
    %scan3A_63 = arith.constant 0 : i32
    %scan3A_64 = arith.constant 19 : i32
    %scan3A_65 = arith.addi %scan3A_63, %scan3A_64 : i32
    %scan3A_66 = arith.constant 1 : i32
    scf.for %scan3A_184 = %scan3A_63 to %scan3A_65 step %scan3A_66  : i32 {
      %mul3A_185 = arith.constant 2 : i32
      %mul3A_186 = arith.muli %scan3A_184, %mul3A_185 : i32
      %add3A_187 = arith.constant 0 : i32
      %add3A_188 = arith.addi %mul3A_186, %add3A_187 : i32
      %dma_wait3A_189 = arith.constant 1 : i32
      %dma_wait3A_190 = arith.constant 0 : i32
      %dma_wait3A_191 = tpu.memref_slice %arg5[%add3A_188, %dma_wait3A_189, %dma_wait3A_190] : memref<40x2x128xi32, #tpu.memory_space<vmem>> -> memref<1x1x128xi32, #tpu.memory_space<vmem>>
      %dma_wait3A_192 = tpu.memref_squeeze %dma_wait3A_191 : memref<1x1x128xi32, #tpu.memory_space<vmem>> -> memref<128xi32, #tpu.memory_space<vmem>>
      %dma_wait3A_193 = arith.constant 0 : i32
      %dma_wait3A_194 = arith.constant 0 : i32
      %dma_wait3A_195 = tpu.memref_slice %arg6[%dma_wait3A_193, %dma_wait3A_194] : memref<10240x128xf32, #tpu.memory_space<vmem_shared>> -> memref<10240x128xf32, #tpu.memory_space<vmem_shared>>
      tpu.wait_indirect_dma semaphore(%arg11 : memref<!tpu.dma_semaphore, #tpu.memory_space<semaphore_mem>>) src(%arg7 : memref<128x128xf32, #tpu.memory_space<vmem>>) dst(%dma_wait3A_195 : memref<10240x128xf32, #tpu.memory_space<vmem_shared>>)
      %add3A_196 = arith.constant 2 : i32
      %add3A_197 = arith.addi %add3A_188, %add3A_196 : i32
      %dma_start3A_198 = arith.constant 1 : i32
      %dma_start3A_199 = arith.constant 0 : i32
      %dma_start3A_200 = tpu.memref_slice %arg5[%add3A_197, %dma_start3A_198, %dma_start3A_199] : memref<40x2x128xi32, #tpu.memory_space<vmem>> -> memref<1x1x128xi32, #tpu.memory_space<vmem>>
      %dma_start3A_201 = tpu.memref_squeeze %dma_start3A_200 : memref<1x1x128xi32, #tpu.memory_space<vmem>> -> memref<128xi32, #tpu.memory_space<vmem>>
      %dma_start3A_202 = arith.constant 0 : i32
      %dma_start3A_203 = arith.constant 0 : i32
      %dma_start3A_204 = tpu.memref_slice %arg6[%dma_start3A_202, %dma_start3A_203] : memref<10240x128xf32, #tpu.memory_space<vmem_shared>> -> memref<10240x128xf32, #tpu.memory_space<vmem_shared>>
      tpu.enqueue_indirect_dma source(%arg7 : memref<128x128xf32, #tpu.memory_space<vmem>>) target(%dma_start3A_204 : memref<10240x128xf32, #tpu.memory_space<vmem_shared>>) offsets(%dma_start3A_201 : memref<128xi32, #tpu.memory_space<vmem>>) semaphore(%arg11 : memref<!tpu.dma_semaphore, #tpu.memory_space<semaphore_mem>>) {add = true}
      %mul3A_205 = arith.constant 2 : i32
      %mul3A_206 = arith.muli %scan3A_184, %mul3A_205 : i32
      %add3A_207 = arith.constant 1 : i32
      %add3A_208 = arith.addi %mul3A_206, %add3A_207 : i32
      %dma_wait3A_209 = arith.constant 1 : i32
      %dma_wait3A_210 = arith.constant 0 : i32
      %dma_wait3A_211 = tpu.memref_slice %arg5[%add3A_208, %dma_wait3A_209, %dma_wait3A_210] : memref<40x2x128xi32, #tpu.memory_space<vmem>> -> memref<1x1x128xi32, #tpu.memory_space<vmem>>
      %dma_wait3A_212 = tpu.memref_squeeze %dma_wait3A_211 : memref<1x1x128xi32, #tpu.memory_space<vmem>> -> memref<128xi32, #tpu.memory_space<vmem>>
      %dma_wait3A_213 = arith.constant 0 : i32
      %dma_wait3A_214 = arith.constant 0 : i32
      %dma_wait3A_215 = tpu.memref_slice %arg6[%dma_wait3A_213, %dma_wait3A_214] : memref<10240x128xf32, #tpu.memory_space<vmem_shared>> -> memref<10240x128xf32, #tpu.memory_space<vmem_shared>>
      tpu.wait_indirect_dma semaphore(%arg12 : memref<!tpu.dma_semaphore, #tpu.memory_space<semaphore_mem>>) src(%arg8 : memref<128x128xf32, #tpu.memory_space<vmem>>) dst(%dma_wait3A_215 : memref<10240x128xf32, #tpu.memory_space<vmem_shared>>)
      %add3A_216 = arith.constant 2 : i32
      %add3A_217 = arith.addi %add3A_208, %add3A_216 : i32
      %dma_start3A_218 = arith.constant 1 : i32
      %dma_start3A_219 = arith.constant 0 : i32
      %dma_start3A_220 = tpu.memref_slice %arg5[%add3A_217, %dma_start3A_218, %dma_start3A_219] : memref<40x2x128xi32, #tpu.memory_space<vmem>> -> memref<1x1x128xi32, #tpu.memory_space<vmem>>
      %dma_start3A_221 = tpu.memref_squeeze %dma_start3A_220 : memref<1x1x128xi32, #tpu.memory_space<vmem>> -> memref<128xi32, #tpu.memory_space<vmem>>
      %dma_start3A_222 = arith.constant 0 : i32
      %dma_start3A_223 = arith.constant 0 : i32
      %dma_start3A_224 = tpu.memref_slice %arg6[%dma_start3A_222, %dma_start3A_223] : memref<10240x128xf32, #tpu.memory_space<vmem_shared>> -> memref<10240x128xf32, #tpu.memory_space<vmem_shared>>
      tpu.enqueue_indirect_dma source(%arg8 : memref<128x128xf32, #tpu.memory_space<vmem>>) target(%dma_start3A_224 : memref<10240x128xf32, #tpu.memory_space<vmem_shared>>) offsets(%dma_start3A_221 : memref<128xi32, #tpu.memory_space<vmem>>) semaphore(%arg12 : memref<!tpu.dma_semaphore, #tpu.memory_space<semaphore_mem>>) {add = true}
    }
    %scan3A_67 = arith.constant 19 : i32
    %dma_wait3A_68 = arith.constant 38 : i32
    %dma_wait3A_69 = arith.constant 1 : i32
    %dma_wait3A_70 = arith.constant 0 : i32
    %dma_wait3A_71 = tpu.memref_slice %arg5[%dma_wait3A_68, %dma_wait3A_69, %dma_wait3A_70] : memref<40x2x128xi32, #tpu.memory_space<vmem>> -> memref<1x1x128xi32, #tpu.memory_space<vmem>>
    %dma_wait3A_72 = tpu.memref_squeeze %dma_wait3A_71 : memref<1x1x128xi32, #tpu.memory_space<vmem>> -> memref<128xi32, #tpu.memory_space<vmem>>
    %dma_wait3A_73 = arith.constant 0 : i32
    %dma_wait3A_74 = arith.constant 0 : i32
    %dma_wait3A_75 = tpu.memref_slice %arg6[%dma_wait3A_73, %dma_wait3A_74] : memref<10240x128xf32, #tpu.memory_space<vmem_shared>> -> memref<10240x128xf32, #tpu.memory_space<vmem_shared>>
    tpu.wait_indirect_dma semaphore(%arg11 : memref<!tpu.dma_semaphore, #tpu.memory_space<semaphore_mem>>) src(%arg7 : memref<128x128xf32, #tpu.memory_space<vmem>>) dst(%dma_wait3A_75 : memref<10240x128xf32, #tpu.memory_space<vmem_shared>>)
    %dma_wait3A_76 = arith.constant 39 : i32
    %dma_wait3A_77 = arith.constant 1 : i32
    %dma_wait3A_78 = arith.constant 0 : i32
    %dma_wait3A_79 = tpu.memref_slice %arg5[%dma_wait3A_76, %dma_wait3A_77, %dma_wait3A_78] : memref<40x2x128xi32, #tpu.memory_space<vmem>> -> memref<1x1x128xi32, #tpu.memory_space<vmem>>
    %dma_wait3A_80 = tpu.memref_squeeze %dma_wait3A_79 : memref<1x1x128xi32, #tpu.memory_space<vmem>> -> memref<128xi32, #tpu.memory_space<vmem>>
    %dma_wait3A_81 = arith.constant 0 : i32
    %dma_wait3A_82 = arith.constant 0 : i32
    %dma_wait3A_83 = tpu.memref_slice %arg6[%dma_wait3A_81, %dma_wait3A_82] : memref<10240x128xf32, #tpu.memory_space<vmem_shared>> -> memref<10240x128xf32, #tpu.memory_space<vmem_shared>>
    tpu.wait_indirect_dma semaphore(%arg12 : memref<!tpu.dma_semaphore, #tpu.memory_space<semaphore_mem>>) src(%arg8 : memref<128x128xf32, #tpu.memory_space<vmem>>) dst(%dma_wait3A_83 : memref<10240x128xf32, #tpu.memory_space<vmem_shared>>)
    %mul3A_84 = arith.constant 80 : i32
    %mul3A_85 = arith.muli %add3A, %mul3A_84 : i32
    %add3A_86 = arith.constant 40 : i32
    %add3A_87 = arith.addi %mul3A_85, %add3A_86 : i32
    "tpu.region"() ({
      %run_scoped3A = tpu.sem_alloc : memref<!tpu.dma_semaphore, #tpu.memory_space<semaphore_mem>>
      %dma_start3A_184 = arith.constant 0 : i32
      %dma_start3A_185 = arith.constant 0 : i32
      %dma_start3A_186 = tpu.memref_slice %arg3[%add3A_87, %dma_start3A_184, %dma_start3A_185] : memref<2560x2x128xi32, #tpu.memory_space<hbm>> -> memref<40x2x128xi32, #tpu.memory_space<hbm>>
      %dma_start3A_187 = arith.constant 0 : i32
      %dma_start3A_188 = arith.constant 0 : i32
      %dma_start3A_189 = tpu.memref_slice %arg3[%add3A_87, %dma_start3A_187, %dma_start3A_188] : memref<2560x2x128xi32, #tpu.memory_space<hbm>> -> memref<40x2x128xi32, #tpu.memory_space<hbm>>
      tpu.enqueue_dma source(%dma_start3A_189 : memref<40x2x128xi32, #tpu.memory_space<hbm>>) target(%arg5 : memref<40x2x128xi32, #tpu.memory_space<vmem>>) target_semaphore(%run_scoped3A : memref<!tpu.dma_semaphore, #tpu.memory_space<semaphore_mem>>)
      %dma_wait3A_190 = arith.constant 0 : i32
      %dma_wait3A_191 = arith.constant 0 : i32
      %dma_wait3A_192 = tpu.memref_slice %arg3[%add3A_87, %dma_wait3A_190, %dma_wait3A_191] : memref<2560x2x128xi32, #tpu.memory_space<hbm>> -> memref<40x2x128xi32, #tpu.memory_space<hbm>>
      %dma_wait3A_193 = arith.constant 0 : i32
      %dma_wait3A_194 = arith.constant 0 : i32
      %dma_wait3A_195 = tpu.memref_slice %arg3[%add3A_87, %dma_wait3A_193, %dma_wait3A_194] : memref<2560x2x128xi32, #tpu.memory_space<hbm>> -> memref<40x2x128xi32, #tpu.memory_space<hbm>>
      tpu.wait_dma2 semaphore(%run_scoped3A : memref<!tpu.dma_semaphore, #tpu.memory_space<semaphore_mem>>) src(%dma_wait3A_195 : memref<40x2x128xi32, #tpu.memory_space<hbm>>) dst(%arg5 : memref<40x2x128xi32, #tpu.memory_space<vmem>>)
      tpu.yield
    }) : () -> ()
    %dma_start3A_88 = arith.constant 0 : i32
    %dma_start3A_89 = arith.constant 0 : i32
    %dma_start3A_90 = arith.constant 0 : i32
    %dma_start3A_91 = tpu.memref_slice %arg5[%dma_start3A_88, %dma_start3A_89, %dma_start3A_90] : memref<40x2x128xi32, #tpu.memory_space<vmem>> -> memref<1x1x128xi32, #tpu.memory_space<vmem>>
    %dma_start3A_92 = tpu.memref_squeeze %dma_start3A_91 : memref<1x1x128xi32, #tpu.memory_space<vmem>> -> memref<128xi32, #tpu.memory_space<vmem>>
    %dma_start3A_93 = arith.constant 0 : i32
    %dma_start3A_94 = arith.constant 0 : i32
    %dma_start3A_95 = tpu.memref_slice %arg2[%dma_start3A_93, %dma_start3A_94] : memref<10240x128xf32, #tpu.memory_space<hbm>> -> memref<10240x128xf32, #tpu.memory_space<hbm>>
    tpu.enqueue_indirect_dma source(%dma_start3A_95 : memref<10240x128xf32, #tpu.memory_space<hbm>>) target(%arg7 : memref<128x128xf32, #tpu.memory_space<vmem>>) offsets(%dma_start3A_92 : memref<128xi32, #tpu.memory_space<vmem>>) semaphore(%arg9 : memref<!tpu.dma_semaphore, #tpu.memory_space<semaphore_mem>>)
    %dma_start3A_96 = arith.constant 1 : i32
    %dma_start3A_97 = arith.constant 0 : i32
    %dma_start3A_98 = arith.constant 0 : i32
    %dma_start3A_99 = tpu.memref_slice %arg5[%dma_start3A_96, %dma_start3A_97, %dma_start3A_98] : memref<40x2x128xi32, #tpu.memory_space<vmem>> -> memref<1x1x128xi32, #tpu.memory_space<vmem>>
    %dma_start3A_100 = tpu.memref_squeeze %dma_start3A_99 : memref<1x1x128xi32, #tpu.memory_space<vmem>> -> memref<128xi32, #tpu.memory_space<vmem>>
    %dma_start3A_101 = arith.constant 0 : i32
    %dma_start3A_102 = arith.constant 0 : i32
    %dma_start3A_103 = tpu.memref_slice %arg2[%dma_start3A_101, %dma_start3A_102] : memref<10240x128xf32, #tpu.memory_space<hbm>> -> memref<10240x128xf32, #tpu.memory_space<hbm>>
    tpu.enqueue_indirect_dma source(%dma_start3A_103 : memref<10240x128xf32, #tpu.memory_space<hbm>>) target(%arg8 : memref<128x128xf32, #tpu.memory_space<vmem>>) offsets(%dma_start3A_100 : memref<128xi32, #tpu.memory_space<vmem>>) semaphore(%arg10 : memref<!tpu.dma_semaphore, #tpu.memory_space<semaphore_mem>>)
    %dma_wait3A_104 = arith.constant 0 : i32
    %dma_wait3A_105 = arith.constant 0 : i32
    %dma_wait3A_106 = arith.constant 0 : i32
    %dma_wait3A_107 = tpu.memref_slice %arg5[%dma_wait3A_104, %dma_wait3A_105, %dma_wait3A_106] : memref<40x2x128xi32, #tpu.memory_space<vmem>> -> memref<1x1x128xi32, #tpu.memory_space<vmem>>
    %dma_wait3A_108 = tpu.memref_squeeze %dma_wait3A_107 : memref<1x1x128xi32, #tpu.memory_space<vmem>> -> memref<128xi32, #tpu.memory_space<vmem>>
    %dma_wait3A_109 = arith.constant 0 : i32
    %dma_wait3A_110 = arith.constant 0 : i32
    %dma_wait3A_111 = tpu.memref_slice %arg2[%dma_wait3A_109, %dma_wait3A_110] : memref<10240x128xf32, #tpu.memory_space<hbm>> -> memref<10240x128xf32, #tpu.memory_space<hbm>>
    tpu.wait_indirect_dma semaphore(%arg9 : memref<!tpu.dma_semaphore, #tpu.memory_space<semaphore_mem>>) src(%dma_wait3A_111 : memref<10240x128xf32, #tpu.memory_space<hbm>>) dst(%arg7 : memref<128x128xf32, #tpu.memory_space<vmem>>)
    %dma_wait3A_112 = arith.constant 1 : i32
    %dma_wait3A_113 = arith.constant 0 : i32
    %dma_wait3A_114 = arith.constant 0 : i32
    %dma_wait3A_115 = tpu.memref_slice %arg5[%dma_wait3A_112, %dma_wait3A_113, %dma_wait3A_114] : memref<40x2x128xi32, #tpu.memory_space<vmem>> -> memref<1x1x128xi32, #tpu.memory_space<vmem>>
    %dma_wait3A_116 = tpu.memref_squeeze %dma_wait3A_115 : memref<1x1x128xi32, #tpu.memory_space<vmem>> -> memref<128xi32, #tpu.memory_space<vmem>>
    %dma_wait3A_117 = arith.constant 0 : i32
    %dma_wait3A_118 = arith.constant 0 : i32
    %dma_wait3A_119 = tpu.memref_slice %arg2[%dma_wait3A_117, %dma_wait3A_118] : memref<10240x128xf32, #tpu.memory_space<hbm>> -> memref<10240x128xf32, #tpu.memory_space<hbm>>
    tpu.wait_indirect_dma semaphore(%arg10 : memref<!tpu.dma_semaphore, #tpu.memory_space<semaphore_mem>>) src(%dma_wait3A_119 : memref<10240x128xf32, #tpu.memory_space<hbm>>) dst(%arg8 : memref<128x128xf32, #tpu.memory_space<vmem>>)
    %dma_start3A_120 = arith.constant 0 : i32
    %dma_start3A_121 = arith.constant 1 : i32
    %dma_start3A_122 = arith.constant 0 : i32
    %dma_start3A_123 = tpu.memref_slice %arg5[%dma_start3A_120, %dma_start3A_121, %dma_start3A_122] : memref<40x2x128xi32, #tpu.memory_space<vmem>> -> memref<1x1x128xi32, #tpu.memory_space<vmem>>
    %dma_start3A_124 = tpu.memref_squeeze %dma_start3A_123 : memref<1x1x128xi32, #tpu.memory_space<vmem>> -> memref<128xi32, #tpu.memory_space<vmem>>
    %dma_start3A_125 = arith.constant 0 : i32
    %dma_start3A_126 = arith.constant 0 : i32
    %dma_start3A_127 = tpu.memref_slice %arg6[%dma_start3A_125, %dma_start3A_126] : memref<10240x128xf32, #tpu.memory_space<vmem_shared>> -> memref<10240x128xf32, #tpu.memory_space<vmem_shared>>
    tpu.enqueue_indirect_dma source(%arg7 : memref<128x128xf32, #tpu.memory_space<vmem>>) target(%dma_start3A_127 : memref<10240x128xf32, #tpu.memory_space<vmem_shared>>) offsets(%dma_start3A_124 : memref<128xi32, #tpu.memory_space<vmem>>) semaphore(%arg11 : memref<!tpu.dma_semaphore, #tpu.memory_space<semaphore_mem>>) {add = true}
    %dma_start3A_128 = arith.constant 1 : i32
    %dma_start3A_129 = arith.constant 1 : i32
    %dma_start3A_130 = arith.constant 0 : i32
    %dma_start3A_131 = tpu.memref_slice %arg5[%dma_start3A_128, %dma_start3A_129, %dma_start3A_130] : memref<40x2x128xi32, #tpu.memory_space<vmem>> -> memref<1x1x128xi32, #tpu.memory_space<vmem>>
    %dma_start3A_132 = tpu.memref_squeeze %dma_start3A_131 : memref<1x1x128xi32, #tpu.memory_space<vmem>> -> memref<128xi32, #tpu.memory_space<vmem>>
    %dma_start3A_133 = arith.constant 0 : i32
    %dma_start3A_134 = arith.constant 0 : i32
    %dma_start3A_135 = tpu.memref_slice %arg6[%dma_start3A_133, %dma_start3A_134] : memref<10240x128xf32, #tpu.memory_space<vmem_shared>> -> memref<10240x128xf32, #tpu.memory_space<vmem_shared>>
    tpu.enqueue_indirect_dma source(%arg8 : memref<128x128xf32, #tpu.memory_space<vmem>>) target(%dma_start3A_135 : memref<10240x128xf32, #tpu.memory_space<vmem_shared>>) offsets(%dma_start3A_132 : memref<128xi32, #tpu.memory_space<vmem>>) semaphore(%arg12 : memref<!tpu.dma_semaphore, #tpu.memory_space<semaphore_mem>>) {add = true}
    %scan3A_136 = arith.constant 0 : i32
    %scan3A_137 = arith.constant 0 : i32
    %scan3A_138 = arith.constant 19 : i32
    %scan3A_139 = arith.addi %scan3A_137, %scan3A_138 : i32
    %scan3A_140 = arith.constant 1 : i32
    scf.for %scan3A_184 = %scan3A_137 to %scan3A_139 step %scan3A_140  : i32 {
      %mul3A_185 = arith.constant 2 : i32
      %mul3A_186 = arith.muli %scan3A_184, %mul3A_185 : i32
      %add3A_187 = arith.constant 0 : i32
      %add3A_188 = arith.addi %mul3A_186, %add3A_187 : i32
      %dma_wait3A_189 = arith.constant 1 : i32
      %dma_wait3A_190 = arith.constant 0 : i32
      %dma_wait3A_191 = tpu.memref_slice %arg5[%add3A_188, %dma_wait3A_189, %dma_wait3A_190] : memref<40x2x128xi32, #tpu.memory_space<vmem>> -> memref<1x1x128xi32, #tpu.memory_space<vmem>>
      %dma_wait3A_192 = tpu.memref_squeeze %dma_wait3A_191 : memref<1x1x128xi32, #tpu.memory_space<vmem>> -> memref<128xi32, #tpu.memory_space<vmem>>
      %dma_wait3A_193 = arith.constant 0 : i32
      %dma_wait3A_194 = arith.constant 0 : i32
      %dma_wait3A_195 = tpu.memref_slice %arg6[%dma_wait3A_193, %dma_wait3A_194] : memref<10240x128xf32, #tpu.memory_space<vmem_shared>> -> memref<10240x128xf32, #tpu.memory_space<vmem_shared>>
      tpu.wait_indirect_dma semaphore(%arg11 : memref<!tpu.dma_semaphore, #tpu.memory_space<semaphore_mem>>) src(%arg7 : memref<128x128xf32, #tpu.memory_space<vmem>>) dst(%dma_wait3A_195 : memref<10240x128xf32, #tpu.memory_space<vmem_shared>>)
      %add3A_196 = arith.constant 2 : i32
      %add3A_197 = arith.addi %add3A_188, %add3A_196 : i32
      %dma_start3A_198 = arith.constant 1 : i32
      %dma_start3A_199 = arith.constant 0 : i32
      %dma_start3A_200 = tpu.memref_slice %arg5[%add3A_197, %dma_start3A_198, %dma_start3A_199] : memref<40x2x128xi32, #tpu.memory_space<vmem>> -> memref<1x1x128xi32, #tpu.memory_space<vmem>>
      %dma_start3A_201 = tpu.memref_squeeze %dma_start3A_200 : memref<1x1x128xi32, #tpu.memory_space<vmem>> -> memref<128xi32, #tpu.memory_space<vmem>>
      %dma_start3A_202 = arith.constant 0 : i32
      %dma_start3A_203 = arith.constant 0 : i32
      %dma_start3A_204 = tpu.memref_slice %arg6[%dma_start3A_202, %dma_start3A_203] : memref<10240x128xf32, #tpu.memory_space<vmem_shared>> -> memref<10240x128xf32, #tpu.memory_space<vmem_shared>>
      tpu.enqueue_indirect_dma source(%arg7 : memref<128x128xf32, #tpu.memory_space<vmem>>) target(%dma_start3A_204 : memref<10240x128xf32, #tpu.memory_space<vmem_shared>>) offsets(%dma_start3A_201 : memref<128xi32, #tpu.memory_space<vmem>>) semaphore(%arg11 : memref<!tpu.dma_semaphore, #tpu.memory_space<semaphore_mem>>) {add = true}
      %mul3A_205 = arith.constant 2 : i32
      %mul3A_206 = arith.muli %scan3A_184, %mul3A_205 : i32
      %add3A_207 = arith.constant 1 : i32
      %add3A_208 = arith.addi %mul3A_206, %add3A_207 : i32
      %dma_wait3A_209 = arith.constant 1 : i32
      %dma_wait3A_210 = arith.constant 0 : i32
      %dma_wait3A_211 = tpu.memref_slice %arg5[%add3A_208, %dma_wait3A_209, %dma_wait3A_210] : memref<40x2x128xi32, #tpu.memory_space<vmem>> -> memref<1x1x128xi32, #tpu.memory_space<vmem>>
      %dma_wait3A_212 = tpu.memref_squeeze %dma_wait3A_211 : memref<1x1x128xi32, #tpu.memory_space<vmem>> -> memref<128xi32, #tpu.memory_space<vmem>>
      %dma_wait3A_213 = arith.constant 0 : i32
      %dma_wait3A_214 = arith.constant 0 : i32
      %dma_wait3A_215 = tpu.memref_slice %arg6[%dma_wait3A_213, %dma_wait3A_214] : memref<10240x128xf32, #tpu.memory_space<vmem_shared>> -> memref<10240x128xf32, #tpu.memory_space<vmem_shared>>
      tpu.wait_indirect_dma semaphore(%arg12 : memref<!tpu.dma_semaphore, #tpu.memory_space<semaphore_mem>>) src(%arg8 : memref<128x128xf32, #tpu.memory_space<vmem>>) dst(%dma_wait3A_215 : memref<10240x128xf32, #tpu.memory_space<vmem_shared>>)
      %add3A_216 = arith.constant 2 : i32
      %add3A_217 = arith.addi %add3A_208, %add3A_216 : i32
      %dma_start3A_218 = arith.constant 1 : i32
      %dma_start3A_219 = arith.constant 0 : i32
      %dma_start3A_220 = tpu.memref_slice %arg5[%add3A_217, %dma_start3A_218, %dma_start3A_219] : memref<40x2x128xi32, #tpu.memory_space<vmem>> -> memref<1x1x128xi32, #tpu.memory_space<vmem>>
      %dma_start3A_221 = tpu.memref_squeeze %dma_start3A_220 : memref<1x1x128xi32, #tpu.memory_space<vmem>> -> memref<128xi32, #tpu.memory_space<vmem>>
      %dma_start3A_222 = arith.constant 0 : i32
      %dma_start3A_223 = arith.constant 0 : i32
      %dma_start3A_224 = tpu.memref_slice %arg6[%dma_start3A_222, %dma_start3A_223] : memref<10240x128xf32, #tpu.memory_space<vmem_shared>> -> memref<10240x128xf32, #tpu.memory_space<vmem_shared>>
      tpu.enqueue_indirect_dma source(%arg8 : memref<128x128xf32, #tpu.memory_space<vmem>>) target(%dma_start3A_224 : memref<10240x128xf32, #tpu.memory_space<vmem_shared>>) offsets(%dma_start3A_221 : memref<128xi32, #tpu.memory_space<vmem>>) semaphore(%arg12 : memref<!tpu.dma_semaphore, #tpu.memory_space<semaphore_mem>>) {add = true}
    }
    %scan3A_141 = arith.constant 19 : i32
    %dma_wait3A_142 = arith.constant 38 : i32
    %dma_wait3A_143 = arith.constant 1 : i32
    %dma_wait3A_144 = arith.constant 0 : i32
    %dma_wait3A_145 = tpu.memref_slice %arg5[%dma_wait3A_142, %dma_wait3A_143, %dma_wait3A_144] : memref<40x2x128xi32, #tpu.memory_space<vmem>> -> memref<1x1x128xi32, #tpu.memory_space<vmem>>
    %dma_wait3A_146 = tpu.memref_squeeze %dma_wait3A_145 : memref<1x1x128xi32, #tpu.memory_space<vmem>> -> memref<128xi32, #tpu.memory_space<vmem>>
    %dma_wait3A_147 = arith.constant 0 : i32
    %dma_wait3A_148 = arith.constant 0 : i32
    %dma_wait3A_149 = tpu.memref_slice %arg6[%dma_wait3A_147, %dma_wait3A_148] : memref<10240x128xf32, #tpu.memory_space<vmem_shared>> -> memref<10240x128xf32, #tpu.memory_space<vmem_shared>>
    tpu.wait_indirect_dma semaphore(%arg11 : memref<!tpu.dma_semaphore, #tpu.memory_space<semaphore_mem>>) src(%arg7 : memref<128x128xf32, #tpu.memory_space<vmem>>) dst(%dma_wait3A_149 : memref<10240x128xf32, #tpu.memory_space<vmem_shared>>)
    %dma_wait3A_150 = arith.constant 39 : i32
    %dma_wait3A_151 = arith.constant 1 : i32
    %dma_wait3A_152 = arith.constant 0 : i32
    %dma_wait3A_153 = tpu.memref_slice %arg5[%dma_wait3A_150, %dma_wait3A_151, %dma_wait3A_152] : memref<40x2x128xi32, #tpu.memory_space<vmem>> -> memref<1x1x128xi32, #tpu.memory_space<vmem>>
    %dma_wait3A_154 = tpu.memref_squeeze %dma_wait3A_153 : memref<1x1x128xi32, #tpu.memory_space<vmem>> -> memref<128xi32, #tpu.memory_space<vmem>>
    %dma_wait3A_155 = arith.constant 0 : i32
    %dma_wait3A_156 = arith.constant 0 : i32
    %dma_wait3A_157 = tpu.memref_slice %arg6[%dma_wait3A_155, %dma_wait3A_156] : memref<10240x128xf32, #tpu.memory_space<vmem_shared>> -> memref<10240x128xf32, #tpu.memory_space<vmem_shared>>
    tpu.wait_indirect_dma semaphore(%arg12 : memref<!tpu.dma_semaphore, #tpu.memory_space<semaphore_mem>>) src(%arg8 : memref<128x128xf32, #tpu.memory_space<vmem>>) dst(%dma_wait3A_157 : memref<10240x128xf32, #tpu.memory_space<vmem_shared>>)
    %barrier3A_158 = arith.constant 0 : index
    tpu.barrier barrier_id(%barrier3A_158)
    %add3A_159 = arith.constant 0 : i32
    %add3A_160 = arith.addi %mul3A_2, %add3A_159 : i32
    %mul3A_161 = arith.constant 10240 : i32
    %mul3A_162 = arith.muli %arg0, %mul3A_161 : i32
    %add3A_163 = arith.addi %mul3A_162, %add3A_160 : i32
    "tpu.region"() ({
      %run_scoped3A = tpu.sem_alloc : memref<!tpu.dma_semaphore, #tpu.memory_space<semaphore_mem>>
      %dma_start3A_184 = arith.constant 0 : i32
      %dma_start3A_185 = tpu.memref_slice %arg4[%add3A_163, %dma_start3A_184] : memref<20480x128xf32, #tpu.memory_space<hbm>> -> memref<128x128xf32, #tpu.memory_space<hbm>>
      %dma_start3A_186 = arith.constant 0 : i32
      %dma_start3A_187 = tpu.memref_slice %arg6[%add3A_160, %dma_start3A_186] : memref<10240x128xf32, #tpu.memory_space<vmem_shared>> -> memref<128x128xf32, #tpu.memory_space<vmem_shared>>
      tpu.enqueue_dma source(%dma_start3A_187 : memref<128x128xf32, #tpu.memory_space<vmem_shared>>) target(%dma_start3A_185 : memref<128x128xf32, #tpu.memory_space<hbm>>) target_semaphore(%run_scoped3A : memref<!tpu.dma_semaphore, #tpu.memory_space<semaphore_mem>>)
      %dma_wait3A_188 = arith.constant 0 : i32
      %dma_wait3A_189 = tpu.memref_slice %arg4[%add3A_163, %dma_wait3A_188] : memref<20480x128xf32, #tpu.memory_space<hbm>> -> memref<128x128xf32, #tpu.memory_space<hbm>>
      %dma_wait3A_190 = arith.constant 0 : i32
      %dma_wait3A_191 = tpu.memref_slice %arg6[%add3A_160, %dma_wait3A_190] : memref<10240x128xf32, #tpu.memory_space<vmem_shared>> -> memref<128x128xf32, #tpu.memory_space<vmem_shared>>
      tpu.wait_dma2 semaphore(%run_scoped3A : memref<!tpu.dma_semaphore, #tpu.memory_space<semaphore_mem>>) src(%dma_wait3A_191 : memref<128x128xf32, #tpu.memory_space<vmem_shared>>) dst(%dma_wait3A_189 : memref<128x128xf32, #tpu.memory_space<hbm>>)
      tpu.yield
    }) : () -> ()
    %add3A_164 = arith.constant 128 : i32
    %add3A_165 = arith.addi %mul3A_2, %add3A_164 : i32
    %mul3A_166 = arith.constant 10240 : i32
    %mul3A_167 = arith.muli %arg0, %mul3A_166 : i32
    %add3A_168 = arith.addi %mul3A_167, %add3A_165 : i32
    "tpu.region"() ({
      %run_scoped3A = tpu.sem_alloc : memref<!tpu.dma_semaphore, #tpu.memory_space<semaphore_mem>>
      %dma_start3A_184 = arith.constant 0 : i32
      %dma_start3A_185 = tpu.memref_slice %arg4[%add3A_168, %dma_start3A_184] : memref<20480x128xf32, #tpu.memory_space<hbm>> -> memref<128x128xf32, #tpu.memory_space<hbm>>
      %dma_start3A_186 = arith.constant 0 : i32
      %dma_start3A_187 = tpu.memref_slice %arg6[%add3A_165, %dma_start3A_186] : memref<10240x128xf32, #tpu.memory_space<vmem_shared>> -> memref<128x128xf32, #tpu.memory_space<vmem_shared>>
      tpu.enqueue_dma source(%dma_start3A_187 : memref<128x128xf32, #tpu.memory_space<vmem_shared>>) target(%dma_start3A_185 : memref<128x128xf32, #tpu.memory_space<hbm>>) target_semaphore(%run_scoped3A : memref<!tpu.dma_semaphore, #tpu.memory_space<semaphore_mem>>)
      %dma_wait3A_188 = arith.constant 0 : i32
      %dma_wait3A_189 = tpu.memref_slice %arg4[%add3A_168, %dma_wait3A_188] : memref<20480x128xf32, #tpu.memory_space<hbm>> -> memref<128x128xf32, #tpu.memory_space<hbm>>
      %dma_wait3A_190 = arith.constant 0 : i32
      %dma_wait3A_191 = tpu.memref_slice %arg6[%add3A_165, %dma_wait3A_190] : memref<10240x128xf32, #tpu.memory_space<vmem_shared>> -> memref<128x128xf32, #tpu.memory_space<vmem_shared>>
      tpu.wait_dma2 semaphore(%run_scoped3A : memref<!tpu.dma_semaphore, #tpu.memory_space<semaphore_mem>>) src(%dma_wait3A_191 : memref<128x128xf32, #tpu.memory_space<vmem_shared>>) dst(%dma_wait3A_189 : memref<128x128xf32, #tpu.memory_space<hbm>>)
      tpu.yield
    }) : () -> ()
    %add3A_169 = arith.constant 256 : i32
    %add3A_170 = arith.addi %mul3A_2, %add3A_169 : i32
    %mul3A_171 = arith.constant 10240 : i32
    %mul3A_172 = arith.muli %arg0, %mul3A_171 : i32
    %add3A_173 = arith.addi %mul3A_172, %add3A_170 : i32
    "tpu.region"() ({
      %run_scoped3A = tpu.sem_alloc : memref<!tpu.dma_semaphore, #tpu.memory_space<semaphore_mem>>
      %dma_start3A_184 = arith.constant 0 : i32
      %dma_start3A_185 = tpu.memref_slice %arg4[%add3A_173, %dma_start3A_184] : memref<20480x128xf32, #tpu.memory_space<hbm>> -> memref<128x128xf32, #tpu.memory_space<hbm>>
      %dma_start3A_186 = arith.constant 0 : i32
      %dma_start3A_187 = tpu.memref_slice %arg6[%add3A_170, %dma_start3A_186] : memref<10240x128xf32, #tpu.memory_space<vmem_shared>> -> memref<128x128xf32, #tpu.memory_space<vmem_shared>>
      tpu.enqueue_dma source(%dma_start3A_187 : memref<128x128xf32, #tpu.memory_space<vmem_shared>>) target(%dma_start3A_185 : memref<128x128xf32, #tpu.memory_space<hbm>>) target_semaphore(%run_scoped3A : memref<!tpu.dma_semaphore, #tpu.memory_space<semaphore_mem>>)
      %dma_wait3A_188 = arith.constant 0 : i32
      %dma_wait3A_189 = tpu.memref_slice %arg4[%add3A_173, %dma_wait3A_188] : memref<20480x128xf32, #tpu.memory_space<hbm>> -> memref<128x128xf32, #tpu.memory_space<hbm>>
      %dma_wait3A_190 = arith.constant 0 : i32
      %dma_wait3A_191 = tpu.memref_slice %arg6[%add3A_170, %dma_wait3A_190] : memref<10240x128xf32, #tpu.memory_space<vmem_shared>> -> memref<128x128xf32, #tpu.memory_space<vmem_shared>>
      tpu.wait_dma2 semaphore(%run_scoped3A : memref<!tpu.dma_semaphore, #tpu.memory_space<semaphore_mem>>) src(%dma_wait3A_191 : memref<128x128xf32, #tpu.memory_space<vmem_shared>>) dst(%dma_wait3A_189 : memref<128x128xf32, #tpu.memory_space<hbm>>)
      tpu.yield
    }) : () -> ()
    %add3A_174 = arith.constant 384 : i32
    %add3A_175 = arith.addi %mul3A_2, %add3A_174 : i32
    %mul3A_176 = arith.constant 10240 : i32
    %mul3A_177 = arith.muli %arg0, %mul3A_176 : i32
    %add3A_178 = arith.addi %mul3A_177, %add3A_175 : i32
    "tpu.region"() ({
      %run_scoped3A = tpu.sem_alloc : memref<!tpu.dma_semaphore, #tpu.memory_space<semaphore_mem>>
      %dma_start3A_184 = arith.constant 0 : i32
      %dma_start3A_185 = tpu.memref_slice %arg4[%add3A_178, %dma_start3A_184] : memref<20480x128xf32, #tpu.memory_space<hbm>> -> memref<128x128xf32, #tpu.memory_space<hbm>>
      %dma_start3A_186 = arith.constant 0 : i32
      %dma_start3A_187 = tpu.memref_slice %arg6[%add3A_175, %dma_start3A_186] : memref<10240x128xf32, #tpu.memory_space<vmem_shared>> -> memref<128x128xf32, #tpu.memory_space<vmem_shared>>
      tpu.enqueue_dma source(%dma_start3A_187 : memref<128x128xf32, #tpu.memory_space<vmem_shared>>) target(%dma_start3A_185 : memref<128x128xf32, #tpu.memory_space<hbm>>) target_semaphore(%run_scoped3A : memref<!tpu.dma_semaphore, #tpu.memory_space<semaphore_mem>>)
      %dma_wait3A_188 = arith.constant 0 : i32
      %dma_wait3A_189 = tpu.memref_slice %arg4[%add3A_178, %dma_wait3A_188] : memref<20480x128xf32, #tpu.memory_space<hbm>> -> memref<128x128xf32, #tpu.memory_space<hbm>>
      %dma_wait3A_190 = arith.constant 0 : i32
      %dma_wait3A_191 = tpu.memref_slice %arg6[%add3A_175, %dma_wait3A_190] : memref<10240x128xf32, #tpu.memory_space<vmem_shared>> -> memref<128x128xf32, #tpu.memory_space<vmem_shared>>
      tpu.wait_dma2 semaphore(%run_scoped3A : memref<!tpu.dma_semaphore, #tpu.memory_space<semaphore_mem>>) src(%dma_wait3A_191 : memref<128x128xf32, #tpu.memory_space<vmem_shared>>) dst(%dma_wait3A_189 : memref<128x128xf32, #tpu.memory_space<hbm>>)
      tpu.yield
    }) : () -> ()
    %add3A_179 = arith.constant 512 : i32
    %add3A_180 = arith.addi %mul3A_2, %add3A_179 : i32
    %mul3A_181 = arith.constant 10240 : i32
    %mul3A_182 = arith.muli %arg0, %mul3A_181 : i32
    %add3A_183 = arith.addi %mul3A_182, %add3A_180 : i32
    "tpu.region"() ({
      %run_scoped3A = tpu.sem_alloc : memref<!tpu.dma_semaphore, #tpu.memory_space<semaphore_mem>>
      %dma_start3A_184 = arith.constant 0 : i32
      %dma_start3A_185 = tpu.memref_slice %arg4[%add3A_183, %dma_start3A_184] : memref<20480x128xf32, #tpu.memory_space<hbm>> -> memref<128x128xf32, #tpu.memory_space<hbm>>
      %dma_start3A_186 = arith.constant 0 : i32
      %dma_start3A_187 = tpu.memref_slice %arg6[%add3A_180, %dma_start3A_186] : memref<10240x128xf32, #tpu.memory_space<vmem_shared>> -> memref<128x128xf32, #tpu.memory_space<vmem_shared>>
      tpu.enqueue_dma source(%dma_start3A_187 : memref<128x128xf32, #tpu.memory_space<vmem_shared>>) target(%dma_start3A_185 : memref<128x128xf32, #tpu.memory_space<hbm>>) target_semaphore(%run_scoped3A : memref<!tpu.dma_semaphore, #tpu.memory_space<semaphore_mem>>)
      %dma_wait3A_188 = arith.constant 0 : i32
      %dma_wait3A_189 = tpu.memref_slice %arg4[%add3A_183, %dma_wait3A_188] : memref<20480x128xf32, #tpu.memory_space<hbm>> -> memref<128x128xf32, #tpu.memory_space<hbm>>
      %dma_wait3A_190 = arith.constant 0 : i32
      %dma_wait3A_191 = tpu.memref_slice %arg6[%add3A_180, %dma_wait3A_190] : memref<10240x128xf32, #tpu.memory_space<vmem_shared>> -> memref<128x128xf32, #tpu.memory_space<vmem_shared>>
      tpu.wait_dma2 semaphore(%run_scoped3A : memref<!tpu.dma_semaphore, #tpu.memory_space<semaphore_mem>>) src(%dma_wait3A_191 : memref<128x128xf32, #tpu.memory_space<vmem_shared>>) dst(%dma_wait3A_189 : memref<128x128xf32, #tpu.memory_space<hbm>>)
      tpu.yield
    }) : () -> ()
    return
  }
}

#map = affine_map<(d0, d1) -> (0, 0)>
#map1 = affine_map<(d0, d1) -> (0, 0, 0)>
module attributes {stable_mosaic.version = 14 : i64} {
  func.func @_spmm_kernel(%arg0: i32, %arg1: i32, %arg2: memref<10240x128xf32, #tpu.memory_space<hbm>>, %arg3: memref<2560x2x128xi32, #tpu.memory_space<hbm>>, %arg4: memref<20480x128xf32, #tpu.memory_space<hbm>>, %arg5: memref<40x2x128xi32, #tpu.memory_space<vmem>>, %arg6: memref<10240x128xf32, #tpu.memory_space<vmem_shared>>, %arg7: memref<128x128xf32, #tpu.memory_space<vmem>>, %arg8: memref<128x128xf32, #tpu.memory_space<vmem>>, %arg9: memref<!tpu.dma_semaphore, #tpu.memory_space<semaphore_mem>>, %arg10: memref<!tpu.dma_semaphore, #tpu.memory_space<semaphore_mem>>, %arg11: memref<!tpu.dma_semaphore, #tpu.memory_space<semaphore_mem>>, %arg12: memref<!tpu.dma_semaphore, #tpu.memory_space<semaphore_mem>>) attributes {dimension_semantics = [#tpu.dimension_semantics<core_parallel>, #tpu.dimension_semantics<subcore_parallel>], iteration_bounds = array<i64: 2, 16>, scalar_prefetch = 0 : i64, scratch_operands = 8 : i64, tpu.core_type = #tpu.core_type<sc_vector_subcore>, window_params = [{transform_indices = #map}, {transform_indices = #map1}, {transform_indices = #map}]} {
    %mul3A = arith.constant 16 : i32
    %mul3A_0 = arith.muli %arg0, %mul3A : i32
    %add3A = arith.addi %mul3A_0, %arg1 : i32
    %mul3A_1 = arith.constant 640 : i32
    %mul3A_2 = arith.muli %arg1, %mul3A_1 : i32
    %add3A_3 = arith.constant 0 : i32
    %add3A_4 = arith.addi %mul3A_2, %add3A_3 : i32
    "tpu.region"() ({
      %run_scoped3A = tpu.sem_alloc : memref<!tpu.dma_semaphore, #tpu.memory_space<semaphore_mem>>
      %dma_start3A_184 = arith.constant 0 : i32
      %dma_start3A_185 = tpu.memref_slice %arg6[%add3A_4, %dma_start3A_184] : memref<10240x128xf32, #tpu.memory_space<vmem_shared>> -> memref<128x128xf32, #tpu.memory_space<vmem_shared>>
      %dma_start3A_186 = arith.constant 10112 : i32
      %dma_start3A_187 = arith.constant 0 : i32
      %dma_start3A_188 = tpu.memref_slice %arg2[%dma_start3A_186, %dma_start3A_187] : memref<10240x128xf32, #tpu.memory_space<hbm>> -> memref<128x128xf32, #tpu.memory_space<hbm>>
      tpu.enqueue_dma source(%dma_start3A_188 : memref<128x128xf32, #tpu.memory_space<hbm>>) target(%dma_start3A_185 : memref<128x128xf32, #tpu.memory_space<vmem_shared>>) target_semaphore(%run_scoped3A : memref<!tpu.dma_semaphore, #tpu.memory_space<semaphore_mem>>)
      %dma_wait3A_189 = arith.constant 0 : i32
      %dma_wait3A_190 = tpu.memref_slice %arg6[%add3A_4, %dma_wait3A_189] : memref<10240x128xf32, #tpu.memory_space<vmem_shared>> -> memref<128x128xf32, #tpu.memory_space<vmem_shared>>
      %dma_wait3A_191 = arith.constant 10112 : i32
      %dma_wait3A_192 = arith.constant 0 : i32
      %dma_wait3A_193 = tpu.memref_slice %arg2[%dma_wait3A_191, %dma_wait3A_192] : memref<10240x128xf32, #tpu.memory_space<hbm>> -> memref<128x128xf32, #tpu.memory_space<hbm>>
      tpu.wait_dma2 semaphore(%run_scoped3A : memref<!tpu.dma_semaphore, #tpu.memory_space<semaphore_mem>>) src(%dma_wait3A_193 : memref<128x128xf32, #tpu.memory_space<hbm>>) dst(%dma_wait3A_190 : memref<128x128xf32, #tpu.memory_space<vmem_shared>>)
      tpu.yield
    }) : () -> ()
    %add3A_5 = arith.constant 128 : i32
    %add3A_6 = arith.addi %mul3A_2, %add3A_5 : i32
    "tpu.region"() ({
      %run_scoped3A = tpu.sem_alloc : memref<!tpu.dma_semaphore, #tpu.memory_space<semaphore_mem>>
      %dma_start3A_184 = arith.constant 0 : i32
      %dma_start3A_185 = tpu.memref_slice %arg6[%add3A_6, %dma_start3A_184] : memref<10240x128xf32, #tpu.memory_space<vmem_shared>> -> memref<128x128xf32, #tpu.memory_space<vmem_shared>>
      %dma_start3A_186 = arith.constant 10112 : i32
      %dma_start3A_187 = arith.constant 0 : i32
      %dma_start3A_188 = tpu.memref_slice %arg2[%dma_start3A_186, %dma_start3A_187] : memref<10240x128xf32, #tpu.memory_space<hbm>> -> memref<128x128xf32, #tpu.memory_space<hbm>>
      tpu.enqueue_dma source(%dma_start3A_188 : memref<128x128xf32, #tpu.memory_space<hbm>>) target(%dma_start3A_185 : memref<128x128xf32, #tpu.memory_space<vmem_shared>>) target_semaphore(%run_scoped3A : memref<!tpu.dma_semaphore, #tpu.memory_space<semaphore_mem>>)
      %dma_wait3A_189 = arith.constant 0 : i32
      %dma_wait3A_190 = tpu.memref_slice %arg6[%add3A_6, %dma_wait3A_189] : memref<10240x128xf32, #tpu.memory_space<vmem_shared>> -> memref<128x128xf32, #tpu.memory_space<vmem_shared>>
      %dma_wait3A_191 = arith.constant 10112 : i32
      %dma_wait3A_192 = arith.constant 0 : i32
      %dma_wait3A_193 = tpu.memref_slice %arg2[%dma_wait3A_191, %dma_wait3A_192] : memref<10240x128xf32, #tpu.memory_space<hbm>> -> memref<128x128xf32, #tpu.memory_space<hbm>>
      tpu.wait_dma2 semaphore(%run_scoped3A : memref<!tpu.dma_semaphore, #tpu.memory_space<semaphore_mem>>) src(%dma_wait3A_193 : memref<128x128xf32, #tpu.memory_space<hbm>>) dst(%dma_wait3A_190 : memref<128x128xf32, #tpu.memory_space<vmem_shared>>)
      tpu.yield
    }) : () -> ()
    %add3A_7 = arith.constant 256 : i32
    %add3A_8 = arith.addi %mul3A_2, %add3A_7 : i32
    "tpu.region"() ({
      %run_scoped3A = tpu.sem_alloc : memref<!tpu.dma_semaphore, #tpu.memory_space<semaphore_mem>>
      %dma_start3A_184 = arith.constant 0 : i32
      %dma_start3A_185 = tpu.memref_slice %arg6[%add3A_8, %dma_start3A_184] : memref<10240x128xf32, #tpu.memory_space<vmem_shared>> -> memref<128x128xf32, #tpu.memory_space<vmem_shared>>
      %dma_start3A_186 = arith.constant 10112 : i32
      %dma_start3A_187 = arith.constant 0 : i32
      %dma_start3A_188 = tpu.memref_slice %arg2[%dma_start3A_186, %dma_start3A_187] : memref<10240x128xf32, #tpu.memory_space<hbm>> -> memref<128x128xf32, #tpu.memory_space<hbm>>
      tpu.enqueue_dma source(%dma_start3A_188 : memref<128x128xf32, #tpu.memory_space<hbm>>) target(%dma_start3A_185 : memref<128x128xf32, #tpu.memory_space<vmem_shared>>) target_semaphore(%run_scoped3A : memref<!tpu.dma_semaphore, #tpu.memory_space<semaphore_mem>>)
      %dma_wait3A_189 = arith.constant 0 : i32
      %dma_wait3A_190 = tpu.memref_slice %arg6[%add3A_8, %dma_wait3A_189] : memref<10240x128xf32, #tpu.memory_space<vmem_shared>> -> memref<128x128xf32, #tpu.memory_space<vmem_shared>>
      %dma_wait3A_191 = arith.constant 10112 : i32
      %dma_wait3A_192 = arith.constant 0 : i32
      %dma_wait3A_193 = tpu.memref_slice %arg2[%dma_wait3A_191, %dma_wait3A_192] : memref<10240x128xf32, #tpu.memory_space<hbm>> -> memref<128x128xf32, #tpu.memory_space<hbm>>
      tpu.wait_dma2 semaphore(%run_scoped3A : memref<!tpu.dma_semaphore, #tpu.memory_space<semaphore_mem>>) src(%dma_wait3A_193 : memref<128x128xf32, #tpu.memory_space<hbm>>) dst(%dma_wait3A_190 : memref<128x128xf32, #tpu.memory_space<vmem_shared>>)
      tpu.yield
    }) : () -> ()
    %add3A_9 = arith.constant 384 : i32
    %add3A_10 = arith.addi %mul3A_2, %add3A_9 : i32
    "tpu.region"() ({
      %run_scoped3A = tpu.sem_alloc : memref<!tpu.dma_semaphore, #tpu.memory_space<semaphore_mem>>
      %dma_start3A_184 = arith.constant 0 : i32
      %dma_start3A_185 = tpu.memref_slice %arg6[%add3A_10, %dma_start3A_184] : memref<10240x128xf32, #tpu.memory_space<vmem_shared>> -> memref<128x128xf32, #tpu.memory_space<vmem_shared>>
      %dma_start3A_186 = arith.constant 10112 : i32
      %dma_start3A_187 = arith.constant 0 : i32
      %dma_start3A_188 = tpu.memref_slice %arg2[%dma_start3A_186, %dma_start3A_187] : memref<10240x128xf32, #tpu.memory_space<hbm>> -> memref<128x128xf32, #tpu.memory_space<hbm>>
      tpu.enqueue_dma source(%dma_start3A_188 : memref<128x128xf32, #tpu.memory_space<hbm>>) target(%dma_start3A_185 : memref<128x128xf32, #tpu.memory_space<vmem_shared>>) target_semaphore(%run_scoped3A : memref<!tpu.dma_semaphore, #tpu.memory_space<semaphore_mem>>)
      %dma_wait3A_189 = arith.constant 0 : i32
      %dma_wait3A_190 = tpu.memref_slice %arg6[%add3A_10, %dma_wait3A_189] : memref<10240x128xf32, #tpu.memory_space<vmem_shared>> -> memref<128x128xf32, #tpu.memory_space<vmem_shared>>
      %dma_wait3A_191 = arith.constant 10112 : i32
      %dma_wait3A_192 = arith.constant 0 : i32
      %dma_wait3A_193 = tpu.memref_slice %arg2[%dma_wait3A_191, %dma_wait3A_192] : memref<10240x128xf32, #tpu.memory_space<hbm>> -> memref<128x128xf32, #tpu.memory_space<hbm>>
      tpu.wait_dma2 semaphore(%run_scoped3A : memref<!tpu.dma_semaphore, #tpu.memory_space<semaphore_mem>>) src(%dma_wait3A_193 : memref<128x128xf32, #tpu.memory_space<hbm>>) dst(%dma_wait3A_190 : memref<128x128xf32, #tpu.memory_space<vmem_shared>>)
      tpu.yield
    }) : () -> ()
    %add3A_11 = arith.constant 512 : i32
    %add3A_12 = arith.addi %mul3A_2, %add3A_11 : i32
    "tpu.region"() ({
      %run_scoped3A = tpu.sem_alloc : memref<!tpu.dma_semaphore, #tpu.memory_space<semaphore_mem>>
      %dma_start3A_184 = arith.constant 0 : i32
      %dma_start3A_185 = tpu.memref_slice %arg6[%add3A_12, %dma_start3A_184] : memref<10240x128xf32, #tpu.memory_space<vmem_shared>> -> memref<128x128xf32, #tpu.memory_space<vmem_shared>>
      %dma_start3A_186 = arith.constant 10112 : i32
      %dma_start3A_187 = arith.constant 0 : i32
      %dma_start3A_188 = tpu.memref_slice %arg2[%dma_start3A_186, %dma_start3A_187] : memref<10240x128xf32, #tpu.memory_space<hbm>> -> memref<128x128xf32, #tpu.memory_space<hbm>>
      tpu.enqueue_dma source(%dma_start3A_188 : memref<128x128xf32, #tpu.memory_space<hbm>>) target(%dma_start3A_185 : memref<128x128xf32, #tpu.memory_space<vmem_shared>>) target_semaphore(%run_scoped3A : memref<!tpu.dma_semaphore, #tpu.memory_space<semaphore_mem>>)
      %dma_wait3A_189 = arith.constant 0 : i32
      %dma_wait3A_190 = tpu.memref_slice %arg6[%add3A_12, %dma_wait3A_189] : memref<10240x128xf32, #tpu.memory_space<vmem_shared>> -> memref<128x128xf32, #tpu.memory_space<vmem_shared>>
      %dma_wait3A_191 = arith.constant 10112 : i32
      %dma_wait3A_192 = arith.constant 0 : i32
      %dma_wait3A_193 = tpu.memref_slice %arg2[%dma_wait3A_191, %dma_wait3A_192] : memref<10240x128xf32, #tpu.memory_space<hbm>> -> memref<128x128xf32, #tpu.memory_space<hbm>>
      tpu.wait_dma2 semaphore(%run_scoped3A : memref<!tpu.dma_semaphore, #tpu.memory_space<semaphore_mem>>) src(%dma_wait3A_193 : memref<128x128xf32, #tpu.memory_space<hbm>>) dst(%dma_wait3A_190 : memref<128x128xf32, #tpu.memory_space<vmem_shared>>)
      tpu.yield
    }) : () -> ()
    %mul3A_13 = arith.constant 80 : i32
    %mul3A_14 = arith.muli %add3A, %mul3A_13 : i32
    %add3A_15 = arith.constant 0 : i32
    %add3A_16 = arith.addi %mul3A_14, %add3A_15 : i32
    "tpu.region"() ({
      %run_scoped3A = tpu.sem_alloc : memref<!tpu.dma_semaphore, #tpu.memory_space<semaphore_mem>>
      %dma_start3A_184 = arith.constant 0 : i32
      %dma_start3A_185 = arith.constant 0 : i32
      %dma_start3A_186 = tpu.memref_slice %arg3[%add3A_16, %dma_start3A_184, %dma_start3A_185] : memref<2560x2x128xi32, #tpu.memory_space<hbm>> -> memref<40x2x128xi32, #tpu.memory_space<hbm>>
      %dma_start3A_187 = arith.constant 0 : i32
      %dma_start3A_188 = arith.constant 0 : i32
      %dma_start3A_189 = tpu.memref_slice %arg3[%add3A_16, %dma_start3A_187, %dma_start3A_188] : memref<2560x2x128xi32, #tpu.memory_space<hbm>> -> memref<40x2x128xi32, #tpu.memory_space<hbm>>
      tpu.enqueue_dma source(%dma_start3A_189 : memref<40x2x128xi32, #tpu.memory_space<hbm>>) target(%arg5 : memref<40x2x128xi32, #tpu.memory_space<vmem>>) target_semaphore(%run_scoped3A : memref<!tpu.dma_semaphore, #tpu.memory_space<semaphore_mem>>)
      %dma_wait3A_190 = arith.constant 0 : i32
      %dma_wait3A_191 = arith.constant 0 : i32
      %dma_wait3A_192 = tpu.memref_slice %arg3[%add3A_16, %dma_wait3A_190, %dma_wait3A_191] : memref<2560x2x128xi32, #tpu.memory_space<hbm>> -> memref<40x2x128xi32, #tpu.memory_space<hbm>>
      %dma_wait3A_193 = arith.constant 0 : i32
      %dma_wait3A_194 = arith.constant 0 : i32
      %dma_wait3A_195 = tpu.memref_slice %arg3[%add3A_16, %dma_wait3A_193, %dma_wait3A_194] : memref<2560x2x128xi32, #tpu.memory_space<hbm>> -> memref<40x2x128xi32, #tpu.memory_space<hbm>>
      tpu.wait_dma2 semaphore(%run_scoped3A : memref<!tpu.dma_semaphore, #tpu.memory_space<semaphore_mem>>) src(%dma_wait3A_195 : memref<40x2x128xi32, #tpu.memory_space<hbm>>) dst(%arg5 : memref<40x2x128xi32, #tpu.memory_space<vmem>>)
      tpu.yield
    }) : () -> ()
    %barrier3A = arith.constant 0 : index
    tpu.barrier barrier_id(%barrier3A)
    %dma_start3A = arith.constant 0 : i32
    %dma_start3A_17 = arith.constant 0 : i32
    %dma_start3A_18 = arith.constant 0 : i32
    %dma_start3A_19 = tpu.memref_slice %arg5[%dma_start3A, %dma_start3A_17, %dma_start3A_18] : memref<40x2x128xi32, #tpu.memory_space<vmem>> -> memref<1x1x128xi32, #tpu.memory_space<vmem>>
    %dma_start3A_20 = tpu.memref_squeeze %dma_start3A_19 : memref<1x1x128xi32, #tpu.memory_space<vmem>> -> memref<128xi32, #tpu.memory_space<vmem>>
    %dma_start3A_21 = arith.constant 0 : i32
    %dma_start3A_22 = arith.constant 0 : i32
    %dma_start3A_23 = tpu.memref_slice %arg2[%dma_start3A_21, %dma_start3A_22] : memref<10240x128xf32, #tpu.memory_space<hbm>> -> memref<10240x128xf32, #tpu.memory_space<hbm>>
    tpu.enqueue_indirect_dma source(%dma_start3A_23 : memref<10240x128xf32, #tpu.memory_space<hbm>>) target(%arg7 : memref<128x128xf32, #tpu.memory_space<vmem>>) offsets(%dma_start3A_20 : memref<128xi32, #tpu.memory_space<vmem>>) semaphore(%arg9 : memref<!tpu.dma_semaphore, #tpu.memory_space<semaphore_mem>>)
    %dma_start3A_24 = arith.constant 1 : i32
    %dma_start3A_25 = arith.constant 0 : i32
    %dma_start3A_26 = arith.constant 0 : i32
    %dma_start3A_27 = tpu.memref_slice %arg5[%dma_start3A_24, %dma_start3A_25, %dma_start3A_26] : memref<40x2x128xi32, #tpu.memory_space<vmem>> -> memref<1x1x128xi32, #tpu.memory_space<vmem>>
    %dma_start3A_28 = tpu.memref_squeeze %dma_start3A_27 : memref<1x1x128xi32, #tpu.memory_space<vmem>> -> memref<128xi32, #tpu.memory_space<vmem>>
    %dma_start3A_29 = arith.constant 0 : i32
    %dma_start3A_30 = arith.constant 0 : i32
    %dma_start3A_31 = tpu.memref_slice %arg2[%dma_start3A_29, %dma_start3A_30] : memref<10240x128xf32, #tpu.memory_space<hbm>> -> memref<10240x128xf32, #tpu.memory_space<hbm>>
    tpu.enqueue_indirect_dma source(%dma_start3A_31 : memref<10240x128xf32, #tpu.memory_space<hbm>>) target(%arg8 : memref<128x128xf32, #tpu.memory_space<vmem>>) offsets(%dma_start3A_28 : memref<128xi32, #tpu.memory_space<vmem>>) semaphore(%arg10 : memref<!tpu.dma_semaphore, #tpu.memory_space<semaphore_mem>>)
    %dma_wait3A = arith.constant 0 : i32
    %dma_wait3A_32 = arith.constant 0 : i32
    %dma_wait3A_33 = arith.constant 0 : i32
    %dma_wait3A_34 = tpu.memref_slice %arg5[%dma_wait3A, %dma_wait3A_32, %dma_wait3A_33] : memref<40x2x128xi32, #tpu.memory_space<vmem>> -> memref<1x1x128xi32, #tpu.memory_space<vmem>>
    %dma_wait3A_35 = tpu.memref_squeeze %dma_wait3A_34 : memref<1x1x128xi32, #tpu.memory_space<vmem>> -> memref<128xi32, #tpu.memory_space<vmem>>
    %dma_wait3A_36 = arith.constant 0 : i32
    %dma_wait3A_37 = arith.constant 0 : i32
    %dma_wait3A_38 = tpu.memref_slice %arg2[%dma_wait3A_36, %dma_wait3A_37] : memref<10240x128xf32, #tpu.memory_space<hbm>> -> memref<10240x128xf32, #tpu.memory_space<hbm>>
    tpu.wait_indirect_dma semaphore(%arg9 : memref<!tpu.dma_semaphore, #tpu.memory_space<semaphore_mem>>) src(%dma_wait3A_38 : memref<10240x128xf32, #tpu.memory_space<hbm>>) dst(%arg7 : memref<128x128xf32, #tpu.memory_space<vmem>>)
    %dma_wait3A_39 = arith.constant 1 : i32
    %dma_wait3A_40 = arith.constant 0 : i32
    %dma_wait3A_41 = arith.constant 0 : i32
    %dma_wait3A_42 = tpu.memref_slice %arg5[%dma_wait3A_39, %dma_wait3A_40, %dma_wait3A_41] : memref<40x2x128xi32, #tpu.memory_space<vmem>> -> memref<1x1x128xi32, #tpu.memory_space<vmem>>
    %dma_wait3A_43 = tpu.memref_squeeze %dma_wait3A_42 : memref<1x1x128xi32, #tpu.memory_space<vmem>> -> memref<128xi32, #tpu.memory_space<vmem>>
    %dma_wait3A_44 = arith.constant 0 : i32
    %dma_wait3A_45 = arith.constant 0 : i32
    %dma_wait3A_46 = tpu.memref_slice %arg2[%dma_wait3A_44, %dma_wait3A_45] : memref<10240x128xf32, #tpu.memory_space<hbm>> -> memref<10240x128xf32, #tpu.memory_space<hbm>>
    tpu.wait_indirect_dma semaphore(%arg10 : memref<!tpu.dma_semaphore, #tpu.memory_space<semaphore_mem>>) src(%dma_wait3A_46 : memref<10240x128xf32, #tpu.memory_space<hbm>>) dst(%arg8 : memref<128x128xf32, #tpu.memory_space<vmem>>)
    %dma_start3A_47 = arith.constant 0 : i32
    %dma_start3A_48 = arith.constant 1 : i32
    %dma_start3A_49 = arith.constant 0 : i32
    %dma_start3A_50 = tpu.memref_slice %arg5[%dma_start3A_47, %dma_start3A_48, %dma_start3A_49] : memref<40x2x128xi32, #tpu.memory_space<vmem>> -> memref<1x1x128xi32, #tpu.memory_space<vmem>>
    %dma_start3A_51 = tpu.memref_squeeze %dma_start3A_50 : memref<1x1x128xi32, #tpu.memory_space<vmem>> -> memref<128xi32, #tpu.memory_space<vmem>>
    %dma_start3A_52 = arith.constant 0 : i32
    %dma_start3A_53 = arith.constant 0 : i32
    %dma_start3A_54 = tpu.memref_slice %arg6[%dma_start3A_52, %dma_start3A_53] : memref<10240x128xf32, #tpu.memory_space<vmem_shared>> -> memref<10240x128xf32, #tpu.memory_space<vmem_shared>>
    tpu.enqueue_indirect_dma source(%arg7 : memref<128x128xf32, #tpu.memory_space<vmem>>) target(%dma_start3A_54 : memref<10240x128xf32, #tpu.memory_space<vmem_shared>>) offsets(%dma_start3A_51 : memref<128xi32, #tpu.memory_space<vmem>>) semaphore(%arg11 : memref<!tpu.dma_semaphore, #tpu.memory_space<semaphore_mem>>) {add = true}
    %dma_start3A_55 = arith.constant 1 : i32
    %dma_start3A_56 = arith.constant 1 : i32
    %dma_start3A_57 = arith.constant 0 : i32
    %dma_start3A_58 = tpu.memref_slice %arg5[%dma_start3A_55, %dma_start3A_56, %dma_start3A_57] : memref<40x2x128xi32, #tpu.memory_space<vmem>> -> memref<1x1x128xi32, #tpu.memory_space<vmem>>
    %dma_start3A_59 = tpu.memref_squeeze %dma_start3A_58 : memref<1x1x128xi32, #tpu.memory_space<vmem>> -> memref<128xi32, #tpu.memory_space<vmem>>
    %dma_start3A_60 = arith.constant 0 : i32
    %dma_start3A_61 = arith.constant 0 : i32
    %dma_start3A_62 = tpu.memref_slice %arg6[%dma_start3A_60, %dma_start3A_61] : memref<10240x128xf32, #tpu.memory_space<vmem_shared>> -> memref<10240x128xf32, #tpu.memory_space<vmem_shared>>
    tpu.enqueue_indirect_dma source(%arg8 : memref<128x128xf32, #tpu.memory_space<vmem>>) target(%dma_start3A_62 : memref<10240x128xf32, #tpu.memory_space<vmem_shared>>) offsets(%dma_start3A_59 : memref<128xi32, #tpu.memory_space<vmem>>) semaphore(%arg12 : memref<!tpu.dma_semaphore, #tpu.memory_space<semaphore_mem>>) {add = true}
    %scan3A = arith.constant 0 : i32
    %scan3A_63 = arith.constant 0 : i32
    %scan3A_64 = arith.constant 19 : i32
    %scan3A_65 = arith.addi %scan3A_63, %scan3A_64 : i32
    %scan3A_66 = arith.constant 1 : i32
    scf.for %scan3A_184 = %scan3A_63 to %scan3A_65 step %scan3A_66  : i32 {
      %mul3A_185 = arith.constant 2 : i32
      %mul3A_186 = arith.muli %scan3A_184, %mul3A_185 : i32
      %add3A_187 = arith.constant 0 : i32
      %add3A_188 = arith.addi %mul3A_186, %add3A_187 : i32
      %dma_wait3A_189 = arith.constant 1 : i32
      %dma_wait3A_190 = arith.constant 0 : i32
      %dma_wait3A_191 = tpu.memref_slice %arg5[%add3A_188, %dma_wait3A_189, %dma_wait3A_190] : memref<40x2x128xi32, #tpu.memory_space<vmem>> -> memref<1x1x128xi32, #tpu.memory_space<vmem>>
      %dma_wait3A_192 = tpu.memref_squeeze %dma_wait3A_191 : memref<1x1x128xi32, #tpu.memory_space<vmem>> -> memref<128xi32, #tpu.memory_space<vmem>>
      %dma_wait3A_193 = arith.constant 0 : i32
      %dma_wait3A_194 = arith.constant 0 : i32
      %dma_wait3A_195 = tpu.memref_slice %arg6[%dma_wait3A_193, %dma_wait3A_194] : memref<10240x128xf32, #tpu.memory_space<vmem_shared>> -> memref<10240x128xf32, #tpu.memory_space<vmem_shared>>
      tpu.wait_indirect_dma semaphore(%arg11 : memref<!tpu.dma_semaphore, #tpu.memory_space<semaphore_mem>>) src(%arg7 : memref<128x128xf32, #tpu.memory_space<vmem>>) dst(%dma_wait3A_195 : memref<10240x128xf32, #tpu.memory_space<vmem_shared>>)
      %add3A_196 = arith.constant 2 : i32
      %add3A_197 = arith.addi %add3A_188, %add3A_196 : i32
      %dma_start3A_198 = arith.constant 1 : i32
      %dma_start3A_199 = arith.constant 0 : i32
      %dma_start3A_200 = tpu.memref_slice %arg5[%add3A_197, %dma_start3A_198, %dma_start3A_199] : memref<40x2x128xi32, #tpu.memory_space<vmem>> -> memref<1x1x128xi32, #tpu.memory_space<vmem>>
      %dma_start3A_201 = tpu.memref_squeeze %dma_start3A_200 : memref<1x1x128xi32, #tpu.memory_space<vmem>> -> memref<128xi32, #tpu.memory_space<vmem>>
      %dma_start3A_202 = arith.constant 0 : i32
      %dma_start3A_203 = arith.constant 0 : i32
      %dma_start3A_204 = tpu.memref_slice %arg6[%dma_start3A_202, %dma_start3A_203] : memref<10240x128xf32, #tpu.memory_space<vmem_shared>> -> memref<10240x128xf32, #tpu.memory_space<vmem_shared>>
      tpu.enqueue_indirect_dma source(%arg7 : memref<128x128xf32, #tpu.memory_space<vmem>>) target(%dma_start3A_204 : memref<10240x128xf32, #tpu.memory_space<vmem_shared>>) offsets(%dma_start3A_201 : memref<128xi32, #tpu.memory_space<vmem>>) semaphore(%arg11 : memref<!tpu.dma_semaphore, #tpu.memory_space<semaphore_mem>>) {add = true}
      %mul3A_205 = arith.constant 2 : i32
      %mul3A_206 = arith.muli %scan3A_184, %mul3A_205 : i32
      %add3A_207 = arith.constant 1 : i32
      %add3A_208 = arith.addi %mul3A_206, %add3A_207 : i32
      %dma_wait3A_209 = arith.constant 1 : i32
      %dma_wait3A_210 = arith.constant 0 : i32
      %dma_wait3A_211 = tpu.memref_slice %arg5[%add3A_208, %dma_wait3A_209, %dma_wait3A_210] : memref<40x2x128xi32, #tpu.memory_space<vmem>> -> memref<1x1x128xi32, #tpu.memory_space<vmem>>
      %dma_wait3A_212 = tpu.memref_squeeze %dma_wait3A_211 : memref<1x1x128xi32, #tpu.memory_space<vmem>> -> memref<128xi32, #tpu.memory_space<vmem>>
      %dma_wait3A_213 = arith.constant 0 : i32
      %dma_wait3A_214 = arith.constant 0 : i32
      %dma_wait3A_215 = tpu.memref_slice %arg6[%dma_wait3A_213, %dma_wait3A_214] : memref<10240x128xf32, #tpu.memory_space<vmem_shared>> -> memref<10240x128xf32, #tpu.memory_space<vmem_shared>>
      tpu.wait_indirect_dma semaphore(%arg12 : memref<!tpu.dma_semaphore, #tpu.memory_space<semaphore_mem>>) src(%arg8 : memref<128x128xf32, #tpu.memory_space<vmem>>) dst(%dma_wait3A_215 : memref<10240x128xf32, #tpu.memory_space<vmem_shared>>)
      %add3A_216 = arith.constant 2 : i32
      %add3A_217 = arith.addi %add3A_208, %add3A_216 : i32
      %dma_start3A_218 = arith.constant 1 : i32
      %dma_start3A_219 = arith.constant 0 : i32
      %dma_start3A_220 = tpu.memref_slice %arg5[%add3A_217, %dma_start3A_218, %dma_start3A_219] : memref<40x2x128xi32, #tpu.memory_space<vmem>> -> memref<1x1x128xi32, #tpu.memory_space<vmem>>
      %dma_start3A_221 = tpu.memref_squeeze %dma_start3A_220 : memref<1x1x128xi32, #tpu.memory_space<vmem>> -> memref<128xi32, #tpu.memory_space<vmem>>
      %dma_start3A_222 = arith.constant 0 : i32
      %dma_start3A_223 = arith.constant 0 : i32
      %dma_start3A_224 = tpu.memref_slice %arg6[%dma_start3A_222, %dma_start3A_223] : memref<10240x128xf32, #tpu.memory_space<vmem_shared>> -> memref<10240x128xf32, #tpu.memory_space<vmem_shared>>
      tpu.enqueue_indirect_dma source(%arg8 : memref<128x128xf32, #tpu.memory_space<vmem>>) target(%dma_start3A_224 : memref<10240x128xf32, #tpu.memory_space<vmem_shared>>) offsets(%dma_start3A_221 : memref<128xi32, #tpu.memory_space<vmem>>) semaphore(%arg12 : memref<!tpu.dma_semaphore, #tpu.memory_space<semaphore_mem>>) {add = true}
    }
    %scan3A_67 = arith.constant 19 : i32
    %dma_wait3A_68 = arith.constant 38 : i32
    %dma_wait3A_69 = arith.constant 1 : i32
    %dma_wait3A_70 = arith.constant 0 : i32
    %dma_wait3A_71 = tpu.memref_slice %arg5[%dma_wait3A_68, %dma_wait3A_69, %dma_wait3A_70] : memref<40x2x128xi32, #tpu.memory_space<vmem>> -> memref<1x1x128xi32, #tpu.memory_space<vmem>>
    %dma_wait3A_72 = tpu.memref_squeeze %dma_wait3A_71 : memref<1x1x128xi32, #tpu.memory_space<vmem>> -> memref<128xi32, #tpu.memory_space<vmem>>
    %dma_wait3A_73 = arith.constant 0 : i32
    %dma_wait3A_74 = arith.constant 0 : i32
    %dma_wait3A_75 = tpu.memref_slice %arg6[%dma_wait3A_73, %dma_wait3A_74] : memref<10240x128xf32, #tpu.memory_space<vmem_shared>> -> memref<10240x128xf32, #tpu.memory_space<vmem_shared>>
    tpu.wait_indirect_dma semaphore(%arg11 : memref<!tpu.dma_semaphore, #tpu.memory_space<semaphore_mem>>) src(%arg7 : memref<128x128xf32, #tpu.memory_space<vmem>>) dst(%dma_wait3A_75 : memref<10240x128xf32, #tpu.memory_space<vmem_shared>>)
    %dma_wait3A_76 = arith.constant 39 : i32
    %dma_wait3A_77 = arith.constant 1 : i32
    %dma_wait3A_78 = arith.constant 0 : i32
    %dma_wait3A_79 = tpu.memref_slice %arg5[%dma_wait3A_76, %dma_wait3A_77, %dma_wait3A_78] : memref<40x2x128xi32, #tpu.memory_space<vmem>> -> memref<1x1x128xi32, #tpu.memory_space<vmem>>
    %dma_wait3A_80 = tpu.memref_squeeze %dma_wait3A_79 : memref<1x1x128xi32, #tpu.memory_space<vmem>> -> memref<128xi32, #tpu.memory_space<vmem>>
    %dma_wait3A_81 = arith.constant 0 : i32
    %dma_wait3A_82 = arith.constant 0 : i32
    %dma_wait3A_83 = tpu.memref_slice %arg6[%dma_wait3A_81, %dma_wait3A_82] : memref<10240x128xf32, #tpu.memory_space<vmem_shared>> -> memref<10240x128xf32, #tpu.memory_space<vmem_shared>>
    tpu.wait_indirect_dma semaphore(%arg12 : memref<!tpu.dma_semaphore, #tpu.memory_space<semaphore_mem>>) src(%arg8 : memref<128x128xf32, #tpu.memory_space<vmem>>) dst(%dma_wait3A_83 : memref<10240x128xf32, #tpu.memory_space<vmem_shared>>)
    %mul3A_84 = arith.constant 80 : i32
    %mul3A_85 = arith.muli %add3A, %mul3A_84 : i32
    %add3A_86 = arith.constant 40 : i32
    %add3A_87 = arith.addi %mul3A_85, %add3A_86 : i32
    "tpu.region"() ({
      %run_scoped3A = tpu.sem_alloc : memref<!tpu.dma_semaphore, #tpu.memory_space<semaphore_mem>>
      %dma_start3A_184 = arith.constant 0 : i32
      %dma_start3A_185 = arith.constant 0 : i32
      %dma_start3A_186 = tpu.memref_slice %arg3[%add3A_87, %dma_start3A_184, %dma_start3A_185] : memref<2560x2x128xi32, #tpu.memory_space<hbm>> -> memref<40x2x128xi32, #tpu.memory_space<hbm>>
      %dma_start3A_187 = arith.constant 0 : i32
      %dma_start3A_188 = arith.constant 0 : i32
      %dma_start3A_189 = tpu.memref_slice %arg3[%add3A_87, %dma_start3A_187, %dma_start3A_188] : memref<2560x2x128xi32, #tpu.memory_space<hbm>> -> memref<40x2x128xi32, #tpu.memory_space<hbm>>
      tpu.enqueue_dma source(%dma_start3A_189 : memref<40x2x128xi32, #tpu.memory_space<hbm>>) target(%arg5 : memref<40x2x128xi32, #tpu.memory_space<vmem>>) target_semaphore(%run_scoped3A : memref<!tpu.dma_semaphore, #tpu.memory_space<semaphore_mem>>)
      %dma_wait3A_190 = arith.constant 0 : i32
      %dma_wait3A_191 = arith.constant 0 : i32
      %dma_wait3A_192 = tpu.memref_slice %arg3[%add3A_87, %dma_wait3A_190, %dma_wait3A_191] : memref<2560x2x128xi32, #tpu.memory_space<hbm>> -> memref<40x2x128xi32, #tpu.memory_space<hbm>>
      %dma_wait3A_193 = arith.constant 0 : i32
      %dma_wait3A_194 = arith.constant 0 : i32
      %dma_wait3A_195 = tpu.memref_slice %arg3[%add3A_87, %dma_wait3A_193, %dma_wait3A_194] : memref<2560x2x128xi32, #tpu.memory_space<hbm>> -> memref<40x2x128xi32, #tpu.memory_space<hbm>>
      tpu.wait_dma2 semaphore(%run_scoped3A : memref<!tpu.dma_semaphore, #tpu.memory_space<semaphore_mem>>) src(%dma_wait3A_195 : memref<40x2x128xi32, #tpu.memory_space<hbm>>) dst(%arg5 : memref<40x2x128xi32, #tpu.memory_space<vmem>>)
      tpu.yield
    }) : () -> ()
    %dma_start3A_88 = arith.constant 0 : i32
    %dma_start3A_89 = arith.constant 0 : i32
    %dma_start3A_90 = arith.constant 0 : i32
    %dma_start3A_91 = tpu.memref_slice %arg5[%dma_start3A_88, %dma_start3A_89, %dma_start3A_90] : memref<40x2x128xi32, #tpu.memory_space<vmem>> -> memref<1x1x128xi32, #tpu.memory_space<vmem>>
    %dma_start3A_92 = tpu.memref_squeeze %dma_start3A_91 : memref<1x1x128xi32, #tpu.memory_space<vmem>> -> memref<128xi32, #tpu.memory_space<vmem>>
    %dma_start3A_93 = arith.constant 0 : i32
    %dma_start3A_94 = arith.constant 0 : i32
    %dma_start3A_95 = tpu.memref_slice %arg2[%dma_start3A_93, %dma_start3A_94] : memref<10240x128xf32, #tpu.memory_space<hbm>> -> memref<10240x128xf32, #tpu.memory_space<hbm>>
    tpu.enqueue_indirect_dma source(%dma_start3A_95 : memref<10240x128xf32, #tpu.memory_space<hbm>>) target(%arg7 : memref<128x128xf32, #tpu.memory_space<vmem>>) offsets(%dma_start3A_92 : memref<128xi32, #tpu.memory_space<vmem>>) semaphore(%arg9 : memref<!tpu.dma_semaphore, #tpu.memory_space<semaphore_mem>>)
    %dma_start3A_96 = arith.constant 1 : i32
    %dma_start3A_97 = arith.constant 0 : i32
    %dma_start3A_98 = arith.constant 0 : i32
    %dma_start3A_99 = tpu.memref_slice %arg5[%dma_start3A_96, %dma_start3A_97, %dma_start3A_98] : memref<40x2x128xi32, #tpu.memory_space<vmem>> -> memref<1x1x128xi32, #tpu.memory_space<vmem>>
    %dma_start3A_100 = tpu.memref_squeeze %dma_start3A_99 : memref<1x1x128xi32, #tpu.memory_space<vmem>> -> memref<128xi32, #tpu.memory_space<vmem>>
    %dma_start3A_101 = arith.constant 0 : i32
    %dma_start3A_102 = arith.constant 0 : i32
    %dma_start3A_103 = tpu.memref_slice %arg2[%dma_start3A_101, %dma_start3A_102] : memref<10240x128xf32, #tpu.memory_space<hbm>> -> memref<10240x128xf32, #tpu.memory_space<hbm>>
    tpu.enqueue_indirect_dma source(%dma_start3A_103 : memref<10240x128xf32, #tpu.memory_space<hbm>>) target(%arg8 : memref<128x128xf32, #tpu.memory_space<vmem>>) offsets(%dma_start3A_100 : memref<128xi32, #tpu.memory_space<vmem>>) semaphore(%arg10 : memref<!tpu.dma_semaphore, #tpu.memory_space<semaphore_mem>>)
    %dma_wait3A_104 = arith.constant 0 : i32
    %dma_wait3A_105 = arith.constant 0 : i32
    %dma_wait3A_106 = arith.constant 0 : i32
    %dma_wait3A_107 = tpu.memref_slice %arg5[%dma_wait3A_104, %dma_wait3A_105, %dma_wait3A_106] : memref<40x2x128xi32, #tpu.memory_space<vmem>> -> memref<1x1x128xi32, #tpu.memory_space<vmem>>
    %dma_wait3A_108 = tpu.memref_squeeze %dma_wait3A_107 : memref<1x1x128xi32, #tpu.memory_space<vmem>> -> memref<128xi32, #tpu.memory_space<vmem>>
    %dma_wait3A_109 = arith.constant 0 : i32
    %dma_wait3A_110 = arith.constant 0 : i32
    %dma_wait3A_111 = tpu.memref_slice %arg2[%dma_wait3A_109, %dma_wait3A_110] : memref<10240x128xf32, #tpu.memory_space<hbm>> -> memref<10240x128xf32, #tpu.memory_space<hbm>>
    tpu.wait_indirect_dma semaphore(%arg9 : memref<!tpu.dma_semaphore, #tpu.memory_space<semaphore_mem>>) src(%dma_wait3A_111 : memref<10240x128xf32, #tpu.memory_space<hbm>>) dst(%arg7 : memref<128x128xf32, #tpu.memory_space<vmem>>)
    %dma_wait3A_112 = arith.constant 1 : i32
    %dma_wait3A_113 = arith.constant 0 : i32
    %dma_wait3A_114 = arith.constant 0 : i32
    %dma_wait3A_115 = tpu.memref_slice %arg5[%dma_wait3A_112, %dma_wait3A_113, %dma_wait3A_114] : memref<40x2x128xi32, #tpu.memory_space<vmem>> -> memref<1x1x128xi32, #tpu.memory_space<vmem>>
    %dma_wait3A_116 = tpu.memref_squeeze %dma_wait3A_115 : memref<1x1x128xi32, #tpu.memory_space<vmem>> -> memref<128xi32, #tpu.memory_space<vmem>>
    %dma_wait3A_117 = arith.constant 0 : i32
    %dma_wait3A_118 = arith.constant 0 : i32
    %dma_wait3A_119 = tpu.memref_slice %arg2[%dma_wait3A_117, %dma_wait3A_118] : memref<10240x128xf32, #tpu.memory_space<hbm>> -> memref<10240x128xf32, #tpu.memory_space<hbm>>
    tpu.wait_indirect_dma semaphore(%arg10 : memref<!tpu.dma_semaphore, #tpu.memory_space<semaphore_mem>>) src(%dma_wait3A_119 : memref<10240x128xf32, #tpu.memory_space<hbm>>) dst(%arg8 : memref<128x128xf32, #tpu.memory_space<vmem>>)
    %dma_start3A_120 = arith.constant 0 : i32
    %dma_start3A_121 = arith.constant 1 : i32
    %dma_start3A_122 = arith.constant 0 : i32
    %dma_start3A_123 = tpu.memref_slice %arg5[%dma_start3A_120, %dma_start3A_121, %dma_start3A_122] : memref<40x2x128xi32, #tpu.memory_space<vmem>> -> memref<1x1x128xi32, #tpu.memory_space<vmem>>
    %dma_start3A_124 = tpu.memref_squeeze %dma_start3A_123 : memref<1x1x128xi32, #tpu.memory_space<vmem>> -> memref<128xi32, #tpu.memory_space<vmem>>
    %dma_start3A_125 = arith.constant 0 : i32
    %dma_start3A_126 = arith.constant 0 : i32
    %dma_start3A_127 = tpu.memref_slice %arg6[%dma_start3A_125, %dma_start3A_126] : memref<10240x128xf32, #tpu.memory_space<vmem_shared>> -> memref<10240x128xf32, #tpu.memory_space<vmem_shared>>
    tpu.enqueue_indirect_dma source(%arg7 : memref<128x128xf32, #tpu.memory_space<vmem>>) target(%dma_start3A_127 : memref<10240x128xf32, #tpu.memory_space<vmem_shared>>) offsets(%dma_start3A_124 : memref<128xi32, #tpu.memory_space<vmem>>) semaphore(%arg11 : memref<!tpu.dma_semaphore, #tpu.memory_space<semaphore_mem>>) {add = true}
    %dma_start3A_128 = arith.constant 1 : i32
    %dma_start3A_129 = arith.constant 1 : i32
    %dma_start3A_130 = arith.constant 0 : i32
    %dma_start3A_131 = tpu.memref_slice %arg5[%dma_start3A_128, %dma_start3A_129, %dma_start3A_130] : memref<40x2x128xi32, #tpu.memory_space<vmem>> -> memref<1x1x128xi32, #tpu.memory_space<vmem>>
    %dma_start3A_132 = tpu.memref_squeeze %dma_start3A_131 : memref<1x1x128xi32, #tpu.memory_space<vmem>> -> memref<128xi32, #tpu.memory_space<vmem>>
    %dma_start3A_133 = arith.constant 0 : i32
    %dma_start3A_134 = arith.constant 0 : i32
    %dma_start3A_135 = tpu.memref_slice %arg6[%dma_start3A_133, %dma_start3A_134] : memref<10240x128xf32, #tpu.memory_space<vmem_shared>> -> memref<10240x128xf32, #tpu.memory_space<vmem_shared>>
    tpu.enqueue_indirect_dma source(%arg8 : memref<128x128xf32, #tpu.memory_space<vmem>>) target(%dma_start3A_135 : memref<10240x128xf32, #tpu.memory_space<vmem_shared>>) offsets(%dma_start3A_132 : memref<128xi32, #tpu.memory_space<vmem>>) semaphore(%arg12 : memref<!tpu.dma_semaphore, #tpu.memory_space<semaphore_mem>>) {add = true}
    %scan3A_136 = arith.constant 0 : i32
    %scan3A_137 = arith.constant 0 : i32
    %scan3A_138 = arith.constant 19 : i32
    %scan3A_139 = arith.addi %scan3A_137, %scan3A_138 : i32
    %scan3A_140 = arith.constant 1 : i32
    scf.for %scan3A_184 = %scan3A_137 to %scan3A_139 step %scan3A_140  : i32 {
      %mul3A_185 = arith.constant 2 : i32
      %mul3A_186 = arith.muli %scan3A_184, %mul3A_185 : i32
      %add3A_187 = arith.constant 0 : i32
      %add3A_188 = arith.addi %mul3A_186, %add3A_187 : i32
      %dma_wait3A_189 = arith.constant 1 : i32
      %dma_wait3A_190 = arith.constant 0 : i32
      %dma_wait3A_191 = tpu.memref_slice %arg5[%add3A_188, %dma_wait3A_189, %dma_wait3A_190] : memref<40x2x128xi32, #tpu.memory_space<vmem>> -> memref<1x1x128xi32, #tpu.memory_space<vmem>>
      %dma_wait3A_192 = tpu.memref_squeeze %dma_wait3A_191 : memref<1x1x128xi32, #tpu.memory_space<vmem>> -> memref<128xi32, #tpu.memory_space<vmem>>
      %dma_wait3A_193 = arith.constant 0 : i32
      %dma_wait3A_194 = arith.constant 0 : i32
      %dma_wait3A_195 = tpu.memref_slice %arg6[%dma_wait3A_193, %dma_wait3A_194] : memref<10240x128xf32, #tpu.memory_space<vmem_shared>> -> memref<10240x128xf32, #tpu.memory_space<vmem_shared>>
      tpu.wait_indirect_dma semaphore(%arg11 : memref<!tpu.dma_semaphore, #tpu.memory_space<semaphore_mem>>) src(%arg7 : memref<128x128xf32, #tpu.memory_space<vmem>>) dst(%dma_wait3A_195 : memref<10240x128xf32, #tpu.memory_space<vmem_shared>>)
      %add3A_196 = arith.constant 2 : i32
      %add3A_197 = arith.addi %add3A_188, %add3A_196 : i32
      %dma_start3A_198 = arith.constant 1 : i32
      %dma_start3A_199 = arith.constant 0 : i32
      %dma_start3A_200 = tpu.memref_slice %arg5[%add3A_197, %dma_start3A_198, %dma_start3A_199] : memref<40x2x128xi32, #tpu.memory_space<vmem>> -> memref<1x1x128xi32, #tpu.memory_space<vmem>>
      %dma_start3A_201 = tpu.memref_squeeze %dma_start3A_200 : memref<1x1x128xi32, #tpu.memory_space<vmem>> -> memref<128xi32, #tpu.memory_space<vmem>>
      %dma_start3A_202 = arith.constant 0 : i32
      %dma_start3A_203 = arith.constant 0 : i32
      %dma_start3A_204 = tpu.memref_slice %arg6[%dma_start3A_202, %dma_start3A_203] : memref<10240x128xf32, #tpu.memory_space<vmem_shared>> -> memref<10240x128xf32, #tpu.memory_space<vmem_shared>>
      tpu.enqueue_indirect_dma source(%arg7 : memref<128x128xf32, #tpu.memory_space<vmem>>) target(%dma_start3A_204 : memref<10240x128xf32, #tpu.memory_space<vmem_shared>>) offsets(%dma_start3A_201 : memref<128xi32, #tpu.memory_space<vmem>>) semaphore(%arg11 : memref<!tpu.dma_semaphore, #tpu.memory_space<semaphore_mem>>) {add = true}
      %mul3A_205 = arith.constant 2 : i32
      %mul3A_206 = arith.muli %scan3A_184, %mul3A_205 : i32
      %add3A_207 = arith.constant 1 : i32
      %add3A_208 = arith.addi %mul3A_206, %add3A_207 : i32
      %dma_wait3A_209 = arith.constant 1 : i32
      %dma_wait3A_210 = arith.constant 0 : i32
      %dma_wait3A_211 = tpu.memref_slice %arg5[%add3A_208, %dma_wait3A_209, %dma_wait3A_210] : memref<40x2x128xi32, #tpu.memory_space<vmem>> -> memref<1x1x128xi32, #tpu.memory_space<vmem>>
      %dma_wait3A_212 = tpu.memref_squeeze %dma_wait3A_211 : memref<1x1x128xi32, #tpu.memory_space<vmem>> -> memref<128xi32, #tpu.memory_space<vmem>>
      %dma_wait3A_213 = arith.constant 0 : i32
      %dma_wait3A_214 = arith.constant 0 : i32
      %dma_wait3A_215 = tpu.memref_slice %arg6[%dma_wait3A_213, %dma_wait3A_214] : memref<10240x128xf32, #tpu.memory_space<vmem_shared>> -> memref<10240x128xf32, #tpu.memory_space<vmem_shared>>
      tpu.wait_indirect_dma semaphore(%arg12 : memref<!tpu.dma_semaphore, #tpu.memory_space<semaphore_mem>>) src(%arg8 : memref<128x128xf32, #tpu.memory_space<vmem>>) dst(%dma_wait3A_215 : memref<10240x128xf32, #tpu.memory_space<vmem_shared>>)
      %add3A_216 = arith.constant 2 : i32
      %add3A_217 = arith.addi %add3A_208, %add3A_216 : i32
      %dma_start3A_218 = arith.constant 1 : i32
      %dma_start3A_219 = arith.constant 0 : i32
      %dma_start3A_220 = tpu.memref_slice %arg5[%add3A_217, %dma_start3A_218, %dma_start3A_219] : memref<40x2x128xi32, #tpu.memory_space<vmem>> -> memref<1x1x128xi32, #tpu.memory_space<vmem>>
      %dma_start3A_221 = tpu.memref_squeeze %dma_start3A_220 : memref<1x1x128xi32, #tpu.memory_space<vmem>> -> memref<128xi32, #tpu.memory_space<vmem>>
      %dma_start3A_222 = arith.constant 0 : i32
      %dma_start3A_223 = arith.constant 0 : i32
      %dma_start3A_224 = tpu.memref_slice %arg6[%dma_start3A_222, %dma_start3A_223] : memref<10240x128xf32, #tpu.memory_space<vmem_shared>> -> memref<10240x128xf32, #tpu.memory_space<vmem_shared>>
      tpu.enqueue_indirect_dma source(%arg8 : memref<128x128xf32, #tpu.memory_space<vmem>>) target(%dma_start3A_224 : memref<10240x128xf32, #tpu.memory_space<vmem_shared>>) offsets(%dma_start3A_221 : memref<128xi32, #tpu.memory_space<vmem>>) semaphore(%arg12 : memref<!tpu.dma_semaphore, #tpu.memory_space<semaphore_mem>>) {add = true}
    }
    %scan3A_141 = arith.constant 19 : i32
    %dma_wait3A_142 = arith.constant 38 : i32
    %dma_wait3A_143 = arith.constant 1 : i32
    %dma_wait3A_144 = arith.constant 0 : i32
    %dma_wait3A_145 = tpu.memref_slice %arg5[%dma_wait3A_142, %dma_wait3A_143, %dma_wait3A_144] : memref<40x2x128xi32, #tpu.memory_space<vmem>> -> memref<1x1x128xi32, #tpu.memory_space<vmem>>
    %dma_wait3A_146 = tpu.memref_squeeze %dma_wait3A_145 : memref<1x1x128xi32, #tpu.memory_space<vmem>> -> memref<128xi32, #tpu.memory_space<vmem>>
    %dma_wait3A_147 = arith.constant 0 : i32
    %dma_wait3A_148 = arith.constant 0 : i32
    %dma_wait3A_149 = tpu.memref_slice %arg6[%dma_wait3A_147, %dma_wait3A_148] : memref<10240x128xf32, #tpu.memory_space<vmem_shared>> -> memref<10240x128xf32, #tpu.memory_space<vmem_shared>>
    tpu.wait_indirect_dma semaphore(%arg11 : memref<!tpu.dma_semaphore, #tpu.memory_space<semaphore_mem>>) src(%arg7 : memref<128x128xf32, #tpu.memory_space<vmem>>) dst(%dma_wait3A_149 : memref<10240x128xf32, #tpu.memory_space<vmem_shared>>)
    %dma_wait3A_150 = arith.constant 39 : i32
    %dma_wait3A_151 = arith.constant 1 : i32
    %dma_wait3A_152 = arith.constant 0 : i32
    %dma_wait3A_153 = tpu.memref_slice %arg5[%dma_wait3A_150, %dma_wait3A_151, %dma_wait3A_152] : memref<40x2x128xi32, #tpu.memory_space<vmem>> -> memref<1x1x128xi32, #tpu.memory_space<vmem>>
    %dma_wait3A_154 = tpu.memref_squeeze %dma_wait3A_153 : memref<1x1x128xi32, #tpu.memory_space<vmem>> -> memref<128xi32, #tpu.memory_space<vmem>>
    %dma_wait3A_155 = arith.constant 0 : i32
    %dma_wait3A_156 = arith.constant 0 : i32
    %dma_wait3A_157 = tpu.memref_slice %arg6[%dma_wait3A_155, %dma_wait3A_156] : memref<10240x128xf32, #tpu.memory_space<vmem_shared>> -> memref<10240x128xf32, #tpu.memory_space<vmem_shared>>
    tpu.wait_indirect_dma semaphore(%arg12 : memref<!tpu.dma_semaphore, #tpu.memory_space<semaphore_mem>>) src(%arg8 : memref<128x128xf32, #tpu.memory_space<vmem>>) dst(%dma_wait3A_157 : memref<10240x128xf32, #tpu.memory_space<vmem_shared>>)
    %barrier3A_158 = arith.constant 0 : index
    tpu.barrier barrier_id(%barrier3A_158)
    %add3A_159 = arith.constant 0 : i32
    %add3A_160 = arith.addi %mul3A_2, %add3A_159 : i32
    %mul3A_161 = arith.constant 10240 : i32
    %mul3A_162 = arith.muli %arg0, %mul3A_161 : i32
    %add3A_163 = arith.addi %mul3A_162, %add3A_160 : i32
    "tpu.region"() ({
      %run_scoped3A = tpu.sem_alloc : memref<!tpu.dma_semaphore, #tpu.memory_space<semaphore_mem>>
      %dma_start3A_184 = arith.constant 0 : i32
      %dma_start3A_185 = tpu.memref_slice %arg4[%add3A_163, %dma_start3A_184] : memref<20480x128xf32, #tpu.memory_space<hbm>> -> memref<128x128xf32, #tpu.memory_space<hbm>>
      %dma_start3A_186 = arith.constant 0 : i32
      %dma_start3A_187 = tpu.memref_slice %arg6[%add3A_160, %dma_start3A_186] : memref<10240x128xf32, #tpu.memory_space<vmem_shared>> -> memref<128x128xf32, #tpu.memory_space<vmem_shared>>
      tpu.enqueue_dma source(%dma_start3A_187 : memref<128x128xf32, #tpu.memory_space<vmem_shared>>) target(%dma_start3A_185 : memref<128x128xf32, #tpu.memory_space<hbm>>) target_semaphore(%run_scoped3A : memref<!tpu.dma_semaphore, #tpu.memory_space<semaphore_mem>>)
      %dma_wait3A_188 = arith.constant 0 : i32
      %dma_wait3A_189 = tpu.memref_slice %arg4[%add3A_163, %dma_wait3A_188] : memref<20480x128xf32, #tpu.memory_space<hbm>> -> memref<128x128xf32, #tpu.memory_space<hbm>>
      %dma_wait3A_190 = arith.constant 0 : i32
      %dma_wait3A_191 = tpu.memref_slice %arg6[%add3A_160, %dma_wait3A_190] : memref<10240x128xf32, #tpu.memory_space<vmem_shared>> -> memref<128x128xf32, #tpu.memory_space<vmem_shared>>
      tpu.wait_dma2 semaphore(%run_scoped3A : memref<!tpu.dma_semaphore, #tpu.memory_space<semaphore_mem>>) src(%dma_wait3A_191 : memref<128x128xf32, #tpu.memory_space<vmem_shared>>) dst(%dma_wait3A_189 : memref<128x128xf32, #tpu.memory_space<hbm>>)
      tpu.yield
    }) : () -> ()
    %add3A_164 = arith.constant 128 : i32
    %add3A_165 = arith.addi %mul3A_2, %add3A_164 : i32
    %mul3A_166 = arith.constant 10240 : i32
    %mul3A_167 = arith.muli %arg0, %mul3A_166 : i32
    %add3A_168 = arith.addi %mul3A_167, %add3A_165 : i32
    "tpu.region"() ({
      %run_scoped3A = tpu.sem_alloc : memref<!tpu.dma_semaphore, #tpu.memory_space<semaphore_mem>>
      %dma_start3A_184 = arith.constant 0 : i32
      %dma_start3A_185 = tpu.memref_slice %arg4[%add3A_168, %dma_start3A_184] : memref<20480x128xf32, #tpu.memory_space<hbm>> -> memref<128x128xf32, #tpu.memory_space<hbm>>
      %dma_start3A_186 = arith.constant 0 : i32
      %dma_start3A_187 = tpu.memref_slice %arg6[%add3A_165, %dma_start3A_186] : memref<10240x128xf32, #tpu.memory_space<vmem_shared>> -> memref<128x128xf32, #tpu.memory_space<vmem_shared>>
      tpu.enqueue_dma source(%dma_start3A_187 : memref<128x128xf32, #tpu.memory_space<vmem_shared>>) target(%dma_start3A_185 : memref<128x128xf32, #tpu.memory_space<hbm>>) target_semaphore(%run_scoped3A : memref<!tpu.dma_semaphore, #tpu.memory_space<semaphore_mem>>)
      %dma_wait3A_188 = arith.constant 0 : i32
      %dma_wait3A_189 = tpu.memref_slice %arg4[%add3A_168, %dma_wait3A_188] : memref<20480x128xf32, #tpu.memory_space<hbm>> -> memref<128x128xf32, #tpu.memory_space<hbm>>
      %dma_wait3A_190 = arith.constant 0 : i32
      %dma_wait3A_191 = tpu.memref_slice %arg6[%add3A_165, %dma_wait3A_190] : memref<10240x128xf32, #tpu.memory_space<vmem_shared>> -> memref<128x128xf32, #tpu.memory_space<vmem_shared>>
      tpu.wait_dma2 semaphore(%run_scoped3A : memref<!tpu.dma_semaphore, #tpu.memory_space<semaphore_mem>>) src(%dma_wait3A_191 : memref<128x128xf32, #tpu.memory_space<vmem_shared>>) dst(%dma_wait3A_189 : memref<128x128xf32, #tpu.memory_space<hbm>>)
      tpu.yield
    }) : () -> ()
    %add3A_169 = arith.constant 256 : i32
    %add3A_170 = arith.addi %mul3A_2, %add3A_169 : i32
    %mul3A_171 = arith.constant 10240 : i32
    %mul3A_172 = arith.muli %arg0, %mul3A_171 : i32
    %add3A_173 = arith.addi %mul3A_172, %add3A_170 : i32
    "tpu.region"() ({
      %run_scoped3A = tpu.sem_alloc : memref<!tpu.dma_semaphore, #tpu.memory_space<semaphore_mem>>
      %dma_start3A_184 = arith.constant 0 : i32
      %dma_start3A_185 = tpu.memref_slice %arg4[%add3A_173, %dma_start3A_184] : memref<20480x128xf32, #tpu.memory_space<hbm>> -> memref<128x128xf32, #tpu.memory_space<hbm>>
      %dma_start3A_186 = arith.constant 0 : i32
      %dma_start3A_187 = tpu.memref_slice %arg6[%add3A_170, %dma_start3A_186] : memref<10240x128xf32, #tpu.memory_space<vmem_shared>> -> memref<128x128xf32, #tpu.memory_space<vmem_shared>>
      tpu.enqueue_dma source(%dma_start3A_187 : memref<128x128xf32, #tpu.memory_space<vmem_shared>>) target(%dma_start3A_185 : memref<128x128xf32, #tpu.memory_space<hbm>>) target_semaphore(%run_scoped3A : memref<!tpu.dma_semaphore, #tpu.memory_space<semaphore_mem>>)
      %dma_wait3A_188 = arith.constant 0 : i32
      %dma_wait3A_189 = tpu.memref_slice %arg4[%add3A_173, %dma_wait3A_188] : memref<20480x128xf32, #tpu.memory_space<hbm>> -> memref<128x128xf32, #tpu.memory_space<hbm>>
      %dma_wait3A_190 = arith.constant 0 : i32
      %dma_wait3A_191 = tpu.memref_slice %arg6[%add3A_170, %dma_wait3A_190] : memref<10240x128xf32, #tpu.memory_space<vmem_shared>> -> memref<128x128xf32, #tpu.memory_space<vmem_shared>>
      tpu.wait_dma2 semaphore(%run_scoped3A : memref<!tpu.dma_semaphore, #tpu.memory_space<semaphore_mem>>) src(%dma_wait3A_191 : memref<128x128xf32, #tpu.memory_space<vmem_shared>>) dst(%dma_wait3A_189 : memref<128x128xf32, #tpu.memory_space<hbm>>)
      tpu.yield
    }) : () -> ()
    %add3A_174 = arith.constant 384 : i32
    %add3A_175 = arith.addi %mul3A_2, %add3A_174 : i32
    %mul3A_176 = arith.constant 10240 : i32
    %mul3A_177 = arith.muli %arg0, %mul3A_176 : i32
    %add3A_178 = arith.addi %mul3A_177, %add3A_175 : i32
    "tpu.region"() ({
      %run_scoped3A = tpu.sem_alloc : memref<!tpu.dma_semaphore, #tpu.memory_space<semaphore_mem>>
      %dma_start3A_184 = arith.constant 0 : i32
      %dma_start3A_185 = tpu.memref_slice %arg4[%add3A_178, %dma_start3A_184] : memref<20480x128xf32, #tpu.memory_space<hbm>> -> memref<128x128xf32, #tpu.memory_space<hbm>>
      %dma_start3A_186 = arith.constant 0 : i32
      %dma_start3A_187 = tpu.memref_slice %arg6[%add3A_175, %dma_start3A_186] : memref<10240x128xf32, #tpu.memory_space<vmem_shared>> -> memref<128x128xf32, #tpu.memory_space<vmem_shared>>
      tpu.enqueue_dma source(%dma_start3A_187 : memref<128x128xf32, #tpu.memory_space<vmem_shared>>) target(%dma_start3A_185 : memref<128x128xf32, #tpu.memory_space<hbm>>) target_semaphore(%run_scoped3A : memref<!tpu.dma_semaphore, #tpu.memory_space<semaphore_mem>>)
      %dma_wait3A_188 = arith.constant 0 : i32
      %dma_wait3A_189 = tpu.memref_slice %arg4[%add3A_178, %dma_wait3A_188] : memref<20480x128xf32, #tpu.memory_space<hbm>> -> memref<128x128xf32, #tpu.memory_space<hbm>>
      %dma_wait3A_190 = arith.constant 0 : i32
      %dma_wait3A_191 = tpu.memref_slice %arg6[%add3A_175, %dma_wait3A_190] : memref<10240x128xf32, #tpu.memory_space<vmem_shared>> -> memref<128x128xf32, #tpu.memory_space<vmem_shared>>
      tpu.wait_dma2 semaphore(%run_scoped3A : memref<!tpu.dma_semaphore, #tpu.memory_space<semaphore_mem>>) src(%dma_wait3A_191 : memref<128x128xf32, #tpu.memory_space<vmem_shared>>) dst(%dma_wait3A_189 : memref<128x128xf32, #tpu.memory_space<hbm>>)
      tpu.yield
    }) : () -> ()
    %add3A_179 = arith.constant 512 : i32
    %add3A_180 = arith.addi %mul3A_2, %add3A_179 : i32
    %mul3A_181 = arith.constant 10240 : i32
    %mul3A_182 = arith.muli %arg0, %mul3A_181 : i32
    %add3A_183 = arith.addi %mul3A_182, %add3A_180 : i32
    "tpu.region"() ({
      %run_scoped3A = tpu.sem_alloc : memref<!tpu.dma_semaphore, #tpu.memory_space<semaphore_mem>>
      %dma_start3A_184 = arith.constant 0 : i32
      %dma_start3A_185 = tpu.memref_slice %arg4[%add3A_183, %dma_start3A_184] : memref<20480x128xf32, #tpu.memory_space<hbm>> -> memref<128x128xf32, #tpu.memory_space<hbm>>
      %dma_start3A_186 = arith.constant 0 : i32
      %dma_start3A_187 = tpu.memref_slice %arg6[%add3A_180, %dma_start3A_186] : memref<10240x128xf32, #tpu.memory_space<vmem_shared>> -> memref<128x128xf32, #tpu.memory_space<vmem_shared>>
      tpu.enqueue_dma source(%dma_start3A_187 : memref<128x128xf32, #tpu.memory_space<vmem_shared>>) target(%dma_start3A_185 : memref<128x128xf32, #tpu.memory_space<hbm>>) target_semaphore(%run_scoped3A : memref<!tpu.dma_semaphore, #tpu.memory_space<semaphore_mem>>)
      %dma_wait3A_188 = arith.constant 0 : i32
      %dma_wait3A_189 = tpu.memref_slice %arg4[%add3A_183, %dma_wait3A_188] : memref<20480x128xf32, #tpu.memory_space<hbm>> -> memref<128x128xf32, #tpu.memory_space<hbm>>
      %dma_wait3A_190 = arith.constant 0 : i32
      %dma_wait3A_191 = tpu.memref_slice %arg6[%add3A_180, %dma_wait3A_190] : memref<10240x128xf32, #tpu.memory_space<vmem_shared>> -> memref<128x128xf32, #tpu.memory_space<vmem_shared>>
      tpu.wait_dma2 semaphore(%run_scoped3A : memref<!tpu.dma_semaphore, #tpu.memory_space<semaphore_mem>>) src(%dma_wait3A_191 : memref<128x128xf32, #tpu.memory_space<vmem_shared>>) dst(%dma_wait3A_189 : memref<128x128xf32, #tpu.memory_space<hbm>>)
      tpu.yield
    }) : () -> ()
    return
  }
}

#map = affine_map<(d0, d1) -> (0, 0)>
module attributes {stable_mosaic.version = 14 : i64} {
  func.func @_deg_kernel(%arg0: i32, %arg1: i32, %arg2: memref<2560x128xi32, #tpu.memory_space<hbm>>, %arg3: memref<256x16xf32, #tpu.memory_space<hbm>>, %arg4: memref<20480x16xf32, #tpu.memory_space<hbm>>, %arg5: memref<80x128xi32, #tpu.memory_space<vmem>>, %arg6: memref<128x16xf32, #tpu.memory_space<vmem>>, %arg7: memref<10240x16xf32, #tpu.memory_space<vmem_shared>>, %arg8: memref<!tpu.dma_semaphore, #tpu.memory_space<semaphore_mem>>, %arg9: memref<!tpu.dma_semaphore, #tpu.memory_space<semaphore_mem>>) attributes {dimension_semantics = [#tpu.dimension_semantics<core_parallel>, #tpu.dimension_semantics<subcore_parallel>], iteration_bounds = array<i64: 2, 16>, scalar_prefetch = 0 : i64, scratch_operands = 5 : i64, tpu.core_type = #tpu.core_type<sc_vector_subcore>, window_params = [{transform_indices = #map}, {transform_indices = #map}, {transform_indices = #map}]} {
    %mul3A = arith.constant 16 : i32
    %mul3A_0 = arith.muli %arg0, %mul3A : i32
    %add3A = arith.addi %mul3A_0, %arg1 : i32
    %mul3A_1 = arith.constant 640 : i32
    %mul3A_2 = arith.muli %arg1, %mul3A_1 : i32
    %add3A_3 = arith.constant 0 : i32
    %add3A_4 = arith.addi %mul3A_2, %add3A_3 : i32
    "tpu.region"() ({
      %run_scoped3A = tpu.sem_alloc : memref<!tpu.dma_semaphore, #tpu.memory_space<semaphore_mem>>
      %dma_start3A_72 = arith.constant 0 : i32
      %dma_start3A_73 = tpu.memref_slice %arg7[%add3A_4, %dma_start3A_72] : memref<10240x16xf32, #tpu.memory_space<vmem_shared>> -> memref<128x16xf32, #tpu.memory_space<vmem_shared>>
      %dma_start3A_74 = arith.constant 128 : i32
      %dma_start3A_75 = arith.constant 0 : i32
      %dma_start3A_76 = tpu.memref_slice %arg3[%dma_start3A_74, %dma_start3A_75] : memref<256x16xf32, #tpu.memory_space<hbm>> -> memref<128x16xf32, #tpu.memory_space<hbm>>
      tpu.enqueue_dma source(%dma_start3A_76 : memref<128x16xf32, #tpu.memory_space<hbm>>) target(%dma_start3A_73 : memref<128x16xf32, #tpu.memory_space<vmem_shared>>) target_semaphore(%run_scoped3A : memref<!tpu.dma_semaphore, #tpu.memory_space<semaphore_mem>>)
      %dma_wait3A_77 = arith.constant 0 : i32
      %dma_wait3A_78 = tpu.memref_slice %arg7[%add3A_4, %dma_wait3A_77] : memref<10240x16xf32, #tpu.memory_space<vmem_shared>> -> memref<128x16xf32, #tpu.memory_space<vmem_shared>>
      %dma_wait3A_79 = arith.constant 128 : i32
      %dma_wait3A_80 = arith.constant 0 : i32
      %dma_wait3A_81 = tpu.memref_slice %arg3[%dma_wait3A_79, %dma_wait3A_80] : memref<256x16xf32, #tpu.memory_space<hbm>> -> memref<128x16xf32, #tpu.memory_space<hbm>>
      tpu.wait_dma2 semaphore(%run_scoped3A : memref<!tpu.dma_semaphore, #tpu.memory_space<semaphore_mem>>) src(%dma_wait3A_81 : memref<128x16xf32, #tpu.memory_space<hbm>>) dst(%dma_wait3A_78 : memref<128x16xf32, #tpu.memory_space<vmem_shared>>)
      tpu.yield
    }) : () -> ()
    %add3A_5 = arith.constant 128 : i32
    %add3A_6 = arith.addi %mul3A_2, %add3A_5 : i32
    "tpu.region"() ({
      %run_scoped3A = tpu.sem_alloc : memref<!tpu.dma_semaphore, #tpu.memory_space<semaphore_mem>>
      %dma_start3A_72 = arith.constant 0 : i32
      %dma_start3A_73 = tpu.memref_slice %arg7[%add3A_6, %dma_start3A_72] : memref<10240x16xf32, #tpu.memory_space<vmem_shared>> -> memref<128x16xf32, #tpu.memory_space<vmem_shared>>
      %dma_start3A_74 = arith.constant 128 : i32
      %dma_start3A_75 = arith.constant 0 : i32
      %dma_start3A_76 = tpu.memref_slice %arg3[%dma_start3A_74, %dma_start3A_75] : memref<256x16xf32, #tpu.memory_space<hbm>> -> memref<128x16xf32, #tpu.memory_space<hbm>>
      tpu.enqueue_dma source(%dma_start3A_76 : memref<128x16xf32, #tpu.memory_space<hbm>>) target(%dma_start3A_73 : memref<128x16xf32, #tpu.memory_space<vmem_shared>>) target_semaphore(%run_scoped3A : memref<!tpu.dma_semaphore, #tpu.memory_space<semaphore_mem>>)
      %dma_wait3A_77 = arith.constant 0 : i32
      %dma_wait3A_78 = tpu.memref_slice %arg7[%add3A_6, %dma_wait3A_77] : memref<10240x16xf32, #tpu.memory_space<vmem_shared>> -> memref<128x16xf32, #tpu.memory_space<vmem_shared>>
      %dma_wait3A_79 = arith.constant 128 : i32
      %dma_wait3A_80 = arith.constant 0 : i32
      %dma_wait3A_81 = tpu.memref_slice %arg3[%dma_wait3A_79, %dma_wait3A_80] : memref<256x16xf32, #tpu.memory_space<hbm>> -> memref<128x16xf32, #tpu.memory_space<hbm>>
      tpu.wait_dma2 semaphore(%run_scoped3A : memref<!tpu.dma_semaphore, #tpu.memory_space<semaphore_mem>>) src(%dma_wait3A_81 : memref<128x16xf32, #tpu.memory_space<hbm>>) dst(%dma_wait3A_78 : memref<128x16xf32, #tpu.memory_space<vmem_shared>>)
      tpu.yield
    }) : () -> ()
    %add3A_7 = arith.constant 256 : i32
    %add3A_8 = arith.addi %mul3A_2, %add3A_7 : i32
    "tpu.region"() ({
      %run_scoped3A = tpu.sem_alloc : memref<!tpu.dma_semaphore, #tpu.memory_space<semaphore_mem>>
      %dma_start3A_72 = arith.constant 0 : i32
      %dma_start3A_73 = tpu.memref_slice %arg7[%add3A_8, %dma_start3A_72] : memref<10240x16xf32, #tpu.memory_space<vmem_shared>> -> memref<128x16xf32, #tpu.memory_space<vmem_shared>>
      %dma_start3A_74 = arith.constant 128 : i32
      %dma_start3A_75 = arith.constant 0 : i32
      %dma_start3A_76 = tpu.memref_slice %arg3[%dma_start3A_74, %dma_start3A_75] : memref<256x16xf32, #tpu.memory_space<hbm>> -> memref<128x16xf32, #tpu.memory_space<hbm>>
      tpu.enqueue_dma source(%dma_start3A_76 : memref<128x16xf32, #tpu.memory_space<hbm>>) target(%dma_start3A_73 : memref<128x16xf32, #tpu.memory_space<vmem_shared>>) target_semaphore(%run_scoped3A : memref<!tpu.dma_semaphore, #tpu.memory_space<semaphore_mem>>)
      %dma_wait3A_77 = arith.constant 0 : i32
      %dma_wait3A_78 = tpu.memref_slice %arg7[%add3A_8, %dma_wait3A_77] : memref<10240x16xf32, #tpu.memory_space<vmem_shared>> -> memref<128x16xf32, #tpu.memory_space<vmem_shared>>
      %dma_wait3A_79 = arith.constant 128 : i32
      %dma_wait3A_80 = arith.constant 0 : i32
      %dma_wait3A_81 = tpu.memref_slice %arg3[%dma_wait3A_79, %dma_wait3A_80] : memref<256x16xf32, #tpu.memory_space<hbm>> -> memref<128x16xf32, #tpu.memory_space<hbm>>
      tpu.wait_dma2 semaphore(%run_scoped3A : memref<!tpu.dma_semaphore, #tpu.memory_space<semaphore_mem>>) src(%dma_wait3A_81 : memref<128x16xf32, #tpu.memory_space<hbm>>) dst(%dma_wait3A_78 : memref<128x16xf32, #tpu.memory_space<vmem_shared>>)
      tpu.yield
    }) : () -> ()
    %add3A_9 = arith.constant 384 : i32
    %add3A_10 = arith.addi %mul3A_2, %add3A_9 : i32
    "tpu.region"() ({
      %run_scoped3A = tpu.sem_alloc : memref<!tpu.dma_semaphore, #tpu.memory_space<semaphore_mem>>
      %dma_start3A_72 = arith.constant 0 : i32
      %dma_start3A_73 = tpu.memref_slice %arg7[%add3A_10, %dma_start3A_72] : memref<10240x16xf32, #tpu.memory_space<vmem_shared>> -> memref<128x16xf32, #tpu.memory_space<vmem_shared>>
      %dma_start3A_74 = arith.constant 128 : i32
      %dma_start3A_75 = arith.constant 0 : i32
      %dma_start3A_76 = tpu.memref_slice %arg3[%dma_start3A_74, %dma_start3A_75] : memref<256x16xf32, #tpu.memory_space<hbm>> -> memref<128x16xf32, #tpu.memory_space<hbm>>
      tpu.enqueue_dma source(%dma_start3A_76 : memref<128x16xf32, #tpu.memory_space<hbm>>) target(%dma_start3A_73 : memref<128x16xf32, #tpu.memory_space<vmem_shared>>) target_semaphore(%run_scoped3A : memref<!tpu.dma_semaphore, #tpu.memory_space<semaphore_mem>>)
      %dma_wait3A_77 = arith.constant 0 : i32
      %dma_wait3A_78 = tpu.memref_slice %arg7[%add3A_10, %dma_wait3A_77] : memref<10240x16xf32, #tpu.memory_space<vmem_shared>> -> memref<128x16xf32, #tpu.memory_space<vmem_shared>>
      %dma_wait3A_79 = arith.constant 128 : i32
      %dma_wait3A_80 = arith.constant 0 : i32
      %dma_wait3A_81 = tpu.memref_slice %arg3[%dma_wait3A_79, %dma_wait3A_80] : memref<256x16xf32, #tpu.memory_space<hbm>> -> memref<128x16xf32, #tpu.memory_space<hbm>>
      tpu.wait_dma2 semaphore(%run_scoped3A : memref<!tpu.dma_semaphore, #tpu.memory_space<semaphore_mem>>) src(%dma_wait3A_81 : memref<128x16xf32, #tpu.memory_space<hbm>>) dst(%dma_wait3A_78 : memref<128x16xf32, #tpu.memory_space<vmem_shared>>)
      tpu.yield
    }) : () -> ()
    %add3A_11 = arith.constant 512 : i32
    %add3A_12 = arith.addi %mul3A_2, %add3A_11 : i32
    "tpu.region"() ({
      %run_scoped3A = tpu.sem_alloc : memref<!tpu.dma_semaphore, #tpu.memory_space<semaphore_mem>>
      %dma_start3A_72 = arith.constant 0 : i32
      %dma_start3A_73 = tpu.memref_slice %arg7[%add3A_12, %dma_start3A_72] : memref<10240x16xf32, #tpu.memory_space<vmem_shared>> -> memref<128x16xf32, #tpu.memory_space<vmem_shared>>
      %dma_start3A_74 = arith.constant 128 : i32
      %dma_start3A_75 = arith.constant 0 : i32
      %dma_start3A_76 = tpu.memref_slice %arg3[%dma_start3A_74, %dma_start3A_75] : memref<256x16xf32, #tpu.memory_space<hbm>> -> memref<128x16xf32, #tpu.memory_space<hbm>>
      tpu.enqueue_dma source(%dma_start3A_76 : memref<128x16xf32, #tpu.memory_space<hbm>>) target(%dma_start3A_73 : memref<128x16xf32, #tpu.memory_space<vmem_shared>>) target_semaphore(%run_scoped3A : memref<!tpu.dma_semaphore, #tpu.memory_space<semaphore_mem>>)
      %dma_wait3A_77 = arith.constant 0 : i32
      %dma_wait3A_78 = tpu.memref_slice %arg7[%add3A_12, %dma_wait3A_77] : memref<10240x16xf32, #tpu.memory_space<vmem_shared>> -> memref<128x16xf32, #tpu.memory_space<vmem_shared>>
      %dma_wait3A_79 = arith.constant 128 : i32
      %dma_wait3A_80 = arith.constant 0 : i32
      %dma_wait3A_81 = tpu.memref_slice %arg3[%dma_wait3A_79, %dma_wait3A_80] : memref<256x16xf32, #tpu.memory_space<hbm>> -> memref<128x16xf32, #tpu.memory_space<hbm>>
      tpu.wait_dma2 semaphore(%run_scoped3A : memref<!tpu.dma_semaphore, #tpu.memory_space<semaphore_mem>>) src(%dma_wait3A_81 : memref<128x16xf32, #tpu.memory_space<hbm>>) dst(%dma_wait3A_78 : memref<128x16xf32, #tpu.memory_space<vmem_shared>>)
      tpu.yield
    }) : () -> ()
    "tpu.region"() ({
      %run_scoped3A = tpu.sem_alloc : memref<!tpu.dma_semaphore, #tpu.memory_space<semaphore_mem>>
      %dma_start3A_72 = arith.constant 0 : i32
      %dma_start3A_73 = arith.constant 0 : i32
      %dma_start3A_74 = tpu.memref_slice %arg3[%dma_start3A_72, %dma_start3A_73] : memref<256x16xf32, #tpu.memory_space<hbm>> -> memref<128x16xf32, #tpu.memory_space<hbm>>
      %dma_start3A_75 = arith.constant 0 : i32
      %dma_start3A_76 = arith.constant 0 : i32
      %dma_start3A_77 = tpu.memref_slice %arg3[%dma_start3A_75, %dma_start3A_76] : memref<256x16xf32, #tpu.memory_space<hbm>> -> memref<128x16xf32, #tpu.memory_space<hbm>>
      tpu.enqueue_dma source(%dma_start3A_77 : memref<128x16xf32, #tpu.memory_space<hbm>>) target(%arg6 : memref<128x16xf32, #tpu.memory_space<vmem>>) target_semaphore(%run_scoped3A : memref<!tpu.dma_semaphore, #tpu.memory_space<semaphore_mem>>)
      %dma_wait3A_78 = arith.constant 0 : i32
      %dma_wait3A_79 = arith.constant 0 : i32
      %dma_wait3A_80 = tpu.memref_slice %arg3[%dma_wait3A_78, %dma_wait3A_79] : memref<256x16xf32, #tpu.memory_space<hbm>> -> memref<128x16xf32, #tpu.memory_space<hbm>>
      %dma_wait3A_81 = arith.constant 0 : i32
      %dma_wait3A_82 = arith.constant 0 : i32
      %dma_wait3A_83 = tpu.memref_slice %arg3[%dma_wait3A_81, %dma_wait3A_82] : memref<256x16xf32, #tpu.memory_space<hbm>> -> memref<128x16xf32, #tpu.memory_space<hbm>>
      tpu.wait_dma2 semaphore(%run_scoped3A : memref<!tpu.dma_semaphore, #tpu.memory_space<semaphore_mem>>) src(%dma_wait3A_83 : memref<128x16xf32, #tpu.memory_space<hbm>>) dst(%arg6 : memref<128x16xf32, #tpu.memory_space<vmem>>)
      tpu.yield
    }) : () -> ()
    %mul3A_13 = arith.constant 80 : i32
    %mul3A_14 = arith.muli %add3A, %mul3A_13 : i32
    "tpu.region"() ({
      %run_scoped3A = tpu.sem_alloc : memref<!tpu.dma_semaphore, #tpu.memory_space<semaphore_mem>>
      %dma_start3A_72 = arith.constant 0 : i32
      %dma_start3A_73 = tpu.memref_slice %arg2[%mul3A_14, %dma_start3A_72] : memref<2560x128xi32, #tpu.memory_space<hbm>> -> memref<80x128xi32, #tpu.memory_space<hbm>>
      %dma_start3A_74 = arith.constant 0 : i32
      %dma_start3A_75 = tpu.memref_slice %arg2[%mul3A_14, %dma_start3A_74] : memref<2560x128xi32, #tpu.memory_space<hbm>> -> memref<80x128xi32, #tpu.memory_space<hbm>>
      tpu.enqueue_dma source(%dma_start3A_75 : memref<80x128xi32, #tpu.memory_space<hbm>>) target(%arg5 : memref<80x128xi32, #tpu.memory_space<vmem>>) target_semaphore(%run_scoped3A : memref<!tpu.dma_semaphore, #tpu.memory_space<semaphore_mem>>)
      %dma_wait3A_76 = arith.constant 0 : i32
      %dma_wait3A_77 = tpu.memref_slice %arg2[%mul3A_14, %dma_wait3A_76] : memref<2560x128xi32, #tpu.memory_space<hbm>> -> memref<80x128xi32, #tpu.memory_space<hbm>>
      %dma_wait3A_78 = arith.constant 0 : i32
      %dma_wait3A_79 = tpu.memref_slice %arg2[%mul3A_14, %dma_wait3A_78] : memref<2560x128xi32, #tpu.memory_space<hbm>> -> memref<80x128xi32, #tpu.memory_space<hbm>>
      tpu.wait_dma2 semaphore(%run_scoped3A : memref<!tpu.dma_semaphore, #tpu.memory_space<semaphore_mem>>) src(%dma_wait3A_79 : memref<80x128xi32, #tpu.memory_space<hbm>>) dst(%arg5 : memref<80x128xi32, #tpu.memory_space<vmem>>)
      tpu.yield
    }) : () -> ()
    %barrier3A = arith.constant 0 : index
    tpu.barrier barrier_id(%barrier3A)
    %dma_start3A = arith.constant 0 : i32
    %dma_start3A_15 = arith.constant 0 : i32
    %dma_start3A_16 = tpu.memref_slice %arg5[%dma_start3A, %dma_start3A_15] : memref<80x128xi32, #tpu.memory_space<vmem>> -> memref<1x128xi32, #tpu.memory_space<vmem>>
    %dma_start3A_17 = tpu.memref_squeeze %dma_start3A_16 : memref<1x128xi32, #tpu.memory_space<vmem>> -> memref<128xi32, #tpu.memory_space<vmem>>
    %dma_start3A_18 = arith.constant 0 : i32
    %dma_start3A_19 = arith.constant 0 : i32
    %dma_start3A_20 = tpu.memref_slice %arg7[%dma_start3A_18, %dma_start3A_19] : memref<10240x16xf32, #tpu.memory_space<vmem_shared>> -> memref<10240x16xf32, #tpu.memory_space<vmem_shared>>
    tpu.enqueue_indirect_dma source(%arg6 : memref<128x16xf32, #tpu.memory_space<vmem>>) target(%dma_start3A_20 : memref<10240x16xf32, #tpu.memory_space<vmem_shared>>) offsets(%dma_start3A_17 : memref<128xi32, #tpu.memory_space<vmem>>) semaphore(%arg8 : memref<!tpu.dma_semaphore, #tpu.memory_space<semaphore_mem>>) {add = true}
    %dma_start3A_21 = arith.constant 1 : i32
    %dma_start3A_22 = arith.constant 0 : i32
    %dma_start3A_23 = tpu.memref_slice %arg5[%dma_start3A_21, %dma_start3A_22] : memref<80x128xi32, #tpu.memory_space<vmem>> -> memref<1x128xi32, #tpu.memory_space<vmem>>
    %dma_start3A_24 = tpu.memref_squeeze %dma_start3A_23 : memref<1x128xi32, #tpu.memory_space<vmem>> -> memref<128xi32, #tpu.memory_space<vmem>>
    %dma_start3A_25 = arith.constant 0 : i32
    %dma_start3A_26 = arith.constant 0 : i32
    %dma_start3A_27 = tpu.memref_slice %arg7[%dma_start3A_25, %dma_start3A_26] : memref<10240x16xf32, #tpu.memory_space<vmem_shared>> -> memref<10240x16xf32, #tpu.memory_space<vmem_shared>>
    tpu.enqueue_indirect_dma source(%arg6 : memref<128x16xf32, #tpu.memory_space<vmem>>) target(%dma_start3A_27 : memref<10240x16xf32, #tpu.memory_space<vmem_shared>>) offsets(%dma_start3A_24 : memref<128xi32, #tpu.memory_space<vmem>>) semaphore(%arg9 : memref<!tpu.dma_semaphore, #tpu.memory_space<semaphore_mem>>) {add = true}
    %scan3A = arith.constant 0 : i32
    %scan3A_28 = arith.constant 0 : i32
    %scan3A_29 = arith.constant 39 : i32
    %scan3A_30 = arith.addi %scan3A_28, %scan3A_29 : i32
    %scan3A_31 = arith.constant 1 : i32
    scf.for %scan3A_72 = %scan3A_28 to %scan3A_30 step %scan3A_31  : i32 {
      %mul3A_73 = arith.constant 2 : i32
      %mul3A_74 = arith.muli %scan3A_72, %mul3A_73 : i32
      %add3A_75 = arith.constant 0 : i32
      %add3A_76 = arith.addi %mul3A_74, %add3A_75 : i32
      %dma_wait3A_77 = arith.constant 0 : i32
      %dma_wait3A_78 = tpu.memref_slice %arg5[%add3A_76, %dma_wait3A_77] : memref<80x128xi32, #tpu.memory_space<vmem>> -> memref<1x128xi32, #tpu.memory_space<vmem>>
      %dma_wait3A_79 = tpu.memref_squeeze %dma_wait3A_78 : memref<1x128xi32, #tpu.memory_space<vmem>> -> memref<128xi32, #tpu.memory_space<vmem>>
      %dma_wait3A_80 = arith.constant 0 : i32
      %dma_wait3A_81 = arith.constant 0 : i32
      %dma_wait3A_82 = tpu.memref_slice %arg7[%dma_wait3A_80, %dma_wait3A_81] : memref<10240x16xf32, #tpu.memory_space<vmem_shared>> -> memref<10240x16xf32, #tpu.memory_space<vmem_shared>>
      tpu.wait_indirect_dma semaphore(%arg8 : memref<!tpu.dma_semaphore, #tpu.memory_space<semaphore_mem>>) src(%arg6 : memref<128x16xf32, #tpu.memory_space<vmem>>) dst(%dma_wait3A_82 : memref<10240x16xf32, #tpu.memory_space<vmem_shared>>)
      %add3A_83 = arith.constant 2 : i32
      %add3A_84 = arith.addi %add3A_76, %add3A_83 : i32
      %dma_start3A_85 = arith.constant 0 : i32
      %dma_start3A_86 = tpu.memref_slice %arg5[%add3A_84, %dma_start3A_85] : memref<80x128xi32, #tpu.memory_space<vmem>> -> memref<1x128xi32, #tpu.memory_space<vmem>>
      %dma_start3A_87 = tpu.memref_squeeze %dma_start3A_86 : memref<1x128xi32, #tpu.memory_space<vmem>> -> memref<128xi32, #tpu.memory_space<vmem>>
      %dma_start3A_88 = arith.constant 0 : i32
      %dma_start3A_89 = arith.constant 0 : i32
      %dma_start3A_90 = tpu.memref_slice %arg7[%dma_start3A_88, %dma_start3A_89] : memref<10240x16xf32, #tpu.memory_space<vmem_shared>> -> memref<10240x16xf32, #tpu.memory_space<vmem_shared>>
      tpu.enqueue_indirect_dma source(%arg6 : memref<128x16xf32, #tpu.memory_space<vmem>>) target(%dma_start3A_90 : memref<10240x16xf32, #tpu.memory_space<vmem_shared>>) offsets(%dma_start3A_87 : memref<128xi32, #tpu.memory_space<vmem>>) semaphore(%arg8 : memref<!tpu.dma_semaphore, #tpu.memory_space<semaphore_mem>>) {add = true}
      %mul3A_91 = arith.constant 2 : i32
      %mul3A_92 = arith.muli %scan3A_72, %mul3A_91 : i32
      %add3A_93 = arith.constant 1 : i32
      %add3A_94 = arith.addi %mul3A_92, %add3A_93 : i32
      %dma_wait3A_95 = arith.constant 0 : i32
      %dma_wait3A_96 = tpu.memref_slice %arg5[%add3A_94, %dma_wait3A_95] : memref<80x128xi32, #tpu.memory_space<vmem>> -> memref<1x128xi32, #tpu.memory_space<vmem>>
      %dma_wait3A_97 = tpu.memref_squeeze %dma_wait3A_96 : memref<1x128xi32, #tpu.memory_space<vmem>> -> memref<128xi32, #tpu.memory_space<vmem>>
      %dma_wait3A_98 = arith.constant 0 : i32
      %dma_wait3A_99 = arith.constant 0 : i32
      %dma_wait3A_100 = tpu.memref_slice %arg7[%dma_wait3A_98, %dma_wait3A_99] : memref<10240x16xf32, #tpu.memory_space<vmem_shared>> -> memref<10240x16xf32, #tpu.memory_space<vmem_shared>>
      tpu.wait_indirect_dma semaphore(%arg9 : memref<!tpu.dma_semaphore, #tpu.memory_space<semaphore_mem>>) src(%arg6 : memref<128x16xf32, #tpu.memory_space<vmem>>) dst(%dma_wait3A_100 : memref<10240x16xf32, #tpu.memory_space<vmem_shared>>)
      %add3A_101 = arith.constant 2 : i32
      %add3A_102 = arith.addi %add3A_94, %add3A_101 : i32
      %dma_start3A_103 = arith.constant 0 : i32
      %dma_start3A_104 = tpu.memref_slice %arg5[%add3A_102, %dma_start3A_103] : memref<80x128xi32, #tpu.memory_space<vmem>> -> memref<1x128xi32, #tpu.memory_space<vmem>>
      %dma_start3A_105 = tpu.memref_squeeze %dma_start3A_104 : memref<1x128xi32, #tpu.memory_space<vmem>> -> memref<128xi32, #tpu.memory_space<vmem>>
      %dma_start3A_106 = arith.constant 0 : i32
      %dma_start3A_107 = arith.constant 0 : i32
      %dma_start3A_108 = tpu.memref_slice %arg7[%dma_start3A_106, %dma_start3A_107] : memref<10240x16xf32, #tpu.memory_space<vmem_shared>> -> memref<10240x16xf32, #tpu.memory_space<vmem_shared>>
      tpu.enqueue_indirect_dma source(%arg6 : memref<128x16xf32, #tpu.memory_space<vmem>>) target(%dma_start3A_108 : memref<10240x16xf32, #tpu.memory_space<vmem_shared>>) offsets(%dma_start3A_105 : memref<128xi32, #tpu.memory_space<vmem>>) semaphore(%arg9 : memref<!tpu.dma_semaphore, #tpu.memory_space<semaphore_mem>>) {add = true}
    }
    %scan3A_32 = arith.constant 39 : i32
    %dma_wait3A = arith.constant 78 : i32
    %dma_wait3A_33 = arith.constant 0 : i32
    %dma_wait3A_34 = tpu.memref_slice %arg5[%dma_wait3A, %dma_wait3A_33] : memref<80x128xi32, #tpu.memory_space<vmem>> -> memref<1x128xi32, #tpu.memory_space<vmem>>
    %dma_wait3A_35 = tpu.memref_squeeze %dma_wait3A_34 : memref<1x128xi32, #tpu.memory_space<vmem>> -> memref<128xi32, #tpu.memory_space<vmem>>
    %dma_wait3A_36 = arith.constant 0 : i32
    %dma_wait3A_37 = arith.constant 0 : i32
    %dma_wait3A_38 = tpu.memref_slice %arg7[%dma_wait3A_36, %dma_wait3A_37] : memref<10240x16xf32, #tpu.memory_space<vmem_shared>> -> memref<10240x16xf32, #tpu.memory_space<vmem_shared>>
    tpu.wait_indirect_dma semaphore(%arg8 : memref<!tpu.dma_semaphore, #tpu.memory_space<semaphore_mem>>) src(%arg6 : memref<128x16xf32, #tpu.memory_space<vmem>>) dst(%dma_wait3A_38 : memref<10240x16xf32, #tpu.memory_space<vmem_shared>>)
    %dma_wait3A_39 = arith.constant 79 : i32
    %dma_wait3A_40 = arith.constant 0 : i32
    %dma_wait3A_41 = tpu.memref_slice %arg5[%dma_wait3A_39, %dma_wait3A_40] : memref<80x128xi32, #tpu.memory_space<vmem>> -> memref<1x128xi32, #tpu.memory_space<vmem>>
    %dma_wait3A_42 = tpu.memref_squeeze %dma_wait3A_41 : memref<1x128xi32, #tpu.memory_space<vmem>> -> memref<128xi32, #tpu.memory_space<vmem>>
    %dma_wait3A_43 = arith.constant 0 : i32
    %dma_wait3A_44 = arith.constant 0 : i32
    %dma_wait3A_45 = tpu.memref_slice %arg7[%dma_wait3A_43, %dma_wait3A_44] : memref<10240x16xf32, #tpu.memory_space<vmem_shared>> -> memref<10240x16xf32, #tpu.memory_space<vmem_shared>>
    tpu.wait_indirect_dma semaphore(%arg9 : memref<!tpu.dma_semaphore, #tpu.memory_space<semaphore_mem>>) src(%arg6 : memref<128x16xf32, #tpu.memory_space<vmem>>) dst(%dma_wait3A_45 : memref<10240x16xf32, #tpu.memory_space<vmem_shared>>)
    %barrier3A_46 = arith.constant 0 : index
    tpu.barrier barrier_id(%barrier3A_46)
    %add3A_47 = arith.constant 0 : i32
    %add3A_48 = arith.addi %mul3A_2, %add3A_47 : i32
    %mul3A_49 = arith.constant 10240 : i32
    %mul3A_50 = arith.muli %arg0, %mul3A_49 : i32
    %add3A_51 = arith.addi %mul3A_50, %add3A_48 : i32
    "tpu.region"() ({
      %run_scoped3A = tpu.sem_alloc : memref<!tpu.dma_semaphore, #tpu.memory_space<semaphore_mem>>
      %dma_start3A_72 = arith.constant 0 : i32
      %dma_start3A_73 = tpu.memref_slice %arg4[%add3A_51, %dma_start3A_72] : memref<20480x16xf32, #tpu.memory_space<hbm>> -> memref<128x16xf32, #tpu.memory_space<hbm>>
      %dma_start3A_74 = arith.constant 0 : i32
      %dma_start3A_75 = tpu.memref_slice %arg7[%add3A_48, %dma_start3A_74] : memref<10240x16xf32, #tpu.memory_space<vmem_shared>> -> memref<128x16xf32, #tpu.memory_space<vmem_shared>>
      tpu.enqueue_dma source(%dma_start3A_75 : memref<128x16xf32, #tpu.memory_space<vmem_shared>>) target(%dma_start3A_73 : memref<128x16xf32, #tpu.memory_space<hbm>>) target_semaphore(%run_scoped3A : memref<!tpu.dma_semaphore, #tpu.memory_space<semaphore_mem>>)
      %dma_wait3A_76 = arith.constant 0 : i32
      %dma_wait3A_77 = tpu.memref_slice %arg4[%add3A_51, %dma_wait3A_76] : memref<20480x16xf32, #tpu.memory_space<hbm>> -> memref<128x16xf32, #tpu.memory_space<hbm>>
      %dma_wait3A_78 = arith.constant 0 : i32
      %dma_wait3A_79 = tpu.memref_slice %arg7[%add3A_48, %dma_wait3A_78] : memref<10240x16xf32, #tpu.memory_space<vmem_shared>> -> memref<128x16xf32, #tpu.memory_space<vmem_shared>>
      tpu.wait_dma2 semaphore(%run_scoped3A : memref<!tpu.dma_semaphore, #tpu.memory_space<semaphore_mem>>) src(%dma_wait3A_79 : memref<128x16xf32, #tpu.memory_space<vmem_shared>>) dst(%dma_wait3A_77 : memref<128x16xf32, #tpu.memory_space<hbm>>)
      tpu.yield
    }) : () -> ()
    %add3A_52 = arith.constant 128 : i32
    %add3A_53 = arith.addi %mul3A_2, %add3A_52 : i32
    %mul3A_54 = arith.constant 10240 : i32
    %mul3A_55 = arith.muli %arg0, %mul3A_54 : i32
    %add3A_56 = arith.addi %mul3A_55, %add3A_53 : i32
    "tpu.region"() ({
      %run_scoped3A = tpu.sem_alloc : memref<!tpu.dma_semaphore, #tpu.memory_space<semaphore_mem>>
      %dma_start3A_72 = arith.constant 0 : i32
      %dma_start3A_73 = tpu.memref_slice %arg4[%add3A_56, %dma_start3A_72] : memref<20480x16xf32, #tpu.memory_space<hbm>> -> memref<128x16xf32, #tpu.memory_space<hbm>>
      %dma_start3A_74 = arith.constant 0 : i32
      %dma_start3A_75 = tpu.memref_slice %arg7[%add3A_53, %dma_start3A_74] : memref<10240x16xf32, #tpu.memory_space<vmem_shared>> -> memref<128x16xf32, #tpu.memory_space<vmem_shared>>
      tpu.enqueue_dma source(%dma_start3A_75 : memref<128x16xf32, #tpu.memory_space<vmem_shared>>) target(%dma_start3A_73 : memref<128x16xf32, #tpu.memory_space<hbm>>) target_semaphore(%run_scoped3A : memref<!tpu.dma_semaphore, #tpu.memory_space<semaphore_mem>>)
      %dma_wait3A_76 = arith.constant 0 : i32
      %dma_wait3A_77 = tpu.memref_slice %arg4[%add3A_56, %dma_wait3A_76] : memref<20480x16xf32, #tpu.memory_space<hbm>> -> memref<128x16xf32, #tpu.memory_space<hbm>>
      %dma_wait3A_78 = arith.constant 0 : i32
      %dma_wait3A_79 = tpu.memref_slice %arg7[%add3A_53, %dma_wait3A_78] : memref<10240x16xf32, #tpu.memory_space<vmem_shared>> -> memref<128x16xf32, #tpu.memory_space<vmem_shared>>
      tpu.wait_dma2 semaphore(%run_scoped3A : memref<!tpu.dma_semaphore, #tpu.memory_space<semaphore_mem>>) src(%dma_wait3A_79 : memref<128x16xf32, #tpu.memory_space<vmem_shared>>) dst(%dma_wait3A_77 : memref<128x16xf32, #tpu.memory_space<hbm>>)
      tpu.yield
    }) : () -> ()
    %add3A_57 = arith.constant 256 : i32
    %add3A_58 = arith.addi %mul3A_2, %add3A_57 : i32
    %mul3A_59 = arith.constant 10240 : i32
    %mul3A_60 = arith.muli %arg0, %mul3A_59 : i32
    %add3A_61 = arith.addi %mul3A_60, %add3A_58 : i32
    "tpu.region"() ({
      %run_scoped3A = tpu.sem_alloc : memref<!tpu.dma_semaphore, #tpu.memory_space<semaphore_mem>>
      %dma_start3A_72 = arith.constant 0 : i32
      %dma_start3A_73 = tpu.memref_slice %arg4[%add3A_61, %dma_start3A_72] : memref<20480x16xf32, #tpu.memory_space<hbm>> -> memref<128x16xf32, #tpu.memory_space<hbm>>
      %dma_start3A_74 = arith.constant 0 : i32
      %dma_start3A_75 = tpu.memref_slice %arg7[%add3A_58, %dma_start3A_74] : memref<10240x16xf32, #tpu.memory_space<vmem_shared>> -> memref<128x16xf32, #tpu.memory_space<vmem_shared>>
      tpu.enqueue_dma source(%dma_start3A_75 : memref<128x16xf32, #tpu.memory_space<vmem_shared>>) target(%dma_start3A_73 : memref<128x16xf32, #tpu.memory_space<hbm>>) target_semaphore(%run_scoped3A : memref<!tpu.dma_semaphore, #tpu.memory_space<semaphore_mem>>)
      %dma_wait3A_76 = arith.constant 0 : i32
      %dma_wait3A_77 = tpu.memref_slice %arg4[%add3A_61, %dma_wait3A_76] : memref<20480x16xf32, #tpu.memory_space<hbm>> -> memref<128x16xf32, #tpu.memory_space<hbm>>
      %dma_wait3A_78 = arith.constant 0 : i32
      %dma_wait3A_79 = tpu.memref_slice %arg7[%add3A_58, %dma_wait3A_78] : memref<10240x16xf32, #tpu.memory_space<vmem_shared>> -> memref<128x16xf32, #tpu.memory_space<vmem_shared>>
      tpu.wait_dma2 semaphore(%run_scoped3A : memref<!tpu.dma_semaphore, #tpu.memory_space<semaphore_mem>>) src(%dma_wait3A_79 : memref<128x16xf32, #tpu.memory_space<vmem_shared>>) dst(%dma_wait3A_77 : memref<128x16xf32, #tpu.memory_space<hbm>>)
      tpu.yield
    }) : () -> ()
    %add3A_62 = arith.constant 384 : i32
    %add3A_63 = arith.addi %mul3A_2, %add3A_62 : i32
    %mul3A_64 = arith.constant 10240 : i32
    %mul3A_65 = arith.muli %arg0, %mul3A_64 : i32
    %add3A_66 = arith.addi %mul3A_65, %add3A_63 : i32
    "tpu.region"() ({
      %run_scoped3A = tpu.sem_alloc : memref<!tpu.dma_semaphore, #tpu.memory_space<semaphore_mem>>
      %dma_start3A_72 = arith.constant 0 : i32
      %dma_start3A_73 = tpu.memref_slice %arg4[%add3A_66, %dma_start3A_72] : memref<20480x16xf32, #tpu.memory_space<hbm>> -> memref<128x16xf32, #tpu.memory_space<hbm>>
      %dma_start3A_74 = arith.constant 0 : i32
      %dma_start3A_75 = tpu.memref_slice %arg7[%add3A_63, %dma_start3A_74] : memref<10240x16xf32, #tpu.memory_space<vmem_shared>> -> memref<128x16xf32, #tpu.memory_space<vmem_shared>>
      tpu.enqueue_dma source(%dma_start3A_75 : memref<128x16xf32, #tpu.memory_space<vmem_shared>>) target(%dma_start3A_73 : memref<128x16xf32, #tpu.memory_space<hbm>>) target_semaphore(%run_scoped3A : memref<!tpu.dma_semaphore, #tpu.memory_space<semaphore_mem>>)
      %dma_wait3A_76 = arith.constant 0 : i32
      %dma_wait3A_77 = tpu.memref_slice %arg4[%add3A_66, %dma_wait3A_76] : memref<20480x16xf32, #tpu.memory_space<hbm>> -> memref<128x16xf32, #tpu.memory_space<hbm>>
      %dma_wait3A_78 = arith.constant 0 : i32
      %dma_wait3A_79 = tpu.memref_slice %arg7[%add3A_63, %dma_wait3A_78] : memref<10240x16xf32, #tpu.memory_space<vmem_shared>> -> memref<128x16xf32, #tpu.memory_space<vmem_shared>>
      tpu.wait_dma2 semaphore(%run_scoped3A : memref<!tpu.dma_semaphore, #tpu.memory_space<semaphore_mem>>) src(%dma_wait3A_79 : memref<128x16xf32, #tpu.memory_space<vmem_shared>>) dst(%dma_wait3A_77 : memref<128x16xf32, #tpu.memory_space<hbm>>)
      tpu.yield
    }) : () -> ()
    %add3A_67 = arith.constant 512 : i32
    %add3A_68 = arith.addi %mul3A_2, %add3A_67 : i32
    %mul3A_69 = arith.constant 10240 : i32
    %mul3A_70 = arith.muli %arg0, %mul3A_69 : i32
    %add3A_71 = arith.addi %mul3A_70, %add3A_68 : i32
    "tpu.region"() ({
      %run_scoped3A = tpu.sem_alloc : memref<!tpu.dma_semaphore, #tpu.memory_space<semaphore_mem>>
      %dma_start3A_72 = arith.constant 0 : i32
      %dma_start3A_73 = tpu.memref_slice %arg4[%add3A_71, %dma_start3A_72] : memref<20480x16xf32, #tpu.memory_space<hbm>> -> memref<128x16xf32, #tpu.memory_space<hbm>>
      %dma_start3A_74 = arith.constant 0 : i32
      %dma_start3A_75 = tpu.memref_slice %arg7[%add3A_68, %dma_start3A_74] : memref<10240x16xf32, #tpu.memory_space<vmem_shared>> -> memref<128x16xf32, #tpu.memory_space<vmem_shared>>
      tpu.enqueue_dma source(%dma_start3A_75 : memref<128x16xf32, #tpu.memory_space<vmem_shared>>) target(%dma_start3A_73 : memref<128x16xf32, #tpu.memory_space<hbm>>) target_semaphore(%run_scoped3A : memref<!tpu.dma_semaphore, #tpu.memory_space<semaphore_mem>>)
      %dma_wait3A_76 = arith.constant 0 : i32
      %dma_wait3A_77 = tpu.memref_slice %arg4[%add3A_71, %dma_wait3A_76] : memref<20480x16xf32, #tpu.memory_space<hbm>> -> memref<128x16xf32, #tpu.memory_space<hbm>>
      %dma_wait3A_78 = arith.constant 0 : i32
      %dma_wait3A_79 = tpu.memref_slice %arg7[%add3A_68, %dma_wait3A_78] : memref<10240x16xf32, #tpu.memory_space<vmem_shared>> -> memref<128x16xf32, #tpu.memory_space<vmem_shared>>
      tpu.wait_dma2 semaphore(%run_scoped3A : memref<!tpu.dma_semaphore, #tpu.memory_space<semaphore_mem>>) src(%dma_wait3A_79 : memref<128x16xf32, #tpu.memory_space<vmem_shared>>) dst(%dma_wait3A_77 : memref<128x16xf32, #tpu.memory_space<hbm>>)
      tpu.yield
    }) : () -> ()
    return
  }
}

module attributes {stable_mosaic.version = 14 : i64} {
  func.func @_tc1_body(%arg0: memref<10000x128xf32, #tpu.memory_space<vmem>>, %arg1: memref<128x128xf32, #tpu.memory_space<vmem>>, %arg2: memref<20480x16xf32, #tpu.memory_space<vmem>>, %arg3: memref<10240x128xf32, #tpu.memory_space<vmem>>) attributes {dimension_semantics = [], scalar_prefetch = 0 : i64, scratch_operands = 0 : i64, tpu.core_type = #tpu.core_type<tc>} {
    %get3A = arith.constant 0 : index
    %get3A_0 = arith.constant 0 : index
    %get3A_1 = vector.load %arg2[%get3A, %get3A_0] : memref<20480x16xf32, #tpu.memory_space<vmem>>, vector<10000x16xf32>
    %get3A_2 = arith.constant 10240 : index
    %get3A_3 = arith.constant 0 : index
    %get3A_4 = vector.load %arg2[%get3A_2, %get3A_3] : memref<20480x16xf32, #tpu.memory_space<vmem>>, vector<10000x16xf32>
    %add3A = arith.addf %get3A_1, %get3A_4 : vector<10000x16xf32>
    %add3A_5 = arith.constant 1.000000e+00 : f32
    %add3A_6 = vector.broadcast %add3A_5 : f32 to vector<10000x16xf32>
    %add3A_7 = arith.addf %add3A, %add3A_6 : vector<10000x16xf32>
    %rsqrt3A = math.rsqrt %add3A_7 : vector<10000x16xf32>
    %slice3A = vector.extract_strided_slice %rsqrt3A {offsets = [0, 0], sizes = [10000, 1], strides = [1, 1]} : vector<10000x16xf32> to vector<10000x1xf32>
    %get3A_8 = arith.constant 0 : index
    %get3A_9 = arith.constant 0 : index
    %get3A_10 = vector.load %arg0[%get3A_8, %get3A_9] : memref<10000x128xf32, #tpu.memory_space<vmem>>, vector<10000x128xf32>
    %get3A_11 = arith.constant 0 : index
    %get3A_12 = arith.constant 0 : index
    %get3A_13 = vector.load %arg1[%get3A_11, %get3A_12] : memref<128x128xf32, #tpu.memory_space<vmem>>, vector<128x128xf32>
    %dot_general3A = arith.constant dense<0.000000e+00> : vector<10000x128xf32>
    %dot_general3A_14 = tpu.matmul %get3A_10, %get3A_13, %dot_general3A {dimension_numbers = #tpu.dot_dimension_numbers<[1], [0], [0], [1], [0, 0, 1, 1], [], []>, transpose_lhs_hint = false} : vector<10000x128xf32>, vector<128x128xf32>, vector<10000x128xf32> -> vector<10000x128xf32>
    %mul3A = vector.broadcast %slice3A : vector<10000x1xf32> to vector<10000x128xf32>
    %mul3A_15 = arith.mulf %dot_general3A_14, %mul3A : vector<10000x128xf32>
    %swap3A = arith.constant 0 : index
    %swap3A_16 = arith.constant 0 : index
    %swap3A_17 = vector.load %arg3[%swap3A, %swap3A_16] : memref<10240x128xf32, #tpu.memory_space<vmem>>, vector<10000x128xf32>
    tpu.vector_store %arg3[%swap3A, %swap3A_16], %mul3A_15 {strides = array<i32>} : memref<10240x128xf32, #tpu.memory_space<vmem>>, vector<10000x128xf32>,
    %broadcast_in_dim3A = arith.constant 0.000000e+00 : f32
    %broadcast_in_dim3A_18 = vector.broadcast %broadcast_in_dim3A : f32 to vector<240x128xf32>
    %swap3A_19 = arith.constant 10000 : index
    %swap3A_20 = arith.constant 0 : index
    %swap3A_21 = vector.load %arg3[%swap3A_19, %swap3A_20] : memref<10240x128xf32, #tpu.memory_space<vmem>>, vector<240x128xf32>
    tpu.vector_store %arg3[%swap3A_19, %swap3A_20], %broadcast_in_dim3A_18 {strides = array<i32>} : memref<10240x128xf32, #tpu.memory_space<vmem>>, vector<240x128xf32>,
    return
  }
}

module attributes {stable_mosaic.version = 14 : i64} {
  func.func @_tc_mid_body(%arg0: memref<20480x128xf32, #tpu.memory_space<vmem>>, %arg1: memref<10240x128xf32, #tpu.memory_space<vmem>>, %arg2: memref<20480x16xf32, #tpu.memory_space<vmem>>, %arg3: memref<1x128xf32, #tpu.memory_space<vmem>>, %arg4: memref<1x128xf32, #tpu.memory_space<vmem>>, %arg5: memref<1x128xf32, #tpu.memory_space<vmem>>, %arg6: memref<1x128xf32, #tpu.memory_space<vmem>>, %arg7: memref<128x128xf32, #tpu.memory_space<vmem>>, %arg8: memref<10240x128xf32, #tpu.memory_space<vmem>>) attributes {dimension_semantics = [], scalar_prefetch = 0 : i64, scratch_operands = 0 : i64, tpu.core_type = #tpu.core_type<tc>} {
    %get3A = arith.constant 0 : index
    %get3A_0 = arith.constant 0 : index
    %get3A_1 = vector.load %arg2[%get3A, %get3A_0] : memref<20480x16xf32, #tpu.memory_space<vmem>>, vector<10000x16xf32>
    %get3A_2 = arith.constant 10240 : index
    %get3A_3 = arith.constant 0 : index
    %get3A_4 = vector.load %arg2[%get3A_2, %get3A_3] : memref<20480x16xf32, #tpu.memory_space<vmem>>, vector<10000x16xf32>
    %add3A = arith.addf %get3A_1, %get3A_4 : vector<10000x16xf32>
    %add3A_5 = arith.constant 1.000000e+00 : f32
    %add3A_6 = vector.broadcast %add3A_5 : f32 to vector<10000x16xf32>
    %add3A_7 = arith.addf %add3A, %add3A_6 : vector<10000x16xf32>
    %rsqrt3A = math.rsqrt %add3A_7 : vector<10000x16xf32>
    %slice3A = vector.extract_strided_slice %rsqrt3A {offsets = [0, 0], sizes = [10000, 1], strides = [1, 1]} : vector<10000x16xf32> to vector<10000x1xf32>
    %get3A_8 = arith.constant 0 : index
    %get3A_9 = arith.constant 0 : index
    %get3A_10 = vector.load %arg1[%get3A_8, %get3A_9] : memref<10240x128xf32, #tpu.memory_space<vmem>>, vector<10000x128xf32>
    %get3A_11 = arith.constant 0 : index
    %get3A_12 = arith.constant 0 : index
    %get3A_13 = vector.load %arg0[%get3A_11, %get3A_12] : memref<20480x128xf32, #tpu.memory_space<vmem>>, vector<10000x128xf32>
    %get3A_14 = arith.constant 10240 : index
    %get3A_15 = arith.constant 0 : index
    %get3A_16 = vector.load %arg0[%get3A_14, %get3A_15] : memref<20480x128xf32, #tpu.memory_space<vmem>>, vector<10000x128xf32>
    %add3A_17 = arith.addf %get3A_13, %get3A_16 : vector<10000x128xf32>
    %add3A_18 = arith.addf %add3A_17, %get3A_10 : vector<10000x128xf32>
    %mul3A = vector.broadcast %slice3A : vector<10000x1xf32> to vector<10000x128xf32>
    %mul3A_19 = arith.mulf %add3A_18, %mul3A : vector<10000x128xf32>
    %get3A_20 = arith.constant 0 : index
    %get3A_21 = arith.constant 0 : index
    %get3A_22 = vector.load %arg6[%get3A_20, %get3A_21] : memref<1x128xf32, #tpu.memory_space<vmem>>, vector<1x128xf32>
    %add3A_23 = vector.broadcast %get3A_22 : vector<1x128xf32> to vector<10000x128xf32>
    %add3A_24 = arith.addf %mul3A_19, %add3A_23 : vector<10000x128xf32>
    %get3A_25 = arith.constant 0 : index
    %get3A_26 = arith.constant 0 : index
    %get3A_27 = vector.load %arg3[%get3A_25, %get3A_26] : memref<1x128xf32, #tpu.memory_space<vmem>>, vector<1x128xf32>
    %get3A_28 = arith.constant 0 : index
    %get3A_29 = arith.constant 0 : index
    %get3A_30 = vector.load %arg4[%get3A_28, %get3A_29] : memref<1x128xf32, #tpu.memory_space<vmem>>, vector<1x128xf32>
    %get3A_31 = arith.constant 0 : index
    %get3A_32 = arith.constant 0 : index
    %get3A_33 = vector.load %arg5[%get3A_31, %get3A_32] : memref<1x128xf32, #tpu.memory_space<vmem>>, vector<1x128xf32>
    %reduce_sum3A = arith.constant dense<0.000000e+00> : vector<128xf32>
    %reduce_sum3A_34 = vector.multi_reduction <add>, %add3A_24, %reduce_sum3A [0] : vector<10000x128xf32> to vector<128xf32>
    %broadcast_in_dim3A = vector.shape_cast %reduce_sum3A_34 : vector<128xf32> to vector<1x128xf32>
    %mul3A_35 = arith.constant 9.99999974E-5 : f32
    %mul3A_36 = vector.broadcast %mul3A_35 : f32 to vector<1x128xf32>
    %mul3A_37 = arith.mulf %broadcast_in_dim3A, %mul3A_36 : vector<1x128xf32>
    %mul3A_38 = arith.mulf %mul3A_37, %get3A_33 : vector<1x128xf32>
    %sub3A = vector.broadcast %mul3A_38 : vector<1x128xf32> to vector<10000x128xf32>
    %sub3A_39 = arith.subf %add3A_24, %sub3A : vector<10000x128xf32>
    %mul3A_40 = arith.mulf %sub3A_39, %sub3A_39 : vector<10000x128xf32>
    %reduce_sum3A_41 = arith.constant dense<0.000000e+00> : vector<128xf32>
    %reduce_sum3A_42 = vector.multi_reduction <add>, %mul3A_40, %reduce_sum3A_41 [0] : vector<10000x128xf32> to vector<128xf32>
    %broadcast_in_dim3A_43 = vector.shape_cast %reduce_sum3A_42 : vector<128xf32> to vector<1x128xf32>
    %mul3A_44 = arith.constant 9.99999974E-5 : f32
    %mul3A_45 = vector.broadcast %mul3A_44 : f32 to vector<1x128xf32>
    %mul3A_46 = arith.mulf %broadcast_in_dim3A_43, %mul3A_45 : vector<1x128xf32>
    %mul3A_47 = vector.broadcast %get3A_27 : vector<1x128xf32> to vector<10000x128xf32>
    %mul3A_48 = arith.mulf %mul3A_47, %sub3A_39 : vector<10000x128xf32>
    %add3A_49 = arith.constant 9.99999974E-6 : f32
    %add3A_50 = vector.broadcast %add3A_49 : f32 to vector<1x128xf32>
    %add3A_51 = arith.addf %mul3A_46, %add3A_50 : vector<1x128xf32>
    %rsqrt3A_52 = math.rsqrt %add3A_51 : vector<1x128xf32>
    %mul3A_53 = vector.broadcast %rsqrt3A_52 : vector<1x128xf32> to vector<10000x128xf32>
    %mul3A_54 = arith.mulf %mul3A_48, %mul3A_53 : vector<10000x128xf32>
    %add3A_55 = vector.broadcast %get3A_30 : vector<1x128xf32> to vector<10000x128xf32>
    %add3A_56 = arith.addf %mul3A_54, %add3A_55 : vector<10000x128xf32>
    %max3A = arith.constant 0.000000e+00 : f32
    %max3A_57 = vector.broadcast %max3A : f32 to vector<10000x128xf32>
    %max3A_58 = arith.maximumf %add3A_56, %max3A_57 : vector<10000x128xf32>
    %get3A_59 = arith.constant 0 : index
    %get3A_60 = arith.constant 0 : index
    %get3A_61 = vector.load %arg7[%get3A_59, %get3A_60] : memref<128x128xf32, #tpu.memory_space<vmem>>, vector<128x128xf32>
    %dot_general3A = arith.constant dense<0.000000e+00> : vector<10000x128xf32>
    %dot_general3A_62 = tpu.matmul %max3A_58, %get3A_61, %dot_general3A {dimension_numbers = #tpu.dot_dimension_numbers<[1], [0], [0], [1], [0, 0, 1, 1], [], []>, transpose_lhs_hint = false} : vector<10000x128xf32>, vector<128x128xf32>, vector<10000x128xf32> -> vector<10000x128xf32>
    %mul3A_63 = vector.broadcast %slice3A : vector<10000x1xf32> to vector<10000x128xf32>
    %mul3A_64 = arith.mulf %dot_general3A_62, %mul3A_63 : vector<10000x128xf32>
    %swap3A = arith.constant 0 : index
    %swap3A_65 = arith.constant 0 : index
    %swap3A_66 = vector.load %arg8[%swap3A, %swap3A_65] : memref<10240x128xf32, #tpu.memory_space<vmem>>, vector<10000x128xf32>
    tpu.vector_store %arg8[%swap3A, %swap3A_65], %mul3A_64 {strides = array<i32>} : memref<10240x128xf32, #tpu.memory_space<vmem>>, vector<10000x128xf32>,
    %broadcast_in_dim3A_67 = arith.constant 0.000000e+00 : f32
    %broadcast_in_dim3A_68 = vector.broadcast %broadcast_in_dim3A_67 : f32 to vector<240x128xf32>
    %swap3A_69 = arith.constant 10000 : index
    %swap3A_70 = arith.constant 0 : index
    %swap3A_71 = vector.load %arg8[%swap3A_69, %swap3A_70] : memref<10240x128xf32, #tpu.memory_space<vmem>>, vector<240x128xf32>
    tpu.vector_store %arg8[%swap3A_69, %swap3A_70], %broadcast_in_dim3A_68 {strides = array<i32>} : memref<10240x128xf32, #tpu.memory_space<vmem>>, vector<240x128xf32>,
    return
  }
}

module attributes {stable_mosaic.version = 14 : i64} {
  func.func @_tc_final_body(%arg0: memref<20480x128xf32, #tpu.memory_space<vmem>>, %arg1: memref<10240x128xf32, #tpu.memory_space<vmem>>, %arg2: memref<20480x16xf32, #tpu.memory_space<vmem>>, %arg3: memref<1x128xf32, #tpu.memory_space<vmem>>, %arg4: memref<1x128xf32, #tpu.memory_space<vmem>>, %arg5: memref<1x128xf32, #tpu.memory_space<vmem>>, %arg6: memref<1x128xf32, #tpu.memory_space<vmem>>, %arg7: memref<10000x128xf32, #tpu.memory_space<vmem>>) attributes {dimension_semantics = [], scalar_prefetch = 0 : i64, scratch_operands = 0 : i64, tpu.core_type = #tpu.core_type<tc>} {
    %get3A = arith.constant 0 : index
    %get3A_0 = arith.constant 0 : index
    %get3A_1 = vector.load %arg2[%get3A, %get3A_0] : memref<20480x16xf32, #tpu.memory_space<vmem>>, vector<10000x16xf32>
    %get3A_2 = arith.constant 10240 : index
    %get3A_3 = arith.constant 0 : index
    %get3A_4 = vector.load %arg2[%get3A_2, %get3A_3] : memref<20480x16xf32, #tpu.memory_space<vmem>>, vector<10000x16xf32>
    %add3A = arith.addf %get3A_1, %get3A_4 : vector<10000x16xf32>
    %add3A_5 = arith.constant 1.000000e+00 : f32
    %add3A_6 = vector.broadcast %add3A_5 : f32 to vector<10000x16xf32>
    %add3A_7 = arith.addf %add3A, %add3A_6 : vector<10000x16xf32>
    %rsqrt3A = math.rsqrt %add3A_7 : vector<10000x16xf32>
    %slice3A = vector.extract_strided_slice %rsqrt3A {offsets = [0, 0], sizes = [10000, 1], strides = [1, 1]} : vector<10000x16xf32> to vector<10000x1xf32>
    %get3A_8 = arith.constant 0 : index
    %get3A_9 = arith.constant 0 : index
    %get3A_10 = vector.load %arg1[%get3A_8, %get3A_9] : memref<10240x128xf32, #tpu.memory_space<vmem>>, vector<10000x128xf32>
    %get3A_11 = arith.constant 0 : index
    %get3A_12 = arith.constant 0 : index
    %get3A_13 = vector.load %arg0[%get3A_11, %get3A_12] : memref<20480x128xf32, #tpu.memory_space<vmem>>, vector<10000x128xf32>
    %get3A_14 = arith.constant 10240 : index
    %get3A_15 = arith.constant 0 : index
    %get3A_16 = vector.load %arg0[%get3A_14, %get3A_15] : memref<20480x128xf32, #tpu.memory_space<vmem>>, vector<10000x128xf32>
    %add3A_17 = arith.addf %get3A_13, %get3A_16 : vector<10000x128xf32>
    %add3A_18 = arith.addf %add3A_17, %get3A_10 : vector<10000x128xf32>
    %mul3A = vector.broadcast %slice3A : vector<10000x1xf32> to vector<10000x128xf32>
    %mul3A_19 = arith.mulf %add3A_18, %mul3A : vector<10000x128xf32>
    %get3A_20 = arith.constant 0 : index
    %get3A_21 = arith.constant 0 : index
    %get3A_22 = vector.load %arg6[%get3A_20, %get3A_21] : memref<1x128xf32, #tpu.memory_space<vmem>>, vector<1x128xf32>
    %add3A_23 = vector.broadcast %get3A_22 : vector<1x128xf32> to vector<10000x128xf32>
    %add3A_24 = arith.addf %mul3A_19, %add3A_23 : vector<10000x128xf32>
    %get3A_25 = arith.constant 0 : index
    %get3A_26 = arith.constant 0 : index
    %get3A_27 = vector.load %arg3[%get3A_25, %get3A_26] : memref<1x128xf32, #tpu.memory_space<vmem>>, vector<1x128xf32>
    %get3A_28 = arith.constant 0 : index
    %get3A_29 = arith.constant 0 : index
    %get3A_30 = vector.load %arg4[%get3A_28, %get3A_29] : memref<1x128xf32, #tpu.memory_space<vmem>>, vector<1x128xf32>
    %get3A_31 = arith.constant 0 : index
    %get3A_32 = arith.constant 0 : index
    %get3A_33 = vector.load %arg5[%get3A_31, %get3A_32] : memref<1x128xf32, #tpu.memory_space<vmem>>, vector<1x128xf32>
    %reduce_sum3A = arith.constant dense<0.000000e+00> : vector<128xf32>
    %reduce_sum3A_34 = vector.multi_reduction <add>, %add3A_24, %reduce_sum3A [0] : vector<10000x128xf32> to vector<128xf32>
    %broadcast_in_dim3A = vector.shape_cast %reduce_sum3A_34 : vector<128xf32> to vector<1x128xf32>
    %mul3A_35 = arith.constant 9.99999974E-5 : f32
    %mul3A_36 = vector.broadcast %mul3A_35 : f32 to vector<1x128xf32>
    %mul3A_37 = arith.mulf %broadcast_in_dim3A, %mul3A_36 : vector<1x128xf32>
    %mul3A_38 = arith.mulf %mul3A_37, %get3A_33 : vector<1x128xf32>
    %sub3A = vector.broadcast %mul3A_38 : vector<1x128xf32> to vector<10000x128xf32>
    %sub3A_39 = arith.subf %add3A_24, %sub3A : vector<10000x128xf32>
    %mul3A_40 = arith.mulf %sub3A_39, %sub3A_39 : vector<10000x128xf32>
    %reduce_sum3A_41 = arith.constant dense<0.000000e+00> : vector<128xf32>
    %reduce_sum3A_42 = vector.multi_reduction <add>, %mul3A_40, %reduce_sum3A_41 [0] : vector<10000x128xf32> to vector<128xf32>
    %broadcast_in_dim3A_43 = vector.shape_cast %reduce_sum3A_42 : vector<128xf32> to vector<1x128xf32>
    %mul3A_44 = arith.constant 9.99999974E-5 : f32
    %mul3A_45 = vector.broadcast %mul3A_44 : f32 to vector<1x128xf32>
    %mul3A_46 = arith.mulf %broadcast_in_dim3A_43, %mul3A_45 : vector<1x128xf32>
    %mul3A_47 = vector.broadcast %get3A_27 : vector<1x128xf32> to vector<10000x128xf32>
    %mul3A_48 = arith.mulf %mul3A_47, %sub3A_39 : vector<10000x128xf32>
    %add3A_49 = arith.constant 9.99999974E-6 : f32
    %add3A_50 = vector.broadcast %add3A_49 : f32 to vector<1x128xf32>
    %add3A_51 = arith.addf %mul3A_46, %add3A_50 : vector<1x128xf32>
    %rsqrt3A_52 = math.rsqrt %add3A_51 : vector<1x128xf32>
    %mul3A_53 = vector.broadcast %rsqrt3A_52 : vector<1x128xf32> to vector<10000x128xf32>
    %mul3A_54 = arith.mulf %mul3A_48, %mul3A_53 : vector<10000x128xf32>
    %add3A_55 = vector.broadcast %get3A_30 : vector<1x128xf32> to vector<10000x128xf32>
    %add3A_56 = arith.addf %mul3A_54, %add3A_55 : vector<10000x128xf32>
    %max3A = arith.constant 0.000000e+00 : f32
    %max3A_57 = vector.broadcast %max3A : f32 to vector<10000x128xf32>
    %max3A_58 = arith.maximumf %add3A_56, %max3A_57 : vector<10000x128xf32>
    %swap3A = arith.constant 0 : index
    %swap3A_59 = arith.constant 0 : index
    %swap3A_60 = vector.load %arg7[%swap3A, %swap3A_59] : memref<10000x128xf32, #tpu.memory_space<vmem>>, vector<10000x128xf32>
    tpu.vector_store %arg7[%swap3A, %swap3A_59], %max3A_58 {strides = array<i32>} : memref<10000x128xf32, #tpu.memory_space<vmem>>, vector<10000x128xf32>,
    return
  }
}

</mosaic_0001>

<sc_bundles>
// kernel: kernel.11.cloned.1.call-start
scs
__scs_entry_jumppad:
0x0: {  	(pc) =	sbr.rel $0x88, $3  }
0x1: {  	(tag) =	ssettag $0x0;
	lr =	simm.s32 $0x1  }
0x2: {  	[smem:$0x3F95] =	sst lr;
	_ =	strace $0xD0000000  }
0x3: {  	_ = 	snop  }
0x4: {  	_ = 	snop  }
0x5: {  	_ = 	snop  }
0x6: {  	_ = 	snop  }
0x7: {  	_ = 	snop  }
__scs_overlays_trampoline_lowered:
0x8: {  	[smem:$0x3FA4] =	sst s0  }
0x9: {  	[smem:$0x3FA5] =	sst s1  }
0xa: {  	[smem:$0x3FA6] =	sst s2  }
0xb: {  	[smem:$0x3FA7] =	sst s3  }
0xc: {  	[smem:$0x3FA8] =	sst s4  }
0xd: {  	[smem:$0x3FA9] =	sst s5  }
0xe: {  	[smem:$0x3FAA] =	sst s6  }
0xf: {  	[smem:$0x3FAB] =	sst s7  }
0x10: {  	[smem:$0x3FAC] =	sst s8  }
0x11: {  	[smem:$0x3FAD] =	sst s9;
	s0 =	simm.s32 @!p0 $0x0  }
0x12: {  	s1 =	sld [smem:$0x3F93];
	s0 =	simm.s32 @p0 $0x1  }
0x13: {  	[smem:$0x3FAE] =	sst s0;
	s0 =	simm.s32 @!p1 $0x0  }
0x14: {  	s2 =	sld [smem:$0x3F92];
	s0 =	simm.s32 @p1 $0x1  }
0x15: {  	[smem:$0x3FAF] =	sst s0;
	s0 =	simm.s32 @!p2 $0x0  }
0x16: {  	s3 =	sld [smem:$0x3FDB];
	s0 =	simm.s32 @p2 $0x1  }
0x17: {  	s4 =	simm.s32 $0x1BF5;
	[smem:$0x3FB1] =	sst s0  }
0x18: {  	s0 =	sld [smem:$0x3F94];
	_ =	swait.ge [sflag:s4], $0x0  }
0x19: {  	s7 =	sld [smem:$0x3F95]  }
0x1a: {  	s8 =	sadd.s32 $0xFFFFE003, lr  }
0x1b: {  	s9 =	sadd.s32 $0xFFFFFEF7, lr;
	s5 =	simm.s32 $0xFFFFFFFF;
	p2 =	slt.u32 s8, $0xFFFFF086  }
0x1c: {  	p1 =	slt.u32 s9, $0xF7A;
	s5 =	simm.s32 @!p2 $0x0  }
0x1d: {  	s5 =	simm.s32 @p1 $0x1;
	p0 =	seq.s32 s7, s2  }
0x1e: {  	s7 =	smul.u32 @!p0 $0xF7A, s2;
	p2 =	seq.s32 @!p0 s5, $0x0  }
0x1f: {  	s9 =	smul.u32 $0xF7A, s1;
	s8 =	simm.s32 @!p0 $0x1BF5;
	p2 =	por !p2, p0  }
0x20: {  	[sflag:s8] =	ssyncset.s32 @!p0 $0xFFFFF086;
	s6 =	sadd.s32 @!p0 s3, s7;
	s7 =	simm.s32 @!p0 $0x108  }
0x21: {  	s3 =	sadd.s32 s3, s9;
	s6 =	sadd.s32 @!p0 $0x88, s6;
	s7 =	simm.s32 @p2 $0x1082  }
0x22: {  	[simem:s7], [sflag:s8] =	dma.local @!p0 [hbm:s6], $0xF7A  }
0x23: {  	s9 =	sor.u32 $0xD0000000, s2;
	s6 =	simm.s32 $0x108;
	_ =	swait.ge @!p0 [sflag:s8], $0x0  }
0x24: {  	s3 =	sadd.s32 $0x88, s3;
	s6 =	simm.s32 @!p1 $0x1082;
	[sflag:s4] =	ssyncset.s32 $0xFFFFF086  }
0x25: {  	[simem:s6], [sflag:s4] =	dma.local [hbm:s3], $0xF7A  }
0x26: {  	[smem:$0x3F95] =	sst s1;
	(tag) =	ssettag s2;
	_ =	strace s9  }
0x27: {  	s1 =	sld [smem:$0x3FA5]  }
0x28: {  	s2 =	sld [smem:$0x3FA6]  }
0x29: {  	s4 =	sld [smem:$0x3FA8]  }
0x2a: {  	p0 =	seq.s32 s5, $0x0;
	s5 =	sld [smem:$0x3FA9]  }
0x2b: {  	s6 =	sld [smem:$0x3FAA]  }
0x2c: {  	s7 =	sld [smem:$0x3FAB]  }
0x2d: {  	s3 =	simm.s32 $0x108;
	s8 =	sld [smem:$0x3FAC]  }
0x2e: {  	s3 =	simm.s32 @!p0 $0x1082;
	s9 =	sld [smem:$0x3FAD]  }
0x2f: {  	lr =	sadd.s32 s0, s3;
	s0 =	sld [smem:$0x3FA4]  }
0x30: {  	s3 =	sld [smem:$0x3FA7]  }
0x31: {  	[smem:$0x3FB0] =	sst s10  }
0x32: {  	s10 =	sld [smem:$0x3FAE];
	_ =	sdelay $0x3  }
0x33: {  	p0 =	seq.s32 s10, $0x1;
	s10 =	sld [smem:$0x3FB0];
	_ =	sdelay $0x3  }
0x34: {  	[smem:$0x3FB0] =	sst s10  }
0x35: {  	s10 =	sld [smem:$0x3FAF];
	_ =	sdelay $0x3  }
0x36: {  	p1 =	seq.s32 s10, $0x1;
	s10 =	sld [smem:$0x3FB0];
	_ =	sdelay $0x3  }
0x37: {  	[smem:$0x3FB0] =	sst s10  }
0x38: {  	s10 =	sld [smem:$0x3FB1]  }
0x39: {  	_ = 	snop;
	(pc) =	sbr.ind lr, $3  }
0x3a: {  	_ = 	snop  }
0x3b: {  	_ = 	snop  }
0x3c: {  	p2 =	seq.s32 s10, $0x1;
	s10 =	sld [smem:$0x3FB0]  }
0x3d: {  	_ =	shalt  }
0x3e: {  	_ =	shalt  }
0x3f: {  	_ =	shalt  }
0x40: {  	_ =	shalt  }
0x41: {  	_ =	shalt  }
0x42: {  	_ =	shalt  }
0x43: {  	_ =	shalt  }
0x44: {  	_ =	shalt  }
0x45: {  	_ =	shalt  }
0x46: {  	_ =	shalt  }
0x47: {  	_ =	shalt  }
0x48: {  	_ =	shalt  }
0x49: {  	_ =	shalt  }
0x4a: {  	_ =	shalt  }
0x4b: {  	_ =	shalt  }
0x4c: {  	_ =	shalt  }
0x4d: {  	_ =	shalt  }
0x4e: {  	_ =	shalt  }
0x4f: {  	_ =	shalt  }
0x50: {  	_ =	shalt  }
0x51: {  	_ =	shalt  }
0x52: {  	_ =	shalt  }
0x53: {  	_ =	shalt  }
0x54: {  	_ =	shalt  }
0x55: {  	_ =	shalt  }
0x56: {  	_ =	shalt  }
0x57: {  	_ =	shalt  }
0x58: {  	_ =	shalt  }
0x59: {  	_ =	shalt  }
0x5a: {  	_ =	shalt  }
0x5b: {  	_ =	shalt  }
0x5c: {  	_ =	shalt  }
0x5d: {  	_ =	shalt  }
0x5e: {  	_ =	shalt  }
0x5f: {  	_ =	shalt  }
0x60: {  	_ =	shalt  }
0x61: {  	_ =	shalt  }
0x62: {  	_ =	shalt  }
0x63: {  	_ =	shalt  }
0x64: {  	_ =	shalt  }
0x65: {  	_ =	shalt  }
0x66: {  	_ =	shalt  }
0x67: {  	_ =	shalt  }
0x68: {  	_ =	shalt  }
0x69: {  	_ =	shalt  }
0x6a: {  	_ =	shalt  }
0x6b: {  	_ =	shalt  }
0x6c: {  	_ =	shalt  }
0x6d: {  	_ =	shalt  }
0x6e: {  	_ =	shalt  }
0x6f: {  	_ =	shalt  }
0x70: {  	_ =	shalt  }
0x71: {  	_ =	shalt  }
0x72: {  	_ =	shalt  }
0x73: {  	_ =	shalt  }
0x74: {  	_ =	shalt  }
0x75: {  	_ =	shalt  }
0x76: {  	_ =	shalt  }
0x77: {  	_ =	shalt  }
0x78: {  	_ =	shalt  }
0x79: {  	_ =	shalt  }
0x7a: {  	_ =	shalt  }
0x7b: {  	_ =	shalt  }
0x7c: {  	_ =	shalt  }
0x7d: {  	_ =	shalt  }
0x7e: {  	_ =	shalt  }
0x7f: {  	_ =	shalt  }
0x80: {  	_ =	shalt  }
0x81: {  	_ =	shalt  }
0x82: {  	_ =	shalt  }
0x83: {  	_ =	shalt  }
0x84: {  	_ =	shalt  }
0x85: {  	_ =	shalt  }
0x86: {  	_ =	shalt  }
0x87: {  	_ =	shalt  }
.Lfunc_end0:
.L_simem_size_0:
called_computation.1_lowered:
.L_overlay_start_0:
0x88: {  	s2 =	sld [smem:$0x3FD9]  }
0x89: {  	s3 =	sld [smem:$0x3FFE];
	_ =	sdelay $0x1  }
0x8a: {  	s1 =	srdreg.scid  }
0x8b: {  	s0 =	sand.u32 $0x1, s1  }
0x8c: {  	s17 =	sshll.u32 s0, $0xA;
	s2 =	sadd.s32 s3, s2  }
0x8d: {  	s2 =	sadd.s32 s2, s17  }
0x8e: {  	[smem:$0x3FBC] =	sst s2  }
0x8f: {  	_ = 	snop  }
0x90: {  	s2 =	sld [smem:$0x3FD0];
	(tm) =	ssettm $0x1  }
0x91: {  	s18 =	sld [smem:$0x3FFB];
	_ =	sdelay $0x3  }
0x92: {  	_ =	strace s18  }
0x93: {  	s3 =	sld [smem:$0x3FFC];
	_ =	sdelay $0x3  }
0x94: {  	_ =	strace s3  }
0x95: {  	s3 =	sld [smem:$0x3FFD];
	_ =	sdelay $0x3  }
0x96: {  	_ =	strace s3  }
0x97: {  	_ =	strace $0x8FFFFFFF  }
0x98: {  	s19 =	sld [smem:$0x3FDB];
	_ =	sdelay $0x1  }
0x99: {  	s4 =	simm.s32 $_scs_section_size  }
0x9a: {  	s5 =	simm.s32 $_size__tile_overlayer_lowered;
	s6 =	simm.s32 $_tile_overlayer_lowered  }
0x9b: {  	s22 =	simm.s32 $0x1BFF;
	s21 =	sshll.u32 s6, $0x1;
	s3 =	sadd.s32 s4, s19  }
0x9c: {  	s7 =	simm.s32 $0x0;
	s20 =	sshll.u32 s5, $0x1;
	s5 =	sadd.s32 s21, s3  }
0x9d: {  	[timem:s7], [sflag:s22] =	dma.local [hbm:s5], s20  }
0x9e: {  	_ =	swait.ge [sflag:s22], s20  }
0x9f: {  	s4 =	ssub.s32 $0x0, s20;
	[sflag:s22] =	ssyncset.done $0x0  }
0xa0: {  	[sflag:s22] =	ssyncadd.s32 s4;
	_ =	sdelay $0x1  }
0xa1: {  	s23 =	simm.s32 $0x1B8B  }
0xa2: {  	_ =	swait.ge [sflag:s23], $0x1  }
0xa3: {  	[sflag:s23] =	ssyncset.done $0x0  }
0xa4: {  	s25 =	simm.s32 $0x1B8E;
	s24 =	sld [smem:$0x3FFE];
	[sflag:s23] =	ssyncadd.s32 $0xFFFFFFFF  }
0xa5: {  	s26 =	simm.s32 $execute0_lowered;
	[smem:$0x3FD2] =	sst s25  }
0xa6: {  	s5 =	sshll.u32 s26, $0x1;
	_ =	strace $0x80000049;
	[dreg:$0x1] =	wrdreg $0xFFFFFFFF  }
0xa7: {  	s28 =	simm.s32 $_size_execute0_lowered;
	s3 =	sadd.s32 s3, s5;
	[dreg:$0x0] =	wrdreg $0x0  }
0xa8: {  	s5 =	sshll.u32 s28, $0x1;
	[dreg:$0x2] =	wrdreg s3  }
0xa9: {  	[dreg:$0x3] =	wrdreg s5  }
0xaa: {  	[dreg:$0x4] =	wrdreg $0xC0  }
0xab: {  	_ =	task [dreg:s7], $0x5FFFF  }
0xac: {  	[dreg:$0x1] =	wrdreg $0xFFFFFFFF  }
0xad: {  	[dreg:$0x0] =	wrdreg $0x60  }
0xae: {  	[dreg:$0x2] =	wrdreg s24  }
0xaf: {  	[dreg:$0x3] =	wrdreg s2  }
0xb0: {  	[dreg:$0x4] =	wrdreg $0x28000  }
0xb1: {  	[dreg:$0x5] =	wrdreg $0x9  }
0xb2: {  	_ =	task.clear_ibuf [dreg:s7], $0x6FFFF;
	_ =	strace $0x90000049  }
0xb3: {  	s29 =	simm.s32 $0x9;
	_ =	strace $0x8000004B  }
0xb4: {  	_ =	swait.ge [sflag:s29], $0x1  }
0xb5: {  	[sflag:s29] =	ssyncadd.s32 $0xFFFFFFFF  }
0xb6: {  	_ =	strace $0x9000004B  }
0xb7: {  	_ =	sfence  }
0xb8: {  	s30 =	sld [smem:$0x0];
	_ =	sdelay $0x2  }
0xb9: {  	s31 =	sshll.u32 s1, $0xD;
	s1 =	sshrl.u32 s1, $0x2  }
0xba: {  	s3 =	sand.u32 $0x4000, s31;
	s1 =	sadd.s32 s1, s30  }
0xbb: {  	s0 =	sor.u32 s3, s0;
	s1 =	sshll.u32 s1, $0x11  }
0xbc: {  	s0 =	sor.u32 s1, s0  }
0xbd: {  	s0 =	sadd.s32 $0x8F2B, s0  }
0xbe: {  	[sflag:s0] =	ssyncadd.remote.s32 $0x1  }
0xbf: {  	_ =	sfence.sel $0xFFFF  }
0xc0: {  	[dreg:$0x0] =	wrdreg $0xFFFFFFFF;
	(pc) =	sbr.abs _section_cstart, $3  }
0xc1: {  	[dreg:$0x1] =	wrdreg $0xFFFFFFFF  }
0xc2: {  	_ =	task.clear_ibuf [dreg:s7], $0x2FFFF;
	_ =	strace $0x9FFFFFFF  }
0xc3: {  	(tm) =	ssettm $0x7FFFFFFF  }
tec
execute0_lowered:
.L_overlay_start_1:
0x0: {  	(tag) =	ssettag $0x1  }
0x1: {  	s0 =	rddreg [dreg:$0x0]  }
0x2: {  	s2 =	rddreg [dreg:$0x1]  }
0x3: {  	s1 =	rddreg [dreg:$0x2]  }
0x4: {  	s4 =	srdreg.scid;
	s3 =	simm.s32 $0x0;
	s12 =	stileid.u32  }
0x5: {  	s28 =	simm.s32 $0x180;
	s29 =	simm.s32 $0x3;
	s30 =	simm.s32 $0x4  }
0x6: {  	s31 =	simm.s32 $0x0;
	s5 =	sand.u32 $0x1, s4;
	[smem:$0x7FF] =	sst s3  }
0x7: {  	s8 =	smul.u32 $0x50000, s12;
	s4 =	sadd.s32 $0x5E400, s0;
	s9 =	sadd.s32 $0x86400, s0  }
0x8: {  	s11 =	smul.u32 $0x280, s12;
	s22 =	sshll.u32 s12, $0x6;
	s6 =	ssub.s32 $0x2, s5  }
0x9: {  	_ =	strace $0x8000004A;
	s18 =	sshll.u32 s5, $0x4;
	s5 =	smul.u32 $0x2800, s5  }
0xa: {  	s7 =	sshrl.u32 s6, $0x1;
	s19 =	sshrl.u32 s8, $0x2;
	s20 =	sor.u32 s12, s18  }
0xb: {  	s13 =	sadd.s32 $0x80, s11;
	s16 =	sadd.s32 $0x100, s11;
	s17 =	sadd.s32 $0x180, s11  }
0xc: {  	s18 =	sadd.s32 $0x200, s11;
	s10 =	ssub.s32 s6, s7;
	s21 =	sadd.s32 s19, s1  }
0xd: {  	s6 =	sadd.s32 $0x85C00, s0;
	s7 =	sor.u32 $0x1C05, s22;
	s26 =	smul.u32 $0xA00, s20  }
0xe: {  	s23 =	sshll.u32 s13, $0x7;
	s24 =	sshll.u32 s16, $0x7;
	s8 =	smul.u32 $0x5000, s20  }
0xf: {  	s15 =	sshll.u32 s17, $0x7;
	[dreg:$0x4] =	wrdreg s21;
	s0 =	sadd.s32 s23, s1  }
0x10: {  	s14 =	sshll.u32 s18, $0x7;
	s25 =	sadd.s32 s24, s1;
	[dreg:$0x5] =	wrdreg s0  }
0x11: {  	s22 =	sadd.s32 s5, s13;
	s12 =	sadd.s32 s15, s1;
	[dreg:$0x6] =	wrdreg s25  }
0x12: {  	s19 =	sadd.s32 s14, s1;
	s21 =	sadd.s32 s11, s5;
	[dreg:$0x7] =	wrdreg s12  }
0x13: {  	s24 =	sshll.u32 s22, $0x4;
	s22 =	simm.s32 $0x16800;
	[dreg:$0x8] =	wrdreg s19  }
0x14: {  	s0 =	sadd.s32 s2, s26;
	s20 =	sshrl.u32 s8, $0x3;
	s23 =	sshll.u32 s21, $0x4  }
0x15: {  	s15 =	sadd.s32 s9, s24;
	s25 =	sadd.s32 s5, s16;
	s26 =	sadd.s32 s5, s17  }
0x16: {  	s5 =	sadd.s32 s5, s18;
	s19 =	smax.u32 s10, $0x1;
	s21 =	simm.s32 $0x80  }
0x17: {  	s24 =	simm.s32 $0x1A800;
	[dreg:$0x9] =	wrdreg s0;
	s0 =	sadd.s32 s2, s20  }
0x18: {  	s14 =	sadd.s32 s9, s23;
	s2 =	sshll.u32 s26, $0x4;
	s5 =	sshll.u32 s5, $0x4  }
0x19: {  	s20 =	simm.s32 $0x5;
	s23 =	simm.s32 $0x100;
	s26 =	simm.s32 $0x2  }
0x1a: {  	s13 =	sadd.s32 $0x500, s0;
	s0 =	sshll.u32 s25, $0x4;
	s17 =	sadd.s32 s9, s2  }
0x1b: {  	s18 =	sadd.s32 s9, s5;
	s25 =	simm.s32 $0x1;
	s16 =	sadd.s32 s9, s0  }
.LBB2_1:
0x1c: {  	s0 =	rddreg [dreg:$0x4]  }
0x1d: {  	s0 =	sshrl.u32 s0, $0x3  }
0x1e: {  	[spmem:s0], [sflag:s7] =	dma.local [hbm:s6], $0x800  }
0x1f: {  	_ =	swait.ge [sflag:s20], $0x800  }
0x20: {  	[sflag:s20] =	ssyncset.done $0x0;
	s2 =	rddreg [dreg:$0x5]  }
0x21: {  	[sflag:s20] =	ssyncadd.s32 $0xFFFFF800;
	s2 =	sshrl.u32 s2, $0x3  }
0x22: {  	[spmem:s2], [sflag:s7] =	dma.local [hbm:s6], $0x800  }
0x23: {  	_ =	swait.ge [sflag:s20], $0x800  }
0x24: {  	[sflag:s20] =	ssyncset.done $0x0;
	s5 =	rddreg [dreg:$0x6]  }
0x25: {  	[sflag:s20] =	ssyncadd.s32 $0xFFFFF800;
	s5 =	sshrl.u32 s5, $0x3  }
0x26: {  	[spmem:s5], [sflag:s7] =	dma.local [hbm:s6], $0x800  }
0x27: {  	_ =	swait.ge [sflag:s20], $0x800  }
0x28: {  	[sflag:s20] =	ssyncset.done $0x0;
	s8 =	rddreg [dreg:$0x7]  }
0x29: {  	[sflag:s20] =	ssyncadd.s32 $0xFFFFF800;
	s8 =	sshrl.u32 s8, $0x3  }
0x2a: {  	[spmem:s8], [sflag:s7] =	dma.local [hbm:s6], $0x800  }
0x2b: {  	_ =	swait.ge [sflag:s20], $0x800  }
0x2c: {  	[sflag:s20] =	ssyncset.done $0x0;
	s9 =	rddreg [dreg:$0x8]  }
0x2d: {  	[sflag:s20] =	ssyncadd.s32 $0xFFFFF800;
	s9 =	sshrl.u32 s9, $0x3  }
0x2e: {  	[spmem:s9], [sflag:s7] =	dma.local [hbm:s6], $0x800  }
0x2f: {  	_ =	swait.ge [sflag:s20], $0x800  }
0x30: {  	[sflag:s20] =	ssyncset.done $0x0  }
0x31: {  	s10 =	rddreg [dreg:$0x9];
	[sflag:s20] =	ssyncadd.s32 $0xFFFFF800  }
0x32: {  	[tilespmem:s3], [sflag:$0x5] =	stream.linear.gather [hbm4b:s10+s3], $0x2800, $0x38;
	[tilespmem:$0x1E800] =	vst v63  }
0x33: {  	_ =	swait.ge [sflag:s20], $0x2800  }
0x34: {  	[sflag:s20] =	ssyncset.done $0x0  }
0x35: {  	[sflag:s20] =	ssyncadd.s32 $0xFFFFD800  }
0x36: {  	[bflag:$0x0] =	sbarrier.arrive $0xFFFF  }
0x37: {  	[tilespmem:s22], [sflag:$0x1] =	stream.indirect.gather [hbm4b:s4+s21], $0x80, s3, s21, $0xb8;
	[tilespmem:$0x1E800] =	vst v63  }
0x38: {  	_ = 	snop  }
0x39: {  	[tilespmem:s24], [sflag:$0x2] =	stream.indirect.gather [hbm4b:s4+s21], $0x80, s23, s21, $0xb8;
	[tilespmem:$0x1E800] =	vst v63  }
0x3a: {  	_ =	swait.ge [sflag:s25], $0x4000  }
0x3b: {  	[sflag:s25] =	ssyncset.done $0x0  }
0x3c: {  	[sflag:s25] =	ssyncadd.s32 $0xFFFFC000  }
0x3d: {  	_ =	swait.ge [sflag:s26], $0x4000  }
0x3e: {  	[sflag:s26] =	ssyncset.done $0x0  }
0x3f: {  	[sflag:s26] =	ssyncadd.s32 $0xFFFFC000  }
0x40: {  	[spmem:s1] =	stream.indirect.scatter.add.f32 [tilespmem:s22], [sflag:$0x3], $0x80, s21, s21, $0xb8;
	[tilespmem:$0x1E800] =	vst v63  }
0x41: {  	_ = 	snop  }
0x42: {  	[spmem:s1] =	stream.indirect.scatter.add.f32 [tilespmem:s24], [sflag:$0x4], $0x80, s28, s21, $0xb8;
	[tilespmem:$0x1E800] =	vst v63  }
0x43: {  	_ =	swait.ge [sflag:s29], $0x4000  }
0x44: {  	[sflag:s29] =	ssyncset.done $0x0  }
0x45: {  	s12 =	simm.s32 $0x280;
	[sflag:s29] =	ssyncadd.s32 $0xFFFFC000  }
0x46: {  	[spmem:s1] =	stream.indirect.scatter.add.f32 [tilespmem:s22], [sflag:$0x3], $0x80, s12, s21, $0xb8;
	[tilespmem:$0x1E800] =	vst v63  }
0x47: {  	_ =	swait.ge [sflag:s30], $0x4000  }
0x48: {  	[sflag:s30] =	ssyncset.done $0x0  }
0x49: {  	s11 =	simm.s32 $0x380;
	s10 =	simm.s32 $0xFFFF7000;
	[sflag:s30] =	ssyncadd.s32 $0xFFFFC000  }
.LBB2_2:
0x4a: {  	[spmem:s1] =	stream.indirect.scatter.add.f32 [tilespmem:s24], [sflag:$0x4], $0x80, s11, s21, $0xb8;
	[tilespmem:$0x1E800] =	vst v63  }
0x4b: {  	s11 =	smov.u32 s10  }
0x4c: {  	p0 =	sne.s32 s10, $0xFFFFF800;
	s10 =	sadd.s32 $0x800, s10;
	_ =	swait.ge [sflag:s29], $0x4000  }
0x4d: {  	s11 =	sshra.s32 s11, $0x2;
	[sflag:s29] =	ssyncset.done $0x0  }
.Ltmp0:
0x4e: {  	s12 =	sadd.s32 $0x2880, s11;
	[sflag:s29] =	ssyncadd.s32 $0xFFFFC000;
	(pc) =	sbr.rel @p0 .LBB2_2-.Ltmp0, $4  }
0x4f: {  	[spmem:s1] =	stream.indirect.scatter.add.f32 [tilespmem:s22], [sflag:$0x3], $0x80, s12, s21, $0xb8;
	[tilespmem:$0x1E800] =	vst v63  }
0x50: {  	_ =	swait.ge [sflag:s30], $0x4000  }
0x51: {  	[sflag:s30] =	ssyncset.done $0x0  }
0x52: {  	s11 =	sadd.s32 $0x2980, s11;
	[sflag:s30] =	ssyncadd.s32 $0xFFFFC000  }
0x53: {  	[spmem:s1] =	stream.indirect.scatter.add.f32 [tilespmem:s24], [sflag:$0x4], $0x80, s11, s21, $0xb8;
	[tilespmem:$0x1E800] =	vst v63  }
0x54: {  	_ =	swait.ge [sflag:s29], $0x4000  }
0x55: {  	[sflag:s29] =	ssyncset.done $0x0  }
0x56: {  	[sflag:s29] =	ssyncadd.s32 $0xFFFFC000  }
0x57: {  	_ =	swait.ge [sflag:s30], $0x4000  }
0x58: {  	[sflag:s30] =	ssyncset.done $0x0  }
0x59: {  	[sflag:s30] =	ssyncadd.s32 $0xFFFFC000  }
0x5a: {  	[tilespmem:s3], [sflag:$0x5] =	stream.linear.gather [hbm4b:s13+s3], $0x2800, $0x38;
	[tilespmem:$0x1E800] =	vst v63  }
0x5b: {  	_ =	swait.ge [sflag:s20], $0x2800  }
0x5c: {  	[sflag:s20] =	ssyncset.done $0x0  }
0x5d: {  	[sflag:s20] =	ssyncadd.s32 $0xFFFFD800  }
0x5e: {  	[tilespmem:s22], [sflag:$0x1] =	stream.indirect.gather [hbm4b:s4+s21], $0x80, s3, s21, $0xb8;
	[tilespmem:$0x1E800] =	vst v63  }
0x5f: {  	_ = 	snop  }
0x60: {  	[tilespmem:s24], [sflag:$0x2] =	stream.indirect.gather [hbm4b:s4+s21], $0x80, s23, s21, $0xb8;
	[tilespmem:$0x1E800] =	vst v63  }
0x61: {  	_ =	swait.ge [sflag:s25], $0x4000  }
0x62: {  	[sflag:s25] =	ssyncset.done $0x0  }
0x63: {  	[sflag:s25] =	ssyncadd.s32 $0xFFFFC000  }
0x64: {  	_ =	swait.ge [sflag:s26], $0x4000  }
0x65: {  	[sflag:s26] =	ssyncset.done $0x0  }
0x66: {  	[sflag:s26] =	ssyncadd.s32 $0xFFFFC000  }
0x67: {  	[spmem:s1] =	stream.indirect.scatter.add.f32 [tilespmem:s22], [sflag:$0x3], $0x80, s21, s21, $0xb8;
	[tilespmem:$0x1E800] =	vst v63  }
0x68: {  	_ = 	snop  }
0x69: {  	[spmem:s1] =	stream.indirect.scatter.add.f32 [tilespmem:s24], [sflag:$0x4], $0x80, s28, s21, $0xb8;
	[tilespmem:$0x1E800] =	vst v63  }
0x6a: {  	_ =	swait.ge [sflag:s29], $0x4000  }
0x6b: {  	[sflag:s29] =	ssyncset.done $0x0  }
0x6c: {  	s10 =	simm.s32 $0x280;
	[sflag:s29] =	ssyncadd.s32 $0xFFFFC000  }
0x6d: {  	[spmem:s1] =	stream.indirect.scatter.add.f32 [tilespmem:s22], [sflag:$0x3], $0x80, s10, s21, $0xb8;
	[tilespmem:$0x1E800] =	vst v63  }
0x6e: {  	_ =	swait.ge [sflag:s30], $0x4000  }
0x6f: {  	[sflag:s30] =	ssyncset.done $0x0  }
0x70: {  	s11 =	simm.s32 $0x380;
	s10 =	simm.s32 $0xFFFF7000;
	[sflag:s30] =	ssyncadd.s32 $0xFFFFC000  }
.LBB2_4:
0x71: {  	[spmem:s1] =	stream.indirect.scatter.add.f32 [tilespmem:s24], [sflag:$0x4], $0x80, s11, s21, $0xb8;
	[tilespmem:$0x1E800] =	vst v63  }
0x72: {  	s11 =	smov.u32 s10  }
0x73: {  	p0 =	sne.s32 s10, $0xFFFFF800;
	s10 =	sadd.s32 $0x800, s10;
	_ =	swait.ge [sflag:s29], $0x4000  }
0x74: {  	s11 =	sshra.s32 s11, $0x2;
	[sflag:s29] =	ssyncset.done $0x0  }
.Ltmp1:
0x75: {  	s12 =	sadd.s32 $0x2880, s11;
	[sflag:s29] =	ssyncadd.s32 $0xFFFFC000;
	(pc) =	sbr.rel @p0 .LBB2_4-.Ltmp1, $4  }
0x76: {  	[spmem:s1] =	stream.indirect.scatter.add.f32 [tilespmem:s22], [sflag:$0x3], $0x80, s12, s21, $0xb8;
	[tilespmem:$0x1E800] =	vst v63  }
0x77: {  	_ =	swait.ge [sflag:s30], $0x4000  }
0x78: {  	[sflag:s30] =	ssyncset.done $0x0  }
0x79: {  	s11 =	sadd.s32 $0x2980, s11;
	[sflag:s30] =	ssyncadd.s32 $0xFFFFC000  }
0x7a: {  	[spmem:s1] =	stream.indirect.scatter.add.f32 [tilespmem:s24], [sflag:$0x4], $0x80, s11, s21, $0xb8;
	[tilespmem:$0x1E800] =	vst v63  }
0x7b: {  	_ =	swait.ge [sflag:s29], $0x4000  }
0x7c: {  	[sflag:s29] =	ssyncset.done $0x0  }
0x7d: {  	[sflag:s29] =	ssyncadd.s32 $0xFFFFC000  }
0x7e: {  	_ =	swait.ge [sflag:s30], $0x4000  }
0x7f: {  	[sflag:s30] =	ssyncset.done $0x0  }
0x80: {  	[sflag:s30] =	ssyncadd.s32 $0xFFFFC000  }
0x81: {  	[bflag:$0x0] =	sbarrier.arrive $0xFFFF  }
0x82: {  	[hbm:s14], [sflag:s7] =	dma.local [spmem:s0], $0x800  }
0x83: {  	_ =	swait.ge [sflag:s20], $0x800  }
0x84: {  	[sflag:s20] =	ssyncset.done $0x0  }
0x85: {  	[sflag:s20] =	ssyncadd.s32 $0xFFFFF800  }
0x86: {  	[hbm:s15], [sflag:s7] =	dma.local [spmem:s2], $0x800  }
0x87: {  	_ =	swait.ge [sflag:s20], $0x800  }
0x88: {  	[sflag:s20] =	ssyncset.done $0x0  }
0x89: {  	[sflag:s20] =	ssyncadd.s32 $0xFFFFF800  }
0x8a: {  	[hbm:s16], [sflag:s7] =	dma.local [spmem:s5], $0x800  }
0x8b: {  	_ =	swait.ge [sflag:s20], $0x800  }
0x8c: {  	[sflag:s20] =	ssyncset.done $0x0  }
0x8d: {  	[sflag:s20] =	ssyncadd.s32 $0xFFFFF800  }
0x8e: {  	[hbm:s17], [sflag:s7] =	dma.local [spmem:s8], $0x800  }
0x8f: {  	s31 =	sadd.s32 $0x1, s31;
	_ =	swait.ge [sflag:s20], $0x800  }
0x90: {  	p0 =	sne.s32 s31, s19;
	[sflag:s20] =	ssyncset.done $0x0  }
.Ltmp2:
0x91: {  	[sflag:s20] =	ssyncadd.s32 $0xFFFFF800;
	(pc) =	sbr.rel @p0 .LBB2_1-.Ltmp2, $4  }
0x92: {  	[hbm:s18], [sflag:s7] =	dma.local [spmem:s9], $0x800  }
0x93: {  	_ =	swait.ge [sflag:s20], $0x800  }
0x94: {  	[sflag:s20] =	ssyncset.done $0x0  }
0x95: {  	[sflag:s20] =	ssyncadd.s32 $0xFFFFF800  }
0x96: {  	_ =	sfence.sel $0x180000  }
0x97: {  	[bflag:$0x0] =	sbarrier.arrive $0xFFFF  }
0x98: {  	_ =	strace $0x9000004A  }
0x99: {  	s0 =	stileid.u32;
	[bflag:$0x2] =	sbarrier.arrive $0xFFFF  }
0x9a: {  	p0 =	sne.s32 s0, $0x0;
	s0 =	rddreg [dreg:$0x3]  }
0x9b: {  	s0 =	sadd.s32 @!p0 $0x100000, s0  }
0x9c: {  	[sflag:s0] =	ssyncadd.tile.s32 @!p0 $0x1;
	_ =	shalt  }
.Lfunc_end2:
_tile_overlayer_lowered:
.L_overlay_start_2:
0x9d: {  	(tag) =	ssettag $0x2  }
0x9e: {  	s0 =	rddreg [dreg:$0x0];
	s2 =	stileid.u32  }
0x9f: {  	s1 =	rddreg [dreg:$0x1];
	p0 =	sne.s32 s2, $0x0  }
0xa0: {  	s3 =	rddreg [dreg:$0x2];
	[bflag:$0x3] =	sbarrier.arrive $0xFFFF;
	s2 =	simm.s32 @!p0 $0x1C05  }
0xa1: {  	[timem:s3], [sflag:s2] =	dma.local @!p0 [hbm:s0], s1  }
0xa2: {  	s0 =	simm.s32 @!p0 $0x5  }
0xa3: {  	_ =	swait.ge @!p0 [sflag:s0], s1  }
0xa4: {  	s1 =	ssub.s32 @!p0 $0x0, s1;
	[sflag:s0] =	ssyncset.done @!p0 $0x0  }
0xa5: {  	[sflag:s0] =	ssyncadd.s32 @!p0 s1  }
0xa6: {  	[bflag:$0x3] =	sbarrier.arrive $0xFFFF  }
0xa7: {  	_ =	shalt  }

// kernel: kernel.14.cloned.1.call-start
scs
__scs_entry_jumppad:
0x0: {  	(pc) =	sbr.rel $0x88, $3  }
0x1: {  	(tag) =	ssettag $0x0;
	lr =	simm.s32 $0x1  }
0x2: {  	[smem:$0x3F95] =	sst lr;
	_ =	strace $0xD0000000  }
0x3: {  	_ = 	snop  }
0x4: {  	_ = 	snop  }
0x5: {  	_ = 	snop  }
0x6: {  	_ = 	snop  }
0x7: {  	_ = 	snop  }
__scs_overlays_trampoline_lowered:
0x8: {  	[smem:$0x3FA4] =	sst s0  }
0x9: {  	[smem:$0x3FA5] =	sst s1  }
0xa: {  	[smem:$0x3FA6] =	sst s2  }
0xb: {  	[smem:$0x3FA7] =	sst s3  }
0xc: {  	[smem:$0x3FA8] =	sst s4  }
0xd: {  	[smem:$0x3FA9] =	sst s5  }
0xe: {  	[smem:$0x3FAA] =	sst s6  }
0xf: {  	[smem:$0x3FAB] =	sst s7  }
0x10: {  	[smem:$0x3FAC] =	sst s8  }
0x11: {  	[smem:$0x3FAD] =	sst s9;
	s0 =	simm.s32 @!p0 $0x0  }
0x12: {  	s1 =	sld [smem:$0x3F93];
	s0 =	simm.s32 @p0 $0x1  }
0x13: {  	[smem:$0x3FAE] =	sst s0;
	s0 =	simm.s32 @!p1 $0x0  }
0x14: {  	s2 =	sld [smem:$0x3F92];
	s0 =	simm.s32 @p1 $0x1  }
0x15: {  	[smem:$0x3FAF] =	sst s0;
	s0 =	simm.s32 @!p2 $0x0  }
0x16: {  	s3 =	sld [smem:$0x3FDB];
	s0 =	simm.s32 @p2 $0x1  }
0x17: {  	s4 =	simm.s32 $0x1BF5;
	[smem:$0x3FB1] =	sst s0  }
0x18: {  	s0 =	sld [smem:$0x3F94];
	_ =	swait.ge [sflag:s4], $0x0  }
0x19: {  	s7 =	sld [smem:$0x3F95]  }
0x1a: {  	s8 =	sadd.s32 $0xFFFFE003, lr  }
0x1b: {  	s9 =	sadd.s32 $0xFFFFFEF7, lr;
	s5 =	simm.s32 $0xFFFFFFFF;
	p2 =	slt.u32 s8, $0xFFFFF086  }
0x1c: {  	p1 =	slt.u32 s9, $0xF7A;
	s5 =	simm.s32 @!p2 $0x0  }
0x1d: {  	s5 =	simm.s32 @p1 $0x1;
	p0 =	seq.s32 s7, s2  }
0x1e: {  	s7 =	smul.u32 @!p0 $0xF7A, s2;
	p2 =	seq.s32 @!p0 s5, $0x0  }
0x1f: {  	s9 =	smul.u32 $0xF7A, s1;
	s8 =	simm.s32 @!p0 $0x1BF5;
	p2 =	por !p2, p0  }
0x20: {  	[sflag:s8] =	ssyncset.s32 @!p0 $0xFFFFF086;
	s6 =	sadd.s32 @!p0 s3, s7;
	s7 =	simm.s32 @!p0 $0x108  }
0x21: {  	s3 =	sadd.s32 s3, s9;
	s6 =	sadd.s32 @!p0 $0x88, s6;
	s7 =	simm.s32 @p2 $0x1082  }
0x22: {  	[simem:s7], [sflag:s8] =	dma.local @!p0 [hbm:s6], $0xF7A  }
0x23: {  	s9 =	sor.u32 $0xD0000000, s2;
	s6 =	simm.s32 $0x108;
	_ =	swait.ge @!p0 [sflag:s8], $0x0  }
0x24: {  	s3 =	sadd.s32 $0x88, s3;
	s6 =	simm.s32 @!p1 $0x1082;
	[sflag:s4] =	ssyncset.s32 $0xFFFFF086  }
0x25: {  	[simem:s6], [sflag:s4] =	dma.local [hbm:s3], $0xF7A  }
0x26: {  	[smem:$0x3F95] =	sst s1;
	(tag) =	ssettag s2;
	_ =	strace s9  }
0x27: {  	s1 =	sld [smem:$0x3FA5]  }
0x28: {  	s2 =	sld [smem:$0x3FA6]  }
0x29: {  	s4 =	sld [smem:$0x3FA8]  }
0x2a: {  	p0 =	seq.s32 s5, $0x0;
	s5 =	sld [smem:$0x3FA9]  }
0x2b: {  	s6 =	sld [smem:$0x3FAA]  }
0x2c: {  	s7 =	sld [smem:$0x3FAB]  }
0x2d: {  	s3 =	simm.s32 $0x108;
	s8 =	sld [smem:$0x3FAC]  }
0x2e: {  	s3 =	simm.s32 @!p0 $0x1082;
	s9 =	sld [smem:$0x3FAD]  }
0x2f: {  	lr =	sadd.s32 s0, s3;
	s0 =	sld [smem:$0x3FA4]  }
0x30: {  	s3 =	sld [smem:$0x3FA7]  }
0x31: {  	[smem:$0x3FB0] =	sst s10  }
0x32: {  	s10 =	sld [smem:$0x3FAE];
	_ =	sdelay $0x3  }
0x33: {  	p0 =	seq.s32 s10, $0x1;
	s10 =	sld [smem:$0x3FB0];
	_ =	sdelay $0x3  }
0x34: {  	[smem:$0x3FB0] =	sst s10  }
0x35: {  	s10 =	sld [smem:$0x3FAF];
	_ =	sdelay $0x3  }
0x36: {  	p1 =	seq.s32 s10, $0x1;
	s10 =	sld [smem:$0x3FB0];
	_ =	sdelay $0x3  }
0x37: {  	[smem:$0x3FB0] =	sst s10  }
0x38: {  	s10 =	sld [smem:$0x3FB1]  }
0x39: {  	_ = 	snop;
	(pc) =	sbr.ind lr, $3  }
0x3a: {  	_ = 	snop  }
0x3b: {  	_ = 	snop  }
0x3c: {  	p2 =	seq.s32 s10, $0x1;
	s10 =	sld [smem:$0x3FB0]  }
0x3d: {  	_ =	shalt  }
0x3e: {  	_ =	shalt  }
0x3f: {  	_ =	shalt  }
0x40: {  	_ =	shalt  }
0x41: {  	_ =	shalt  }
0x42: {  	_ =	shalt  }
0x43: {  	_ =	shalt  }
0x44: {  	_ =	shalt  }
0x45: {  	_ =	shalt  }
0x46: {  	_ =	shalt  }
0x47: {  	_ =	shalt  }
0x48: {  	_ =	shalt  }
0x49: {  	_ =	shalt  }
0x4a: {  	_ =	shalt  }
0x4b: {  	_ =	shalt  }
0x4c: {  	_ =	shalt  }
0x4d: {  	_ =	shalt  }
0x4e: {  	_ =	shalt  }
0x4f: {  	_ =	shalt  }
0x50: {  	_ =	shalt  }
0x51: {  	_ =	shalt  }
0x52: {  	_ =	shalt  }
0x53: {  	_ =	shalt  }
0x54: {  	_ =	shalt  }
0x55: {  	_ =	shalt  }
0x56: {  	_ =	shalt  }
0x57: {  	_ =	shalt  }
0x58: {  	_ =	shalt  }
0x59: {  	_ =	shalt  }
0x5a: {  	_ =	shalt  }
0x5b: {  	_ =	shalt  }
0x5c: {  	_ =	shalt  }
0x5d: {  	_ =	shalt  }
0x5e: {  	_ =	shalt  }
0x5f: {  	_ =	shalt  }
0x60: {  	_ =	shalt  }
0x61: {  	_ =	shalt  }
0x62: {  	_ =	shalt  }
0x63: {  	_ =	shalt  }
0x64: {  	_ =	shalt  }
0x65: {  	_ =	shalt  }
0x66: {  	_ =	shalt  }
0x67: {  	_ =	shalt  }
0x68: {  	_ =	shalt  }
0x69: {  	_ =	shalt  }
0x6a: {  	_ =	shalt  }
0x6b: {  	_ =	shalt  }
0x6c: {  	_ =	shalt  }
0x6d: {  	_ =	shalt  }
0x6e: {  	_ =	shalt  }
0x6f: {  	_ =	shalt  }
0x70: {  	_ =	shalt  }
0x71: {  	_ =	shalt  }
0x72: {  	_ =	shalt  }
0x73: {  	_ =	shalt  }
0x74: {  	_ =	shalt  }
0x75: {  	_ =	shalt  }
0x76: {  	_ =	shalt  }
0x77: {  	_ =	shalt  }
0x78: {  	_ =	shalt  }
0x79: {  	_ =	shalt  }
0x7a: {  	_ =	shalt  }
0x7b: {  	_ =	shalt  }
0x7c: {  	_ =	shalt  }
0x7d: {  	_ =	shalt  }
0x7e: {  	_ =	shalt  }
0x7f: {  	_ =	shalt  }
0x80: {  	_ =	shalt  }
0x81: {  	_ =	shalt  }
0x82: {  	_ =	shalt  }
0x83: {  	_ =	shalt  }
0x84: {  	_ =	shalt  }
0x85: {  	_ =	shalt  }
0x86: {  	_ =	shalt  }
0x87: {  	_ =	shalt  }
.Lfunc_end0:
.L_simem_size_0:
called_computation.2_lowered:
.L_overlay_start_0:
0x88: {  	s2 =	sld [smem:$0x3FD9]  }
0x89: {  	s3 =	sld [smem:$0x3FFE];
	_ =	sdelay $0x1  }
0x8a: {  	s1 =	srdreg.scid  }
0x8b: {  	s0 =	sand.u32 $0x1, s1  }
0x8c: {  	s17 =	sshll.u32 s0, $0xA;
	s2 =	sadd.s32 s3, s2  }
0x8d: {  	s2 =	sadd.s32 s2, s17  }
0x8e: {  	[smem:$0x3FBC] =	sst s2  }
0x8f: {  	_ = 	snop  }
0x90: {  	s2 =	sld [smem:$0x3FD0];
	(tm) =	ssettm $0x1  }
0x91: {  	s18 =	sld [smem:$0x3FFB];
	_ =	sdelay $0x3  }
0x92: {  	_ =	strace s18  }
0x93: {  	s3 =	sld [smem:$0x3FFC];
	_ =	sdelay $0x3  }
0x94: {  	_ =	strace s3  }
0x95: {  	s3 =	sld [smem:$0x3FFD];
	_ =	sdelay $0x3  }
0x96: {  	_ =	strace s3  }
0x97: {  	_ =	strace $0x8FFFFFFF  }
0x98: {  	s19 =	sld [smem:$0x3FDB];
	_ =	sdelay $0x1  }
0x99: {  	s4 =	simm.s32 $_scs_section_size  }
0x9a: {  	s5 =	simm.s32 $_size__tile_overlayer_lowered;
	s6 =	simm.s32 $_tile_overlayer_lowered  }
0x9b: {  	s22 =	simm.s32 $0x1BFF;
	s21 =	sshll.u32 s6, $0x1;
	s3 =	sadd.s32 s4, s19  }
0x9c: {  	s7 =	simm.s32 $0x0;
	s20 =	sshll.u32 s5, $0x1;
	s5 =	sadd.s32 s21, s3  }
0x9d: {  	[timem:s7], [sflag:s22] =	dma.local [hbm:s5], s20  }
0x9e: {  	_ =	swait.ge [sflag:s22], s20  }
0x9f: {  	s4 =	ssub.s32 $0x0, s20;
	[sflag:s22] =	ssyncset.done $0x0  }
0xa0: {  	[sflag:s22] =	ssyncadd.s32 s4;
	_ =	sdelay $0x1  }
0xa1: {  	s23 =	simm.s32 $0x1B8B  }
0xa2: {  	_ =	swait.ge [sflag:s23], $0x1  }
0xa3: {  	[sflag:s23] =	ssyncset.done $0x0  }
0xa4: {  	s25 =	simm.s32 $0x1B8E;
	s24 =	sld [smem:$0x3FFE];
	[sflag:s23] =	ssyncadd.s32 $0xFFFFFFFF  }
0xa5: {  	s26 =	simm.s32 $execute0_lowered;
	[smem:$0x3FD2] =	sst s25  }
0xa6: {  	s5 =	sshll.u32 s26, $0x1;
	_ =	strace $0x8000004C;
	[dreg:$0x1] =	wrdreg $0xFFFFFFFF  }
0xa7: {  	s28 =	simm.s32 $_size_execute0_lowered;
	s3 =	sadd.s32 s3, s5;
	[dreg:$0x0] =	wrdreg $0x0  }
0xa8: {  	s5 =	sshll.u32 s28, $0x1;
	[dreg:$0x2] =	wrdreg s3  }
0xa9: {  	[dreg:$0x3] =	wrdreg s5  }
0xaa: {  	[dreg:$0x4] =	wrdreg $0xC0  }
0xab: {  	_ =	task [dreg:s7], $0x5FFFF  }
0xac: {  	[dreg:$0x1] =	wrdreg $0xFFFFFFFF  }
0xad: {  	[dreg:$0x0] =	wrdreg $0x60  }
0xae: {  	[dreg:$0x2] =	wrdreg s24  }
0xaf: {  	[dreg:$0x3] =	wrdreg s2  }
0xb0: {  	[dreg:$0x4] =	wrdreg $0x28000  }
0xb1: {  	[dreg:$0x5] =	wrdreg $0x9  }
0xb2: {  	_ =	task.clear_ibuf [dreg:s7], $0x6FFFF;
	_ =	strace $0x9000004C  }
0xb3: {  	s29 =	simm.s32 $0x9;
	_ =	strace $0x8000004E  }
0xb4: {  	_ =	swait.ge [sflag:s29], $0x1  }
0xb5: {  	[sflag:s29] =	ssyncadd.s32 $0xFFFFFFFF  }
0xb6: {  	_ =	strace $0x9000004E  }
0xb7: {  	_ =	sfence  }
0xb8: {  	s30 =	sld [smem:$0x0];
	_ =	sdelay $0x2  }
0xb9: {  	s31 =	sshll.u32 s1, $0xD;
	s1 =	sshrl.u32 s1, $0x2  }
0xba: {  	s3 =	sand.u32 $0x4000, s31;
	s1 =	sadd.s32 s1, s30  }
0xbb: {  	s0 =	sor.u32 s3, s0;
	s1 =	sshll.u32 s1, $0x11  }
0xbc: {  	s0 =	sor.u32 s1, s0  }
0xbd: {  	s0 =	sadd.s32 $0x8F2B, s0  }
0xbe: {  	[sflag:s0] =	ssyncadd.remote.s32 $0x1  }
0xbf: {  	_ =	sfence.sel $0xFFFF  }
0xc0: {  	[dreg:$0x0] =	wrdreg $0xFFFFFFFF;
	(pc) =	sbr.abs _section_cstart, $3  }
0xc1: {  	[dreg:$0x1] =	wrdreg $0xFFFFFFFF  }
0xc2: {  	_ =	task.clear_ibuf [dreg:s7], $0x2FFFF;
	_ =	strace $0x9FFFFFFF  }
0xc3: {  	(tm) =	ssettm $0x7FFFFFFF  }
tec
execute0_lowered:
.L_overlay_start_1:
0x0: {  	(tag) =	ssettag $0x1  }
0x1: {  	s0 =	rddreg [dreg:$0x0]  }
0x2: {  	s2 =	rddreg [dreg:$0x1]  }
0x3: {  	s1 =	rddreg [dreg:$0x2]  }
0x4: {  	s4 =	srdreg.scid;
	s3 =	simm.s32 $0x0;
	s12 =	stileid.u32  }
0x5: {  	s28 =	simm.s32 $0x180;
	s29 =	simm.s32 $0x3;
	s30 =	simm.s32 $0x4  }
0x6: {  	s31 =	simm.s32 $0x0;
	s5 =	sand.u32 $0x1, s4;
	[smem:$0x7FF] =	sst s3  }
0x7: {  	s8 =	smul.u32 $0x50000, s12;
	s4 =	sadd.s32 $0x5E400, s0;
	s9 =	sadd.s32 $0x86400, s0  }
0x8: {  	s11 =	smul.u32 $0x280, s12;
	s22 =	sshll.u32 s12, $0x6;
	s6 =	ssub.s32 $0x2, s5  }
0x9: {  	_ =	strace $0x8000004D;
	s18 =	sshll.u32 s5, $0x4;
	s5 =	smul.u32 $0x2800, s5  }
0xa: {  	s7 =	sshrl.u32 s6, $0x1;
	s19 =	sshrl.u32 s8, $0x2;
	s20 =	sor.u32 s12, s18  }
0xb: {  	s13 =	sadd.s32 $0x80, s11;
	s16 =	sadd.s32 $0x100, s11;
	s17 =	sadd.s32 $0x180, s11  }
0xc: {  	s18 =	sadd.s32 $0x200, s11;
	s10 =	ssub.s32 s6, s7;
	s21 =	sadd.s32 s19, s1  }
0xd: {  	s6 =	sadd.s32 $0x85C00, s0;
	s7 =	sor.u32 $0x1C05, s22;
	s26 =	smul.u32 $0xA00, s20  }
0xe: {  	s23 =	sshll.u32 s13, $0x7;
	s24 =	sshll.u32 s16, $0x7;
	s8 =	smul.u32 $0x5000, s20  }
0xf: {  	s15 =	sshll.u32 s17, $0x7;
	[dreg:$0x4] =	wrdreg s21;
	s0 =	sadd.s32 s23, s1  }
0x10: {  	s14 =	sshll.u32 s18, $0x7;
	s25 =	sadd.s32 s24, s1;
	[dreg:$0x5] =	wrdreg s0  }
0x11: {  	s22 =	sadd.s32 s5, s13;
	s12 =	sadd.s32 s15, s1;
	[dreg:$0x6] =	wrdreg s25  }
0x12: {  	s19 =	sadd.s32 s14, s1;
	s21 =	sadd.s32 s11, s5;
	[dreg:$0x7] =	wrdreg s12  }
0x13: {  	s24 =	sshll.u32 s22, $0x4;
	s22 =	simm.s32 $0x16800;
	[dreg:$0x8] =	wrdreg s19  }
0x14: {  	s0 =	sadd.s32 s2, s26;
	s20 =	sshrl.u32 s8, $0x3;
	s23 =	sshll.u32 s21, $0x4  }
0x15: {  	s15 =	sadd.s32 s9, s24;
	s25 =	sadd.s32 s5, s16;
	s26 =	sadd.s32 s5, s17  }
0x16: {  	s5 =	sadd.s32 s5, s18;
	s19 =	smax.u32 s10, $0x1;
	s21 =	simm.s32 $0x80  }
0x17: {  	s24 =	simm.s32 $0x1A800;
	[dreg:$0x9] =	wrdreg s0;
	s0 =	sadd.s32 s2, s20  }
0x18: {  	s14 =	sadd.s32 s9, s23;
	s2 =	sshll.u32 s26, $0x4;
	s5 =	sshll.u32 s5, $0x4  }
0x19: {  	s20 =	simm.s32 $0x5;
	s23 =	simm.s32 $0x100;
	s26 =	simm.s32 $0x2  }
0x1a: {  	s13 =	sadd.s32 $0x500, s0;
	s0 =	sshll.u32 s25, $0x4;
	s17 =	sadd.s32 s9, s2  }
0x1b: {  	s18 =	sadd.s32 s9, s5;
	s25 =	simm.s32 $0x1;
	s16 =	sadd.s32 s9, s0  }
.LBB2_1:
0x1c: {  	s0 =	rddreg [dreg:$0x4]  }
0x1d: {  	s0 =	sshrl.u32 s0, $0x3  }
0x1e: {  	[spmem:s0], [sflag:s7] =	dma.local [hbm:s6], $0x800  }
0x1f: {  	_ =	swait.ge [sflag:s20], $0x800  }
0x20: {  	[sflag:s20] =	ssyncset.done $0x0;
	s2 =	rddreg [dreg:$0x5]  }
0x21: {  	[sflag:s20] =	ssyncadd.s32 $0xFFFFF800;
	s2 =	sshrl.u32 s2, $0x3  }
0x22: {  	[spmem:s2], [sflag:s7] =	dma.local [hbm:s6], $0x800  }
0x23: {  	_ =	swait.ge [sflag:s20], $0x800  }
0x24: {  	[sflag:s20] =	ssyncset.done $0x0;
	s5 =	rddreg [dreg:$0x6]  }
0x25: {  	[sflag:s20] =	ssyncadd.s32 $0xFFFFF800;
	s5 =	sshrl.u32 s5, $0x3  }
0x26: {  	[spmem:s5], [sflag:s7] =	dma.local [hbm:s6], $0x800  }
0x27: {  	_ =	swait.ge [sflag:s20], $0x800  }
0x28: {  	[sflag:s20] =	ssyncset.done $0x0;
	s8 =	rddreg [dreg:$0x7]  }
0x29: {  	[sflag:s20] =	ssyncadd.s32 $0xFFFFF800;
	s8 =	sshrl.u32 s8, $0x3  }
0x2a: {  	[spmem:s8], [sflag:s7] =	dma.local [hbm:s6], $0x800  }
0x2b: {  	_ =	swait.ge [sflag:s20], $0x800  }
0x2c: {  	[sflag:s20] =	ssyncset.done $0x0;
	s9 =	rddreg [dreg:$0x8]  }
0x2d: {  	[sflag:s20] =	ssyncadd.s32 $0xFFFFF800;
	s9 =	sshrl.u32 s9, $0x3  }
0x2e: {  	[spmem:s9], [sflag:s7] =	dma.local [hbm:s6], $0x800  }
0x2f: {  	_ =	swait.ge [sflag:s20], $0x800  }
0x30: {  	[sflag:s20] =	ssyncset.done $0x0  }
0x31: {  	s10 =	rddreg [dreg:$0x9];
	[sflag:s20] =	ssyncadd.s32 $0xFFFFF800  }
0x32: {  	[tilespmem:s3], [sflag:$0x5] =	stream.linear.gather [hbm4b:s10+s3], $0x2800, $0x38;
	[tilespmem:$0x1E800] =	vst v63  }
0x33: {  	_ =	swait.ge [sflag:s20], $0x2800  }
0x34: {  	[sflag:s20] =	ssyncset.done $0x0  }
0x35: {  	[sflag:s20] =	ssyncadd.s32 $0xFFFFD800  }
0x36: {  	[bflag:$0x0] =	sbarrier.arrive $0xFFFF  }
0x37: {  	[tilespmem:s22], [sflag:$0x1] =	stream.indirect.gather [hbm4b:s4+s21], $0x80, s3, s21, $0xb8;
	[tilespmem:$0x1E800] =	vst v63  }
0x38: {  	_ = 	snop  }
0x39: {  	[tilespmem:s24], [sflag:$0x2] =	stream.indirect.gather [hbm4b:s4+s21], $0x80, s23, s21, $0xb8;
	[tilespmem:$0x1E800] =	vst v63  }
0x3a: {  	_ =	swait.ge [sflag:s25], $0x4000  }
0x3b: {  	[sflag:s25] =	ssyncset.done $0x0  }
0x3c: {  	[sflag:s25] =	ssyncadd.s32 $0xFFFFC000  }
0x3d: {  	_ =	swait.ge [sflag:s26], $0x4000  }
0x3e: {  	[sflag:s26] =	ssyncset.done $0x0  }
0x3f: {  	[sflag:s26] =	ssyncadd.s32 $0xFFFFC000  }
0x40: {  	[spmem:s1] =	stream.indirect.scatter.add.f32 [tilespmem:s22], [sflag:$0x3], $0x80, s21, s21, $0xb8;
	[tilespmem:$0x1E800] =	vst v63  }
0x41: {  	_ = 	snop  }
0x42: {  	[spmem:s1] =	stream.indirect.scatter.add.f32 [tilespmem:s24], [sflag:$0x4], $0x80, s28, s21, $0xb8;
	[tilespmem:$0x1E800] =	vst v63  }
0x43: {  	_ =	swait.ge [sflag:s29], $0x4000  }
0x44: {  	[sflag:s29] =	ssyncset.done $0x0  }
0x45: {  	s12 =	simm.s32 $0x280;
	[sflag:s29] =	ssyncadd.s32 $0xFFFFC000  }
0x46: {  	[spmem:s1] =	stream.indirect.scatter.add.f32 [tilespmem:s22], [sflag:$0x3], $0x80, s12, s21, $0xb8;
	[tilespmem:$0x1E800] =	vst v63  }
0x47: {  	_ =	swait.ge [sflag:s30], $0x4000  }
0x48: {  	[sflag:s30] =	ssyncset.done $0x0  }
0x49: {  	s11 =	simm.s32 $0x380;
	s10 =	simm.s32 $0xFFFF7000;
	[sflag:s30] =	ssyncadd.s32 $0xFFFFC000  }
.LBB2_2:
0x4a: {  	[spmem:s1] =	stream.indirect.scatter.add.f32 [tilespmem:s24], [sflag:$0x4], $0x80, s11, s21, $0xb8;
	[tilespmem:$0x1E800] =	vst v63  }
0x4b: {  	s11 =	smov.u32 s10  }
0x4c: {  	p0 =	sne.s32 s10, $0xFFFFF800;
	s10 =	sadd.s32 $0x800, s10;
	_ =	swait.ge [sflag:s29], $0x4000  }
0x4d: {  	s11 =	sshra.s32 s11, $0x2;
	[sflag:s29] =	ssyncset.done $0x0  }
.Ltmp0:
0x4e: {  	s12 =	sadd.s32 $0x2880, s11;
	[sflag:s29] =	ssyncadd.s32 $0xFFFFC000;
	(pc) =	sbr.rel @p0 .LBB2_2-.Ltmp0, $4  }
0x4f: {  	[spmem:s1] =	stream.indirect.scatter.add.f32 [tilespmem:s22], [sflag:$0x3], $0x80, s12, s21, $0xb8;
	[tilespmem:$0x1E800] =	vst v63  }
0x50: {  	_ =	swait.ge [sflag:s30], $0x4000  }
0x51: {  	[sflag:s30] =	ssyncset.done $0x0  }
0x52: {  	s11 =	sadd.s32 $0x2980, s11;
	[sflag:s30] =	ssyncadd.s32 $0xFFFFC000  }
0x53: {  	[spmem:s1] =	stream.indirect.scatter.add.f32 [tilespmem:s24], [sflag:$0x4], $0x80, s11, s21, $0xb8;
	[tilespmem:$0x1E800] =	vst v63  }
0x54: {  	_ =	swait.ge [sflag:s29], $0x4000  }
0x55: {  	[sflag:s29] =	ssyncset.done $0x0  }
0x56: {  	[sflag:s29] =	ssyncadd.s32 $0xFFFFC000  }
0x57: {  	_ =	swait.ge [sflag:s30], $0x4000  }
0x58: {  	[sflag:s30] =	ssyncset.done $0x0  }
0x59: {  	[sflag:s30] =	ssyncadd.s32 $0xFFFFC000  }
0x5a: {  	[tilespmem:s3], [sflag:$0x5] =	stream.linear.gather [hbm4b:s13+s3], $0x2800, $0x38;
	[tilespmem:$0x1E800] =	vst v63  }
0x5b: {  	_ =	swait.ge [sflag:s20], $0x2800  }
0x5c: {  	[sflag:s20] =	ssyncset.done $0x0  }
0x5d: {  	[sflag:s20] =	ssyncadd.s32 $0xFFFFD800  }
0x5e: {  	[tilespmem:s22], [sflag:$0x1] =	stream.indirect.gather [hbm4b:s4+s21], $0x80, s3, s21, $0xb8;
	[tilespmem:$0x1E800] =	vst v63  }
0x5f: {  	_ = 	snop  }
0x60: {  	[tilespmem:s24], [sflag:$0x2] =	stream.indirect.gather [hbm4b:s4+s21], $0x80, s23, s21, $0xb8;
	[tilespmem:$0x1E800] =	vst v63  }
0x61: {  	_ =	swait.ge [sflag:s25], $0x4000  }
0x62: {  	[sflag:s25] =	ssyncset.done $0x0  }
0x63: {  	[sflag:s25] =	ssyncadd.s32 $0xFFFFC000  }
0x64: {  	_ =	swait.ge [sflag:s26], $0x4000  }
0x65: {  	[sflag:s26] =	ssyncset.done $0x0  }
0x66: {  	[sflag:s26] =	ssyncadd.s32 $0xFFFFC000  }
0x67: {  	[spmem:s1] =	stream.indirect.scatter.add.f32 [tilespmem:s22], [sflag:$0x3], $0x80, s21, s21, $0xb8;
	[tilespmem:$0x1E800] =	vst v63  }
0x68: {  	_ = 	snop  }
0x69: {  	[spmem:s1] =	stream.indirect.scatter.add.f32 [tilespmem:s24], [sflag:$0x4], $0x80, s28, s21, $0xb8;
	[tilespmem:$0x1E800] =	vst v63  }
0x6a: {  	_ =	swait.ge [sflag:s29], $0x4000  }
0x6b: {  	[sflag:s29] =	ssyncset.done $0x0  }
0x6c: {  	s10 =	simm.s32 $0x280;
	[sflag:s29] =	ssyncadd.s32 $0xFFFFC000  }
0x6d: {  	[spmem:s1] =	stream.indirect.scatter.add.f32 [tilespmem:s22], [sflag:$0x3], $0x80, s10, s21, $0xb8;
	[tilespmem:$0x1E800] =	vst v63  }
0x6e: {  	_ =	swait.ge [sflag:s30], $0x4000  }
0x6f: {  	[sflag:s30] =	ssyncset.done $0x0  }
0x70: {  	s11 =	simm.s32 $0x380;
	s10 =	simm.s32 $0xFFFF7000;
	[sflag:s30] =	ssyncadd.s32 $0xFFFFC000  }
.LBB2_4:
0x71: {  	[spmem:s1] =	stream.indirect.scatter.add.f32 [tilespmem:s24], [sflag:$0x4], $0x80, s11, s21, $0xb8;
	[tilespmem:$0x1E800] =	vst v63  }
0x72: {  	s11 =	smov.u32 s10  }
0x73: {  	p0 =	sne.s32 s10, $0xFFFFF800;
	s10 =	sadd.s32 $0x800, s10;
	_ =	swait.ge [sflag:s29], $0x4000  }
0x74: {  	s11 =	sshra.s32 s11, $0x2;
	[sflag:s29] =	ssyncset.done $0x0  }
.Ltmp1:
0x75: {  	s12 =	sadd.s32 $0x2880, s11;
	[sflag:s29] =	ssyncadd.s32 $0xFFFFC000;
	(pc) =	sbr.rel @p0 .LBB2_4-.Ltmp1, $4  }
0x76: {  	[spmem:s1] =	stream.indirect.scatter.add.f32 [tilespmem:s22], [sflag:$0x3], $0x80, s12, s21, $0xb8;
	[tilespmem:$0x1E800] =	vst v63  }
0x77: {  	_ =	swait.ge [sflag:s30], $0x4000  }
0x78: {  	[sflag:s30] =	ssyncset.done $0x0  }
0x79: {  	s11 =	sadd.s32 $0x2980, s11;
	[sflag:s30] =	ssyncadd.s32 $0xFFFFC000  }
0x7a: {  	[spmem:s1] =	stream.indirect.scatter.add.f32 [tilespmem:s24], [sflag:$0x4], $0x80, s11, s21, $0xb8;
	[tilespmem:$0x1E800] =	vst v63  }
0x7b: {  	_ =	swait.ge [sflag:s29], $0x4000  }
0x7c: {  	[sflag:s29] =	ssyncset.done $0x0  }
0x7d: {  	[sflag:s29] =	ssyncadd.s32 $0xFFFFC000  }
0x7e: {  	_ =	swait.ge [sflag:s30], $0x4000  }
0x7f: {  	[sflag:s30] =	ssyncset.done $0x0  }
0x80: {  	[sflag:s30] =	ssyncadd.s32 $0xFFFFC000  }
0x81: {  	[bflag:$0x0] =	sbarrier.arrive $0xFFFF  }
0x82: {  	[hbm:s14], [sflag:s7] =	dma.local [spmem:s0], $0x800  }
0x83: {  	_ =	swait.ge [sflag:s20], $0x800  }
0x84: {  	[sflag:s20] =	ssyncset.done $0x0  }
0x85: {  	[sflag:s20] =	ssyncadd.s32 $0xFFFFF800  }
0x86: {  	[hbm:s15], [sflag:s7] =	dma.local [spmem:s2], $0x800  }
0x87: {  	_ =	swait.ge [sflag:s20], $0x800  }
0x88: {  	[sflag:s20] =	ssyncset.done $0x0  }
0x89: {  	[sflag:s20] =	ssyncadd.s32 $0xFFFFF800  }
0x8a: {  	[hbm:s16], [sflag:s7] =	dma.local [spmem:s5], $0x800  }
0x8b: {  	_ =	swait.ge [sflag:s20], $0x800  }
0x8c: {  	[sflag:s20] =	ssyncset.done $0x0  }
0x8d: {  	[sflag:s20] =	ssyncadd.s32 $0xFFFFF800  }
0x8e: {  	[hbm:s17], [sflag:s7] =	dma.local [spmem:s8], $0x800  }
0x8f: {  	s31 =	sadd.s32 $0x1, s31;
	_ =	swait.ge [sflag:s20], $0x800  }
0x90: {  	p0 =	sne.s32 s31, s19;
	[sflag:s20] =	ssyncset.done $0x0  }
.Ltmp2:
0x91: {  	[sflag:s20] =	ssyncadd.s32 $0xFFFFF800;
	(pc) =	sbr.rel @p0 .LBB2_1-.Ltmp2, $4  }
0x92: {  	[hbm:s18], [sflag:s7] =	dma.local [spmem:s9], $0x800  }
0x93: {  	_ =	swait.ge [sflag:s20], $0x800  }
0x94: {  	[sflag:s20] =	ssyncset.done $0x0  }
0x95: {  	[sflag:s20] =	ssyncadd.s32 $0xFFFFF800  }
0x96: {  	_ =	sfence.sel $0x180000  }
0x97: {  	[bflag:$0x0] =	sbarrier.arrive $0xFFFF  }
0x98: {  	_ =	strace $0x9000004D  }
0x99: {  	s0 =	stileid.u32;
	[bflag:$0x2] =	sbarrier.arrive $0xFFFF  }
0x9a: {  	p0 =	sne.s32 s0, $0x0;
	s0 =	rddreg [dreg:$0x3]  }
0x9b: {  	s0 =	sadd.s32 @!p0 $0x100000, s0  }
0x9c: {  	[sflag:s0] =	ssyncadd.tile.s32 @!p0 $0x1;
	_ =	shalt  }
.Lfunc_end2:
_tile_overlayer_lowered:
.L_overlay_start_2:
0x9d: {  	(tag) =	ssettag $0x2  }
0x9e: {  	s0 =	rddreg [dreg:$0x0];
	s2 =	stileid.u32  }
0x9f: {  	s1 =	rddreg [dreg:$0x1];
	p0 =	sne.s32 s2, $0x0  }
0xa0: {  	s3 =	rddreg [dreg:$0x2];
	[bflag:$0x3] =	sbarrier.arrive $0xFFFF;
	s2 =	simm.s32 @!p0 $0x1C05  }
0xa1: {  	[timem:s3], [sflag:s2] =	dma.local @!p0 [hbm:s0], s1  }
0xa2: {  	s0 =	simm.s32 @!p0 $0x5  }
0xa3: {  	_ =	swait.ge @!p0 [sflag:s0], s1  }
0xa4: {  	s1 =	ssub.s32 @!p0 $0x0, s1;
	[sflag:s0] =	ssyncset.done @!p0 $0x0  }
0xa5: {  	[sflag:s0] =	ssyncadd.s32 @!p0 s1  }
0xa6: {  	[bflag:$0x3] =	sbarrier.arrive $0xFFFF  }
0xa7: {  	_ =	shalt  }

// kernel: kernel.8.cloned.1.call-start
scs
__scs_entry_jumppad:
0x0: {  	(pc) =	sbr.rel $0x88, $3  }
0x1: {  	(tag) =	ssettag $0x0;
	lr =	simm.s32 $0x1  }
0x2: {  	[smem:$0x3F95] =	sst lr;
	_ =	strace $0xD0000000  }
0x3: {  	_ = 	snop  }
0x4: {  	_ = 	snop  }
0x5: {  	_ = 	snop  }
0x6: {  	_ = 	snop  }
0x7: {  	_ = 	snop  }
__scs_overlays_trampoline_lowered:
0x8: {  	[smem:$0x3FA4] =	sst s0  }
0x9: {  	[smem:$0x3FA5] =	sst s1  }
0xa: {  	[smem:$0x3FA6] =	sst s2  }
0xb: {  	[smem:$0x3FA7] =	sst s3  }
0xc: {  	[smem:$0x3FA8] =	sst s4  }
0xd: {  	[smem:$0x3FA9] =	sst s5  }
0xe: {  	[smem:$0x3FAA] =	sst s6  }
0xf: {  	[smem:$0x3FAB] =	sst s7  }
0x10: {  	[smem:$0x3FAC] =	sst s8  }
0x11: {  	[smem:$0x3FAD] =	sst s9;
	s0 =	simm.s32 @!p0 $0x0  }
0x12: {  	s1 =	sld [smem:$0x3F93];
	s0 =	simm.s32 @p0 $0x1  }
0x13: {  	[smem:$0x3FAE] =	sst s0;
	s0 =	simm.s32 @!p1 $0x0  }
0x14: {  	s2 =	sld [smem:$0x3F92];
	s0 =	simm.s32 @p1 $0x1  }
0x15: {  	[smem:$0x3FAF] =	sst s0;
	s0 =	simm.s32 @!p2 $0x0  }
0x16: {  	s3 =	sld [smem:$0x3FDB];
	s0 =	simm.s32 @p2 $0x1  }
0x17: {  	s4 =	simm.s32 $0x1BF5;
	[smem:$0x3FB1] =	sst s0  }
0x18: {  	s0 =	sld [smem:$0x3F94];
	_ =	swait.ge [sflag:s4], $0x0  }
0x19: {  	s7 =	sld [smem:$0x3F95]  }
0x1a: {  	s8 =	sadd.s32 $0xFFFFE003, lr  }
0x1b: {  	s9 =	sadd.s32 $0xFFFFFEF7, lr;
	s5 =	simm.s32 $0xFFFFFFFF;
	p2 =	slt.u32 s8, $0xFFFFF086  }
0x1c: {  	p1 =	slt.u32 s9, $0xF7A;
	s5 =	simm.s32 @!p2 $0x0  }
0x1d: {  	s5 =	simm.s32 @p1 $0x1;
	p0 =	seq.s32 s7, s2  }
0x1e: {  	s7 =	smul.u32 @!p0 $0xF7A, s2;
	p2 =	seq.s32 @!p0 s5, $0x0  }
0x1f: {  	s9 =	smul.u32 $0xF7A, s1;
	s8 =	simm.s32 @!p0 $0x1BF5;
	p2 =	por !p2, p0  }
0x20: {  	[sflag:s8] =	ssyncset.s32 @!p0 $0xFFFFF086;
	s6 =	sadd.s32 @!p0 s3, s7;
	s7 =	simm.s32 @!p0 $0x108  }
0x21: {  	s3 =	sadd.s32 s3, s9;
	s6 =	sadd.s32 @!p0 $0x88, s6;
	s7 =	simm.s32 @p2 $0x1082  }
0x22: {  	[simem:s7], [sflag:s8] =	dma.local @!p0 [hbm:s6], $0xF7A  }
0x23: {  	s9 =	sor.u32 $0xD0000000, s2;
	s6 =	simm.s32 $0x108;
	_ =	swait.ge @!p0 [sflag:s8], $0x0  }
0x24: {  	s3 =	sadd.s32 $0x88, s3;
	s6 =	simm.s32 @!p1 $0x1082;
	[sflag:s4] =	ssyncset.s32 $0xFFFFF086  }
0x25: {  	[simem:s6], [sflag:s4] =	dma.local [hbm:s3], $0xF7A  }
0x26: {  	[smem:$0x3F95] =	sst s1;
	(tag) =	ssettag s2;
	_ =	strace s9  }
0x27: {  	s1 =	sld [smem:$0x3FA5]  }
0x28: {  	s2 =	sld [smem:$0x3FA6]  }
0x29: {  	s4 =	sld [smem:$0x3FA8]  }
0x2a: {  	p0 =	seq.s32 s5, $0x0;
	s5 =	sld [smem:$0x3FA9]  }
0x2b: {  	s6 =	sld [smem:$0x3FAA]  }
0x2c: {  	s7 =	sld [smem:$0x3FAB]  }
0x2d: {  	s3 =	simm.s32 $0x108;
	s8 =	sld [smem:$0x3FAC]  }
0x2e: {  	s3 =	simm.s32 @!p0 $0x1082;
	s9 =	sld [smem:$0x3FAD]  }
0x2f: {  	lr =	sadd.s32 s0, s3;
	s0 =	sld [smem:$0x3FA4]  }
0x30: {  	s3 =	sld [smem:$0x3FA7]  }
0x31: {  	[smem:$0x3FB0] =	sst s10  }
0x32: {  	s10 =	sld [smem:$0x3FAE];
	_ =	sdelay $0x3  }
0x33: {  	p0 =	seq.s32 s10, $0x1;
	s10 =	sld [smem:$0x3FB0];
	_ =	sdelay $0x3  }
0x34: {  	[smem:$0x3FB0] =	sst s10  }
0x35: {  	s10 =	sld [smem:$0x3FAF];
	_ =	sdelay $0x3  }
0x36: {  	p1 =	seq.s32 s10, $0x1;
	s10 =	sld [smem:$0x3FB0];
	_ =	sdelay $0x3  }
0x37: {  	[smem:$0x3FB0] =	sst s10  }
0x38: {  	s10 =	sld [smem:$0x3FB1]  }
0x39: {  	_ = 	snop;
	(pc) =	sbr.ind lr, $3  }
0x3a: {  	_ = 	snop  }
0x3b: {  	_ = 	snop  }
0x3c: {  	p2 =	seq.s32 s10, $0x1;
	s10 =	sld [smem:$0x3FB0]  }
0x3d: {  	_ =	shalt  }
0x3e: {  	_ =	shalt  }
0x3f: {  	_ =	shalt  }
0x40: {  	_ =	shalt  }
0x41: {  	_ =	shalt  }
0x42: {  	_ =	shalt  }
0x43: {  	_ =	shalt  }
0x44: {  	_ =	shalt  }
0x45: {  	_ =	shalt  }
0x46: {  	_ =	shalt  }
0x47: {  	_ =	shalt  }
0x48: {  	_ =	shalt  }
0x49: {  	_ =	shalt  }
0x4a: {  	_ =	shalt  }
0x4b: {  	_ =	shalt  }
0x4c: {  	_ =	shalt  }
0x4d: {  	_ =	shalt  }
0x4e: {  	_ =	shalt  }
0x4f: {  	_ =	shalt  }
0x50: {  	_ =	shalt  }
0x51: {  	_ =	shalt  }
0x52: {  	_ =	shalt  }
0x53: {  	_ =	shalt  }
0x54: {  	_ =	shalt  }
0x55: {  	_ =	shalt  }
0x56: {  	_ =	shalt  }
0x57: {  	_ =	shalt  }
0x58: {  	_ =	shalt  }
0x59: {  	_ =	shalt  }
0x5a: {  	_ =	shalt  }
0x5b: {  	_ =	shalt  }
0x5c: {  	_ =	shalt  }
0x5d: {  	_ =	shalt  }
0x5e: {  	_ =	shalt  }
0x5f: {  	_ =	shalt  }
0x60: {  	_ =	shalt  }
0x61: {  	_ =	shalt  }
0x62: {  	_ =	shalt  }
0x63: {  	_ =	shalt  }
0x64: {  	_ =	shalt  }
0x65: {  	_ =	shalt  }
0x66: {  	_ =	shalt  }
0x67: {  	_ =	shalt  }
0x68: {  	_ =	shalt  }
0x69: {  	_ =	shalt  }
0x6a: {  	_ =	shalt  }
0x6b: {  	_ =	shalt  }
0x6c: {  	_ =	shalt  }
0x6d: {  	_ =	shalt  }
0x6e: {  	_ =	shalt  }
0x6f: {  	_ =	shalt  }
0x70: {  	_ =	shalt  }
0x71: {  	_ =	shalt  }
0x72: {  	_ =	shalt  }
0x73: {  	_ =	shalt  }
0x74: {  	_ =	shalt  }
0x75: {  	_ =	shalt  }
0x76: {  	_ =	shalt  }
0x77: {  	_ =	shalt  }
0x78: {  	_ =	shalt  }
0x79: {  	_ =	shalt  }
0x7a: {  	_ =	shalt  }
0x7b: {  	_ =	shalt  }
0x7c: {  	_ =	shalt  }
0x7d: {  	_ =	shalt  }
0x7e: {  	_ =	shalt  }
0x7f: {  	_ =	shalt  }
0x80: {  	_ =	shalt  }
0x81: {  	_ =	shalt  }
0x82: {  	_ =	shalt  }
0x83: {  	_ =	shalt  }
0x84: {  	_ =	shalt  }
0x85: {  	_ =	shalt  }
0x86: {  	_ =	shalt  }
0x87: {  	_ =	shalt  }
.Lfunc_end0:
.L_simem_size_0:
called_computation_lowered:
.L_overlay_start_0:
0x88: {  	s2 =	sld [smem:$0x3FD9]  }
0x89: {  	s3 =	sld [smem:$0x3FFE];
	_ =	sdelay $0x1  }
0x8a: {  	s1 =	srdreg.scid  }
0x8b: {  	s0 =	sand.u32 $0x1, s1  }
0x8c: {  	s16 =	sshll.u32 s0, $0xA;
	s2 =	sadd.s32 s3, s2  }
0x8d: {  	s2 =	sadd.s32 s2, s16  }
0x8e: {  	[smem:$0x3FBC] =	sst s2  }
0x8f: {  	_ = 	snop  }
0x90: {  	(tm) =	ssettm $0x1  }
0x91: {  	s17 =	sld [smem:$0x3FFB];
	_ =	sdelay $0x3  }
0x92: {  	_ =	strace s17  }
0x93: {  	s2 =	sld [smem:$0x3FFC];
	_ =	sdelay $0x3  }
0x94: {  	_ =	strace s2  }
0x95: {  	s2 =	sld [smem:$0x3FFD];
	_ =	sdelay $0x3  }
0x96: {  	_ =	strace s2  }
0x97: {  	_ =	strace $0x8FFFFFFF  }
0x98: {  	s18 =	sld [smem:$0x3FDB];
	_ =	sdelay $0x1  }
0x99: {  	s19 =	simm.s32 $_scs_section_size  }
0x9a: {  	s4 =	simm.s32 $_size__tile_overlayer_lowered;
	s5 =	simm.s32 $_tile_overlayer_lowered  }
0x9b: {  	s22 =	simm.s32 $0x1BFF;
	s21 =	sshll.u32 s5, $0x1;
	s2 =	sadd.s32 s19, s18  }
0x9c: {  	s6 =	simm.s32 $0x0;
	s20 =	sshll.u32 s4, $0x1;
	s4 =	sadd.s32 s21, s2  }
0x9d: {  	[timem:s6], [sflag:s22] =	dma.local [hbm:s4], s20  }
0x9e: {  	_ =	swait.ge [sflag:s22], s20  }
0x9f: {  	s3 =	ssub.s32 $0x0, s20;
	[sflag:s22] =	ssyncset.done $0x0  }
0xa0: {  	[sflag:s22] =	ssyncadd.s32 s3;
	_ =	sdelay $0x1  }
0xa1: {  	s23 =	simm.s32 $0x1B8B  }
0xa2: {  	_ =	swait.ge [sflag:s23], $0x1  }
0xa3: {  	[sflag:s23] =	ssyncset.done $0x0  }
0xa4: {  	s25 =	simm.s32 $0x1B8E;
	s24 =	sld [smem:$0x3FFE];
	[sflag:s23] =	ssyncadd.s32 $0xFFFFFFFF  }
0xa5: {  	s26 =	simm.s32 $execute0_lowered;
	[smem:$0x3FD2] =	sst s25  }
0xa6: {  	s4 =	sshll.u32 s26, $0x1;
	_ =	strace $0x80000046;
	[dreg:$0x1] =	wrdreg $0xFFFFFFFF  }
0xa7: {  	s28 =	simm.s32 $_size_execute0_lowered;
	s2 =	sadd.s32 s2, s4;
	[dreg:$0x0] =	wrdreg $0x0  }
0xa8: {  	s4 =	sshll.u32 s28, $0x1;
	[dreg:$0x2] =	wrdreg s2  }
0xa9: {  	[dreg:$0x3] =	wrdreg s4  }
0xaa: {  	[dreg:$0x4] =	wrdreg $0xC0  }
0xab: {  	_ =	task [dreg:s6], $0x5FFFF  }
0xac: {  	[dreg:$0x1] =	wrdreg $0xFFFFFFFF  }
0xad: {  	[dreg:$0x0] =	wrdreg $0x60  }
0xae: {  	[dreg:$0x2] =	wrdreg s24  }
0xaf: {  	[dreg:$0x3] =	wrdreg $0x68000  }
0xb0: {  	[dreg:$0x4] =	wrdreg $0x9  }
0xb1: {  	_ =	task.clear_ibuf [dreg:s6], $0x5FFFF;
	_ =	strace $0x90000046  }
0xb2: {  	s29 =	simm.s32 $0x9;
	_ =	strace $0x80000048  }
0xb3: {  	_ =	swait.ge [sflag:s29], $0x1  }
0xb4: {  	[sflag:s29] =	ssyncadd.s32 $0xFFFFFFFF  }
0xb5: {  	_ =	strace $0x90000048  }
0xb6: {  	_ =	sfence  }
0xb7: {  	s30 =	sld [smem:$0x0];
	_ =	sdelay $0x2  }
0xb8: {  	s31 =	sshll.u32 s1, $0xD;
	s1 =	sshrl.u32 s1, $0x2  }
0xb9: {  	s3 =	sand.u32 $0x4000, s31;
	s1 =	sadd.s32 s1, s30  }
0xba: {  	s0 =	sor.u32 s3, s0;
	s1 =	sshll.u32 s1, $0x11  }
0xbb: {  	s0 =	sor.u32 s1, s0  }
0xbc: {  	s0 =	sadd.s32 $0x8F2B, s0  }
0xbd: {  	[sflag:s0] =	ssyncadd.remote.s32 $0x1  }
0xbe: {  	_ =	sfence.sel $0xFFFF  }
0xbf: {  	[dreg:$0x0] =	wrdreg $0xFFFFFFFF;
	(pc) =	sbr.abs _section_cstart, $3  }
0xc0: {  	[dreg:$0x1] =	wrdreg $0xFFFFFFFF  }
0xc1: {  	_ =	task.clear_ibuf [dreg:s6], $0x2FFFF;
	_ =	strace $0x9FFFFFFF  }
0xc2: {  	(tm) =	ssettm $0x7FFFFFFF  }
0xc3: {  	_ =	shalt  }
tec
execute0_lowered:
.L_overlay_start_1:
0x0: {  	(tag) =	ssettag $0x1  }
0x1: {  	s5 =	rddreg [dreg:$0x0]  }
0x2: {  	s0 =	srdreg.scid;
	s2 =	rddreg [dreg:$0x1];
	s3 =	simm.s32 $0x0  }
0x3: {  	s22 =	simm.s32 $0x1;
	s23 =	simm.s32 $0x2;
	s8 =	sand.u32 $0x1, s0  }
0x4: {  	s0 =	stileid.u32;
	[smem:$0x7FF] =	sst s3;
	s16 =	sadd.s32 $0xE400, s5  }
0x5: {  	s1 =	sshll.u32 s8, $0x4;
	_ =	strace $0x80000047;
	s6 =	smul.u32 $0x50000, s0  }
0x6: {  	s7 =	ssub.s32 $0x2, s8;
	s10 =	smul.u32 $0x280, s0;
	s24 =	sshll.u32 s0, $0x6  }
0x7: {  	s19 =	smul.u32 $0x2800, s8;
	s4 =	sor.u32 s0, s1;
	s9 =	sshrl.u32 s7, $0x1  }
0x8: {  	s4 =	smul.u32 $0x500, s4;
	s6 =	sshrl.u32 s6, $0x2;
	s17 =	ssub.s32 s7, s9  }
0x9: {  	s12 =	sadd.s32 $0x80, s10;
	s14 =	sadd.s32 $0x100, s10;
	s15 =	sadd.s32 $0x180, s10  }
0xa: {  	s20 =	sadd.s32 $0x200, s10;
	s21 =	sadd.s32 s10, s19;
	s18 =	sadd.s32 s6, s2  }
0xb: {  	s25 =	sshll.u32 s12, $0x7;
	s6 =	sor.u32 $0x1C03, s24;
	s26 =	sshll.u32 s14, $0x7  }
0xc: {  	s28 =	sshll.u32 s15, $0x7;
	s13 =	sshll.u32 s20, $0x7;
	s29 =	sshll.u32 s21, $0x4  }
0xd: {  	s30 =	sadd.s32 s19, s12;
	s14 =	sadd.s32 s19, s14;
	s15 =	sadd.s32 s19, s15  }
0xe: {  	s19 =	sadd.s32 s19, s20;
	s17 =	smax.u32 s17, $0x1;
	s20 =	simm.s32 $0x2800  }
0xf: {  	s21 =	simm.s32 $0x80;
	s24 =	simm.s32 $0x0;
	s11 =	sadd.s32 s4, s5  }
0x10: {  	s4 =	sadd.s32 $0xD400, s5;
	s5 =	sadd.s32 $0xDC00, s5;
	s7 =	sadd.s32 s25, s2  }
0x11: {  	s8 =	sadd.s32 s26, s2;
	s9 =	sadd.s32 s28, s2;
	s10 =	sadd.s32 s13, s2  }
0x12: {  	s12 =	sadd.s32 s16, s29;
	s31 =	sshll.u32 s30, $0x4;
	s14 =	sshll.u32 s14, $0x4  }
0x13: {  	s15 =	sshll.u32 s15, $0x4;
	s19 =	sshll.u32 s19, $0x4;
	s18 =	sshrl.u32 s18, $0x3  }
0x14: {  	s11 =	sadd.s32 $0x3400, s11;
	s13 =	sadd.s32 s16, s31;
	s14 =	sadd.s32 s16, s14  }
0x15: {  	s15 =	sadd.s32 s16, s15;
	s16 =	sadd.s32 s16, s19;
	s19 =	simm.s32 $0x3  }
.LBB2_1:
0x16: {  	[spmem:s18], [sflag:s6] =	dma.local [hbm:s5], $0x800  }
0x17: {  	_ =	swait.ge [sflag:s19], $0x800  }
0x18: {  	[sflag:s19] =	ssyncset.done $0x0  }
0x19: {  	s25 =	sshrl.u32 s7, $0x3;
	[sflag:s19] =	ssyncadd.s32 $0xFFFFF800  }
0x1a: {  	[spmem:s25], [sflag:s6] =	dma.local [hbm:s5], $0x800  }
0x1b: {  	_ =	swait.ge [sflag:s19], $0x800  }
0x1c: {  	[sflag:s19] =	ssyncset.done $0x0  }
0x1d: {  	s26 =	sshrl.u32 s8, $0x3;
	[sflag:s19] =	ssyncadd.s32 $0xFFFFF800  }
0x1e: {  	[spmem:s26], [sflag:s6] =	dma.local [hbm:s5], $0x800  }
0x1f: {  	_ =	swait.ge [sflag:s19], $0x800  }
0x20: {  	[sflag:s19] =	ssyncset.done $0x0  }
0x21: {  	s28 =	sshrl.u32 s9, $0x3;
	[sflag:s19] =	ssyncadd.s32 $0xFFFFF800  }
0x22: {  	[spmem:s28], [sflag:s6] =	dma.local [hbm:s5], $0x800  }
0x23: {  	_ =	swait.ge [sflag:s19], $0x800  }
0x24: {  	[sflag:s19] =	ssyncset.done $0x0  }
0x25: {  	s29 =	sshrl.u32 s10, $0x3;
	[sflag:s19] =	ssyncadd.s32 $0xFFFFF800  }
0x26: {  	[spmem:s29], [sflag:s6] =	dma.local [hbm:s5], $0x800  }
0x27: {  	_ =	swait.ge [sflag:s19], $0x800  }
0x28: {  	[sflag:s19] =	ssyncset.done $0x0  }
0x29: {  	[sflag:s19] =	ssyncadd.s32 $0xFFFFF800  }
0x2a: {  	[tilespmem:s20], [sflag:$0x3] =	stream.linear.gather [hbm4b:s4+s3], $0x4000, $0x38;
	[tilespmem:$0x9000] =	vst v63  }
0x2b: {  	_ =	swait.ge [sflag:s19], $0x4000  }
0x2c: {  	[sflag:s19] =	ssyncset.done $0x0  }
0x2d: {  	[sflag:s19] =	ssyncadd.s32 $0xFFFFC000  }
0x2e: {  	[tilespmem:s3], [sflag:$0x3] =	stream.linear.gather [hbm4b:s11+s3], $0x2800, $0x38;
	[tilespmem:$0x9000] =	vst v63  }
0x2f: {  	_ =	swait.ge [sflag:s19], $0x2800  }
0x30: {  	[sflag:s19] =	ssyncset.done $0x0  }
0x31: {  	[sflag:s19] =	ssyncadd.s32 $0xFFFFD800  }
0x32: {  	[bflag:$0x0] =	sbarrier.arrive $0xFFFF  }
0x33: {  	[spmem:s2] =	stream.indirect.scatter.add.f32 [tilespmem:s20], [sflag:$0x1], $0x10, s3, s21, $0xb8;
	[tilespmem:$0x9000] =	vst v63  }
0x34: {  	_ = 	snop  }
0x35: {  	[spmem:s2] =	stream.indirect.scatter.add.f32 [tilespmem:s20], [sflag:$0x2], $0x10, s21, s21, $0xb8;
	[tilespmem:$0x9000] =	vst v63  }
0x36: {  	_ =	swait.ge [sflag:s22], $0x800  }
0x37: {  	[sflag:s22] =	ssyncset.done $0x0  }
0x38: {  	s30 =	simm.s32 $0x100;
	[sflag:s22] =	ssyncadd.s32 $0xFFFFF800  }
0x39: {  	[spmem:s2] =	stream.indirect.scatter.add.f32 [tilespmem:s20], [sflag:$0x1], $0x10, s30, s21, $0xb8;
	[tilespmem:$0x9000] =	vst v63  }
0x3a: {  	_ =	swait.ge [sflag:s23], $0x800  }
0x3b: {  	[sflag:s23] =	ssyncset.done $0x0  }
0x3c: {  	s31 =	simm.s32 $0x180;
	s30 =	simm.s32 $0xFFFF6800;
	[sflag:s23] =	ssyncadd.s32 $0xFFFFF800  }
.LBB2_2:
0x3d: {  	[spmem:s2] =	stream.indirect.scatter.add.f32 [tilespmem:s20], [sflag:$0x2], $0x10, s31, s21, $0xb8;
	[tilespmem:$0x9000] =	vst v63  }
0x3e: {  	s31 =	smov.u32 s30  }
0x3f: {  	p0 =	sne.s32 s30, $0xFFFFFC00;
	s30 =	sadd.s32 $0x400, s30;
	_ =	swait.ge [sflag:s22], $0x800  }
0x40: {  	s31 =	sshra.s32 s31, $0x2;
	[sflag:s22] =	ssyncset.done $0x0  }
.Ltmp0:
0x41: {  	s1 =	sadd.s32 $0x2800, s31;
	[sflag:s22] =	ssyncadd.s32 $0xFFFFF800;
	(pc) =	sbr.rel @p0 .LBB2_2-.Ltmp0, $4  }
0x42: {  	[spmem:s2] =	stream.indirect.scatter.add.f32 [tilespmem:s20], [sflag:$0x1], $0x10, s1, s21, $0xb8;
	[tilespmem:$0x9000] =	vst v63  }
0x43: {  	_ =	swait.ge [sflag:s23], $0x800  }
0x44: {  	[sflag:s23] =	ssyncset.done $0x0  }
0x45: {  	s31 =	sadd.s32 $0x2880, s31;
	[sflag:s23] =	ssyncadd.s32 $0xFFFFF800  }
0x46: {  	[spmem:s2] =	stream.indirect.scatter.add.f32 [tilespmem:s20], [sflag:$0x2], $0x10, s31, s21, $0xb8;
	[tilespmem:$0x9000] =	vst v63  }
0x47: {  	_ =	swait.ge [sflag:s22], $0x800  }
0x48: {  	[sflag:s22] =	ssyncset.done $0x0  }
0x49: {  	[sflag:s22] =	ssyncadd.s32 $0xFFFFF800  }
0x4a: {  	_ =	swait.ge [sflag:s23], $0x800  }
0x4b: {  	[sflag:s23] =	ssyncset.done $0x0  }
0x4c: {  	[sflag:s23] =	ssyncadd.s32 $0xFFFFF800  }
0x4d: {  	[bflag:$0x0] =	sbarrier.arrive $0xFFFF  }
0x4e: {  	[hbm:s12], [sflag:s6] =	dma.local [spmem:s18], $0x800  }
0x4f: {  	_ =	swait.ge [sflag:s19], $0x800  }
0x50: {  	[sflag:s19] =	ssyncset.done $0x0  }
0x51: {  	[sflag:s19] =	ssyncadd.s32 $0xFFFFF800  }
0x52: {  	[hbm:s13], [sflag:s6] =	dma.local [spmem:s25], $0x800  }
0x53: {  	_ =	swait.ge [sflag:s19], $0x800  }
0x54: {  	[sflag:s19] =	ssyncset.done $0x0  }
0x55: {  	[sflag:s19] =	ssyncadd.s32 $0xFFFFF800  }
0x56: {  	[hbm:s14], [sflag:s6] =	dma.local [spmem:s26], $0x800  }
0x57: {  	_ =	swait.ge [sflag:s19], $0x800  }
0x58: {  	[sflag:s19] =	ssyncset.done $0x0  }
0x59: {  	[sflag:s19] =	ssyncadd.s32 $0xFFFFF800  }
0x5a: {  	[hbm:s15], [sflag:s6] =	dma.local [spmem:s28], $0x800  }
0x5b: {  	s24 =	sadd.s32 $0x1, s24;
	_ =	swait.ge [sflag:s19], $0x800  }
0x5c: {  	p0 =	sne.s32 s24, s17;
	[sflag:s19] =	ssyncset.done $0x0  }
.Ltmp1:
0x5d: {  	[sflag:s19] =	ssyncadd.s32 $0xFFFFF800;
	(pc) =	sbr.rel @p0 .LBB2_1-.Ltmp1, $4  }
0x5e: {  	[hbm:s16], [sflag:s6] =	dma.local [spmem:s29], $0x800  }
0x5f: {  	_ =	swait.ge [sflag:s19], $0x800  }
0x60: {  	[sflag:s19] =	ssyncset.done $0x0  }
0x61: {  	[sflag:s19] =	ssyncadd.s32 $0xFFFFF800  }
0x62: {  	_ =	sfence.sel $0x180000  }
0x63: {  	[bflag:$0x0] =	sbarrier.arrive $0xFFFF  }
0x64: {  	_ =	strace $0x90000047  }
0x65: {  	[bflag:$0x2] =	sbarrier.arrive $0xFFFF  }
0x66: {  	p0 =	sne.s32 s0, $0x0;
	s0 =	rddreg [dreg:$0x2]  }
0x67: {  	s0 =	sadd.s32 @!p0 $0x100000, s0  }
0x68: {  	[sflag:s0] =	ssyncadd.tile.s32 @!p0 $0x1;
	_ =	shalt  }
.Lfunc_end2:
_tile_overlayer_lowered:
.L_overlay_start_2:
0x69: {  	(tag) =	ssettag $0x2  }
0x6a: {  	s0 =	rddreg [dreg:$0x0];
	s2 =	stileid.u32  }
0x6b: {  	s1 =	rddreg [dreg:$0x1];
	p0 =	sne.s32 s2, $0x0  }
0x6c: {  	s3 =	rddreg [dreg:$0x2];
	[bflag:$0x3] =	sbarrier.arrive $0xFFFF;
	s2 =	simm.s32 @!p0 $0x1C03  }
0x6d: {  	[timem:s3], [sflag:s2] =	dma.local @!p0 [hbm:s0], s1  }
0x6e: {  	s0 =	simm.s32 @!p0 $0x3  }
0x6f: {  	_ =	swait.ge @!p0 [sflag:s0], s1  }
0x70: {  	s1 =	ssub.s32 @!p0 $0x0, s1;
	[sflag:s0] =	ssyncset.done @!p0 $0x0  }
0x71: {  	[sflag:s0] =	ssyncadd.s32 @!p0 s1  }
0x72: {  	[bflag:$0x3] =	sbarrier.arrive $0xFFFF  }
0x73: {  	_ =	shalt  }

</sc_bundles>
